<compile_context>
chip_gen: v7x
topology: tpu7x:2x2x1
jax: 0.10.2.dev20260603
libtpu: 0.0.44.dev20260713+nightly
codegen_flags: <defaults>
</compile_context>

<pallas_src>
import functools

import jax
import jax.numpy as jnp
from jax import lax
from jax.experimental import pallas as pl
from jax.experimental.pallas import tpu as pltpu
from jax.experimental.pallas import tpu_sc as plsc

B = 4096
D = 128
NVF = 9
HEXB = 16
F = NVF * HEXB
VOCAB = 1000

_NC = 2
_NS = 16
_NW = _NC * _NS
_BPW = B // _NW
_CHUNK = 64
_NCHUNK = _BPW // _CHUNK


def _sc_partial(idx_w, t_sp, t_ab, t_it, t_sd, t_ac):
  mesh = plsc.VectorSubcoreMesh(core_axis_name="c", subcore_axis_name="s")

  @functools.partial(
      pl.kernel,
      mesh=mesh,
      out_type=jax.ShapeDtypeStruct((B, D), jnp.float32),
      scratch_types=[
          pltpu.VMEM((8, _BPW), jnp.int32),
          pltpu.VMEM((8, _CHUNK, D), jnp.float32),
          pltpu.VMEM((_BPW, D), jnp.float32),
          pltpu.VMEM_SHARED((VOCAB, D), jnp.float32),
          pltpu.VMEM_SHARED((VOCAB, D), jnp.float32),
          pltpu.VMEM_SHARED((VOCAB, D), jnp.float32),
          pltpu.VMEM_SHARED((VOCAB, D), jnp.float32),
          pltpu.VMEM_SHARED((2, D), jnp.float32),
          pltpu.SemaphoreType.DMA,
      ],
  )
  def k(idx_hbm, sp, ab, it, sd, ac, out_hbm, idx_v, rbuf, obuf,
        m_sp, m_ab, m_it, m_ac, m_sd, gsem):
    cid = lax.axis_index("c")
    sid = lax.axis_index("s")
    wid = sid * _NC + cid
    base = wid * _BPW
    icps = [
        pltpu.async_copy(idx_hbm.at[j, pl.ds(base, _BPW)], idx_v.at[j], gsem)
        for j in range(8)
    ]
    for j, (hsrc, mdst) in enumerate(
        [(sp, m_sp), (ab, m_ab), (it, m_it), (sd, m_sd), (ac, m_ac)]):
      @pl.when(sid == j)
      def _():
        pltpu.sync_copy(hsrc, mdst)
    for cp in icps:
      cp.wait()
    plsc.subcore_barrier()
    tbls = [m_sp, m_ab, m_it, m_sd, m_ac, m_ac, m_ac, m_ac]
    for ch in range(_NCHUNK):
      off = ch * _CHUNK
      cps = [
          pltpu.async_copy(tbls[j].at[idx_v.at[j, pl.ds(off, _CHUNK)]],
                           rbuf.at[j], gsem)
          for j in range(8)
      ]
      for cp in cps:
        cp.wait()

      def row(e, carry):
        for cb in range(D // 16):
          co = cb * 16
          m = (rbuf[4, e, pl.ds(co, 16)] + rbuf[5, e, pl.ds(co, 16)]
               + rbuf[6, e, pl.ds(co, 16)] + rbuf[7, e, pl.ds(co, 16)])
          v = (jnp.maximum(rbuf[0, e, pl.ds(co, 16)], 0.0)
               + jnp.maximum(rbuf[1, e, pl.ds(co, 16)], 0.0)
               + jnp.maximum(rbuf[2, e, pl.ds(co, 16)], 0.0)
               + jnp.maximum(rbuf[3, e, pl.ds(co, 16)], 0.0)
               + jnp.maximum(m * 0.25, 0.0))
          obuf[off + e, pl.ds(co, 16)] = v
        return carry

      lax.fori_loop(0, _CHUNK, row, 0)
    pltpu.sync_copy(obuf, out_hbm.at[pl.ds(base, _BPW)])

  return k(idx_w, t_sp, t_ab, t_it, t_sd, t_ac)


_BLK = 2048


def _tc_hex(volatiles, w_hex):

  def body(v_ref, wh_ref, o_ref):
    bitpos = lax.broadcasted_iota(jnp.int32, (_BLK, HEXB), 1)
    feats = jnp.concatenate(
        [jnp.bitwise_and(
            lax.shift_right_logical(v_ref[:, f:f + 1], bitpos), 1)
         for f in range(NVF)], axis=1).astype(jnp.float32)
    o_ref[...] = jnp.dot(feats, wh_ref[...],
                         preferred_element_type=jnp.float32)

  return pl.pallas_call(
      body,
      grid=(B // _BLK,),
      in_specs=[
          pl.BlockSpec((_BLK, NVF), lambda i: (i, 0)),
          pl.BlockSpec((F, D), lambda i: (0, 0)),
      ],
      out_specs=pl.BlockSpec((_BLK, D), lambda i: (i, 0)),
      out_shape=jax.ShapeDtypeStruct((B, D), jnp.float32),
  )(volatiles, w_hex)


def _tc_final(partial, hexe, species2d, w_out, b2d):

  def body(part_ref, hx_ref, sp_ref, wo_ref, b_ref, o_ref):
    ssum = part_ref[...] + hx_ref[...]
    out = jnp.maximum(
        jnp.dot(ssum, wo_ref[...], preferred_element_type=jnp.float32)
        + b_ref[...], 0.0)
    o_ref[...] = jnp.where(sp_ref[...] != 0, out, 0.0)

  return pl.pallas_call(
      body,
      grid=(B // _BLK,),
      in_specs=[
          pl.BlockSpec((_BLK, D), lambda i: (i, 0)),
          pl.BlockSpec((_BLK, D), lambda i: (i, 0)),
          pl.BlockSpec((_BLK, 1), lambda i: (i, 0)),
          pl.BlockSpec((D, D), lambda i: (0, 0)),
          pl.BlockSpec((1, D), lambda i: (0, 0)),
      ],
      out_specs=pl.BlockSpec((_BLK, D), lambda i: (i, 0)),
      out_shape=jax.ShapeDtypeStruct((B, D), jnp.float32),
  )(partial, hexe, species2d, w_out, b2d)


def kernel(species_idx, ability_idx, item_idx, side_idx, move_ids, volatiles,
           species_table, abilities_table, items_table, actions_table,
           side_table, W_hex, W_out, b_out):
  sp = species_idx.astype(jnp.int32)
  idx_all = jnp.stack([
      sp,
      ability_idx.astype(jnp.int32),
      item_idx.astype(jnp.int32),
      side_idx.astype(jnp.int32),
      move_ids[:, 0].astype(jnp.int32),
      move_ids[:, 1].astype(jnp.int32),
      move_ids[:, 2].astype(jnp.int32),
      move_ids[:, 3].astype(jnp.int32),
  ])
  partial = _sc_partial(idx_all, species_table, abilities_table, items_table,
                        side_table, actions_table)
  hexe = _tc_hex(volatiles.astype(jnp.int32), W_hex)
  return _tc_final(partial, hexe, sp[:, None], W_out, b_out[None, :])

# --- scband reference (transcript-rebuilt; emitter-appended) ---
"""Pipeline reference for scband-encoder-1752346657629 (READ-ONLY COPY).

The authoritative reference and input builder live on the scoring server;
editing this copy changes nothing except your own understanding.
"""

import jax, jax.numpy as jnp
import numpy as np

B = 4096
D = 128  # entity_size
NUM_SPECIES = 1000
NUM_ABILITIES = 1000
NUM_ITEMS = 1000
NUM_ACTIONS = 1000
NUM_VOLATILE_FIELDS = 9
HEX_BITS = 16


def hex_encode(v):
    # BinaryEncoder(num_bits=16): expand uint16 values into 16 binary features
    bits = jnp.bitwise_and(
        jnp.right_shift(v[..., None].astype(jnp.int32), jnp.arange(HEX_BITS, dtype=jnp.int32)), 1
    )
    return bits.astype(jnp.float32)


def setup_inputs(seed: int = 0) -> dict:
    key = jax.random.key(seed)
    ks = jax.random.split(key, 14)
    inp = {
        # forward index inputs (token features of each entity)
        "species_idx": jax.random.randint(ks[0], (B,), 0, NUM_SPECIES, dtype=jnp.int32).astype(jnp.int64),
        "ability_idx": jax.random.randint(ks[1], (B,), 0, NUM_ABILITIES, dtype=jnp.int32).astype(jnp.int64),
        "item_idx": jax.random.randint(ks[2], (B,), 0, NUM_ITEMS, dtype=jnp.int32).astype(jnp.int64),
        "side_idx": jax.random.randint(ks[3], (B,), 0, 2, dtype=jnp.int32).astype(jnp.int64),
        "move_ids": jax.random.randint(ks[4], (B, 4), 0, NUM_ACTIONS, dtype=jnp.int32).astype(jnp.int64),
        "volatiles": jax.random.randint(ks[5], (B, NUM_VOLATILE_FIELDS), 0, 65536, dtype=jnp.int32).astype(jnp.int64),
        # learned parameters (nn.Embed tables + SumEmbeddings projection)
        "species_table": jax.random.normal(ks[6], (NUM_SPECIES, D), dtype=jnp.float32) * 0.02,
        "abilities_table": jax.random.normal(ks[7], (NUM_ABILITIES, D), dtype=jnp.float32) * 0.02,
        "items_table": jax.random.normal(ks[8], (NUM_ITEMS, D), dtype=jnp.float32) * 0.02,
        "actions_table": jax.random.normal(ks[9], (NUM_ACTIONS, D), dtype=jnp.float32) * 0.02,
        "side_table": jax.random.normal(ks[10], (2, D), dtype=jnp.float32) * 0.02,
        "W_hex": jax.random.normal(ks[11], (NUM_VOLATILE_FIELDS * HEX_BITS, D), dtype=jnp.float32) * 0.02,
        "W_out": jax.random.normal(ks[12], (D, D), dtype=jnp.float32) * 0.05,
        "b_out": jnp.zeros((D,), dtype=jnp.float32),
    }
    return inp


def reference(species_idx, ability_idx, item_idx, side_idx, move_ids, volatiles,
              species_table, abilities_table, items_table, actions_table, side_table,
              W_hex, W_out, b_out):
    # _encode_entity, vmapped over the entity batch (vectorized here directly)
    act = jax.nn.relu
    species_emb = act(jnp.take(species_table, species_idx, axis=0))          # gather [B, D]
    ability_emb = act(jnp.take(abilities_table, ability_idx, axis=0))        # gather [B, D]
    item_emb = act(jnp.take(items_table, item_idx, axis=0))                  # gather [B, D]
    side_emb = act(jnp.take(side_table, side_idx, axis=0))                   # gather [B, D]
    # moveset: 4 action-id lookups summed, scaled by 1/4
    moveset_emb = act(jnp.take(actions_table, move_ids.reshape(-1), axis=0).reshape(B, 4, D).sum(axis=1) / 4.0)
    # HEX_ENCODER on volatiles bitfields -> [B, 9*16] binary features, projected
    volatiles_feats = hex_encode(volatiles).reshape(B, NUM_VOLATILE_FIELDS * HEX_BITS)
    hex_emb = volatiles_feats @ W_hex
    # SumEmbeddings aggregate + output projection
    summed = species_emb + ability_emb + item_emb + side_emb + moveset_emb + hex_emb
    embedding = act(summed @ W_out + b_out)
    # entity mask: species token 0 treated as NULL/PAD
    mask = jnp.not_equal(species_idx, 0)
    embedding = jnp.where(mask[:, None], embedding, 0.0)
    return embedding

if __name__ == "__main__":
    import jax
    _d = setup_inputs()
    print(jax.jit(kernel)(*tuple(_d.values())))

</pallas_src>

<mosaic_0001>
#map = affine_map<(d0, d1) -> (0, 0)>
module attributes {stable_mosaic.version = 14 : i64} {
  func.func @k(%arg0: i32, %arg1: i32, %arg2: memref<8x4096xi32, #tpu.memory_space<hbm>>, %arg3: memref<1000x128xf32, #tpu.memory_space<hbm>>, %arg4: memref<1000x128xf32, #tpu.memory_space<hbm>>, %arg5: memref<1000x128xf32, #tpu.memory_space<hbm>>, %arg6: memref<2x128xf32, #tpu.memory_space<hbm>>, %arg7: memref<1000x128xf32, #tpu.memory_space<hbm>>, %arg8: memref<4096x128xf32, #tpu.memory_space<hbm>>, %arg9: memref<8x128xi32, #tpu.memory_space<vmem>>, %arg10: memref<8x64x128xf32, #tpu.memory_space<vmem>>, %arg11: memref<128x128xf32, #tpu.memory_space<vmem>>, %arg12: memref<1000x128xf32, #tpu.memory_space<vmem_shared>>, %arg13: memref<1000x128xf32, #tpu.memory_space<vmem_shared>>, %arg14: memref<1000x128xf32, #tpu.memory_space<vmem_shared>>, %arg15: memref<1000x128xf32, #tpu.memory_space<vmem_shared>>, %arg16: memref<2x128xf32, #tpu.memory_space<vmem_shared>>, %arg17: memref<!tpu.dma_semaphore, #tpu.memory_space<semaphore_mem>>) attributes {dimension_semantics = [#tpu.dimension_semantics<core_parallel>, #tpu.dimension_semantics<subcore_parallel>], iteration_bounds = array<i64: 2, 16>, scalar_prefetch = 0 : i64, scratch_operands = 9 : i64, tpu.core_type = #tpu.core_type<sc_vector_subcore>, window_params = [{transform_indices = #map}, {transform_indices = #map}, {transform_indices = #map}, {transform_indices = #map}, {transform_indices = #map}, {transform_indices = #map}, {transform_indices = #map}]} {
    %mul3A = arith.constant 2 : i32
    %mul3A_0 = arith.muli %arg1, %mul3A : i32
    %add3A = arith.addi %mul3A_0, %arg0 : i32
    %mul3A_1 = arith.constant 128 : i32
    %mul3A_2 = arith.muli %add3A, %mul3A_1 : i32
    %dma_start3A = arith.constant 0 : i32
    %dma_start3A_3 = arith.constant 0 : i32
    %dma_start3A_4 = arith.constant 0 : i32
    %dma_start3A_5 = tpu.memref_slice %arg9[%dma_start3A_3, %dma_start3A_4] : memref<8x128xi32, #tpu.memory_space<vmem>> -> memref<1x128xi32, #tpu.memory_space<vmem>>
    %dma_start3A_6 = tpu.memref_squeeze %dma_start3A_5 : memref<1x128xi32, #tpu.memory_space<vmem>> -> memref<128xi32, #tpu.memory_space<vmem>>
    %dma_start3A_7 = tpu.memref_slice %arg2[%dma_start3A, %mul3A_2] : memref<8x4096xi32, #tpu.memory_space<hbm>> -> memref<1x128xi32, #tpu.memory_space<hbm>>
    %dma_start3A_8 = tpu.memref_squeeze %dma_start3A_7 : memref<1x128xi32, #tpu.memory_space<hbm>> -> memref<128xi32, #tpu.memory_space<hbm>>
    %dma_start3A_9 = arith.constant 0 : i32
    %dma_start3A_10 = tpu.memref_slice %arg9[%dma_start3A_3, %dma_start3A_9] : memref<8x128xi32, #tpu.memory_space<vmem>> -> memref<1x128xi32, #tpu.memory_space<vmem>>
    %dma_start3A_11 = tpu.memref_squeeze %dma_start3A_10 : memref<1x128xi32, #tpu.memory_space<vmem>> -> memref<128xi32, #tpu.memory_space<vmem>>
    %dma_start3A_12 = tpu.memref_slice %arg2[%dma_start3A, %mul3A_2] : memref<8x4096xi32, #tpu.memory_space<hbm>> -> memref<1x128xi32, #tpu.memory_space<hbm>>
    %dma_start3A_13 = tpu.memref_squeeze %dma_start3A_12 : memref<1x128xi32, #tpu.memory_space<hbm>> -> memref<128xi32, #tpu.memory_space<hbm>>
    tpu.enqueue_dma source(%dma_start3A_13 : memref<128xi32, #tpu.memory_space<hbm>>) target(%dma_start3A_11 : memref<128xi32, #tpu.memory_space<vmem>>) target_semaphore(%arg17 : memref<!tpu.dma_semaphore, #tpu.memory_space<semaphore_mem>>)
    %dma_start3A_14 = arith.constant 1 : i32
    %dma_start3A_15 = arith.constant 1 : i32
    %dma_start3A_16 = arith.constant 0 : i32
    %dma_start3A_17 = tpu.memref_slice %arg9[%dma_start3A_15, %dma_start3A_16] : memref<8x128xi32, #tpu.memory_space<vmem>> -> memref<1x128xi32, #tpu.memory_space<vmem>>
    %dma_start3A_18 = tpu.memref_squeeze %dma_start3A_17 : memref<1x128xi32, #tpu.memory_space<vmem>> -> memref<128xi32, #tpu.memory_space<vmem>>
    %dma_start3A_19 = tpu.memref_slice %arg2[%dma_start3A_14, %mul3A_2] : memref<8x4096xi32, #tpu.memory_space<hbm>> -> memref<1x128xi32, #tpu.memory_space<hbm>>
    %dma_start3A_20 = tpu.memref_squeeze %dma_start3A_19 : memref<1x128xi32, #tpu.memory_space<hbm>> -> memref<128xi32, #tpu.memory_space<hbm>>
    %dma_start3A_21 = arith.constant 0 : i32
    %dma_start3A_22 = tpu.memref_slice %arg9[%dma_start3A_15, %dma_start3A_21] : memref<8x128xi32, #tpu.memory_space<vmem>> -> memref<1x128xi32, #tpu.memory_space<vmem>>
    %dma_start3A_23 = tpu.memref_squeeze %dma_start3A_22 : memref<1x128xi32, #tpu.memory_space<vmem>> -> memref<128xi32, #tpu.memory_space<vmem>>
    %dma_start3A_24 = tpu.memref_slice %arg2[%dma_start3A_14, %mul3A_2] : memref<8x4096xi32, #tpu.memory_space<hbm>> -> memref<1x128xi32, #tpu.memory_space<hbm>>
    %dma_start3A_25 = tpu.memref_squeeze %dma_start3A_24 : memref<1x128xi32, #tpu.memory_space<hbm>> -> memref<128xi32, #tpu.memory_space<hbm>>
    tpu.enqueue_dma source(%dma_start3A_25 : memref<128xi32, #tpu.memory_space<hbm>>) target(%dma_start3A_23 : memref<128xi32, #tpu.memory_space<vmem>>) target_semaphore(%arg17 : memref<!tpu.dma_semaphore, #tpu.memory_space<semaphore_mem>>)
    %dma_start3A_26 = arith.constant 2 : i32
    %dma_start3A_27 = arith.constant 2 : i32
    %dma_start3A_28 = arith.constant 0 : i32
    %dma_start3A_29 = tpu.memref_slice %arg9[%dma_start3A_27, %dma_start3A_28] : memref<8x128xi32, #tpu.memory_space<vmem>> -> memref<1x128xi32, #tpu.memory_space<vmem>>
    %dma_start3A_30 = tpu.memref_squeeze %dma_start3A_29 : memref<1x128xi32, #tpu.memory_space<vmem>> -> memref<128xi32, #tpu.memory_space<vmem>>
    %dma_start3A_31 = tpu.memref_slice %arg2[%dma_start3A_26, %mul3A_2] : memref<8x4096xi32, #tpu.memory_space<hbm>> -> memref<1x128xi32, #tpu.memory_space<hbm>>
    %dma_start3A_32 = tpu.memref_squeeze %dma_start3A_31 : memref<1x128xi32, #tpu.memory_space<hbm>> -> memref<128xi32, #tpu.memory_space<hbm>>
    %dma_start3A_33 = arith.constant 0 : i32
    %dma_start3A_34 = tpu.memref_slice %arg9[%dma_start3A_27, %dma_start3A_33] : memref<8x128xi32, #tpu.memory_space<vmem>> -> memref<1x128xi32, #tpu.memory_space<vmem>>
    %dma_start3A_35 = tpu.memref_squeeze %dma_start3A_34 : memref<1x128xi32, #tpu.memory_space<vmem>> -> memref<128xi32, #tpu.memory_space<vmem>>
    %dma_start3A_36 = tpu.memref_slice %arg2[%dma_start3A_26, %mul3A_2] : memref<8x4096xi32, #tpu.memory_space<hbm>> -> memref<1x128xi32, #tpu.memory_space<hbm>>
    %dma_start3A_37 = tpu.memref_squeeze %dma_start3A_36 : memref<1x128xi32, #tpu.memory_space<hbm>> -> memref<128xi32, #tpu.memory_space<hbm>>
    tpu.enqueue_dma source(%dma_start3A_37 : memref<128xi32, #tpu.memory_space<hbm>>) target(%dma_start3A_35 : memref<128xi32, #tpu.memory_space<vmem>>) target_semaphore(%arg17 : memref<!tpu.dma_semaphore, #tpu.memory_space<semaphore_mem>>)
    %dma_start3A_38 = arith.constant 3 : i32
    %dma_start3A_39 = arith.constant 3 : i32
    %dma_start3A_40 = arith.constant 0 : i32
    %dma_start3A_41 = tpu.memref_slice %arg9[%dma_start3A_39, %dma_start3A_40] : memref<8x128xi32, #tpu.memory_space<vmem>> -> memref<1x128xi32, #tpu.memory_space<vmem>>
    %dma_start3A_42 = tpu.memref_squeeze %dma_start3A_41 : memref<1x128xi32, #tpu.memory_space<vmem>> -> memref<128xi32, #tpu.memory_space<vmem>>
    %dma_start3A_43 = tpu.memref_slice %arg2[%dma_start3A_38, %mul3A_2] : memref<8x4096xi32, #tpu.memory_space<hbm>> -> memref<1x128xi32, #tpu.memory_space<hbm>>
    %dma_start3A_44 = tpu.memref_squeeze %dma_start3A_43 : memref<1x128xi32, #tpu.memory_space<hbm>> -> memref<128xi32, #tpu.memory_space<hbm>>
    %dma_start3A_45 = arith.constant 0 : i32
    %dma_start3A_46 = tpu.memref_slice %arg9[%dma_start3A_39, %dma_start3A_45] : memref<8x128xi32, #tpu.memory_space<vmem>> -> memref<1x128xi32, #tpu.memory_space<vmem>>
    %dma_start3A_47 = tpu.memref_squeeze %dma_start3A_46 : memref<1x128xi32, #tpu.memory_space<vmem>> -> memref<128xi32, #tpu.memory_space<vmem>>
    %dma_start3A_48 = tpu.memref_slice %arg2[%dma_start3A_38, %mul3A_2] : memref<8x4096xi32, #tpu.memory_space<hbm>> -> memref<1x128xi32, #tpu.memory_space<hbm>>
    %dma_start3A_49 = tpu.memref_squeeze %dma_start3A_48 : memref<1x128xi32, #tpu.memory_space<hbm>> -> memref<128xi32, #tpu.memory_space<hbm>>
    tpu.enqueue_dma source(%dma_start3A_49 : memref<128xi32, #tpu.memory_space<hbm>>) target(%dma_start3A_47 : memref<128xi32, #tpu.memory_space<vmem>>) target_semaphore(%arg17 : memref<!tpu.dma_semaphore, #tpu.memory_space<semaphore_mem>>)
    %dma_start3A_50 = arith.constant 4 : i32
    %dma_start3A_51 = arith.constant 4 : i32
    %dma_start3A_52 = arith.constant 0 : i32
    %dma_start3A_53 = tpu.memref_slice %arg9[%dma_start3A_51, %dma_start3A_52] : memref<8x128xi32, #tpu.memory_space<vmem>> -> memref<1x128xi32, #tpu.memory_space<vmem>>
    %dma_start3A_54 = tpu.memref_squeeze %dma_start3A_53 : memref<1x128xi32, #tpu.memory_space<vmem>> -> memref<128xi32, #tpu.memory_space<vmem>>
    %dma_start3A_55 = tpu.memref_slice %arg2[%dma_start3A_50, %mul3A_2] : memref<8x4096xi32, #tpu.memory_space<hbm>> -> memref<1x128xi32, #tpu.memory_space<hbm>>
    %dma_start3A_56 = tpu.memref_squeeze %dma_start3A_55 : memref<1x128xi32, #tpu.memory_space<hbm>> -> memref<128xi32, #tpu.memory_space<hbm>>
    %dma_start3A_57 = arith.constant 0 : i32
    %dma_start3A_58 = tpu.memref_slice %arg9[%dma_start3A_51, %dma_start3A_57] : memref<8x128xi32, #tpu.memory_space<vmem>> -> memref<1x128xi32, #tpu.memory_space<vmem>>
    %dma_start3A_59 = tpu.memref_squeeze %dma_start3A_58 : memref<1x128xi32, #tpu.memory_space<vmem>> -> memref<128xi32, #tpu.memory_space<vmem>>
    %dma_start3A_60 = tpu.memref_slice %arg2[%dma_start3A_50, %mul3A_2] : memref<8x4096xi32, #tpu.memory_space<hbm>> -> memref<1x128xi32, #tpu.memory_space<hbm>>
    %dma_start3A_61 = tpu.memref_squeeze %dma_start3A_60 : memref<1x128xi32, #tpu.memory_space<hbm>> -> memref<128xi32, #tpu.memory_space<hbm>>
    tpu.enqueue_dma source(%dma_start3A_61 : memref<128xi32, #tpu.memory_space<hbm>>) target(%dma_start3A_59 : memref<128xi32, #tpu.memory_space<vmem>>) target_semaphore(%arg17 : memref<!tpu.dma_semaphore, #tpu.memory_space<semaphore_mem>>)
    %dma_start3A_62 = arith.constant 5 : i32
    %dma_start3A_63 = arith.constant 5 : i32
    %dma_start3A_64 = arith.constant 0 : i32
    %dma_start3A_65 = tpu.memref_slice %arg9[%dma_start3A_63, %dma_start3A_64] : memref<8x128xi32, #tpu.memory_space<vmem>> -> memref<1x128xi32, #tpu.memory_space<vmem>>
    %dma_start3A_66 = tpu.memref_squeeze %dma_start3A_65 : memref<1x128xi32, #tpu.memory_space<vmem>> -> memref<128xi32, #tpu.memory_space<vmem>>
    %dma_start3A_67 = tpu.memref_slice %arg2[%dma_start3A_62, %mul3A_2] : memref<8x4096xi32, #tpu.memory_space<hbm>> -> memref<1x128xi32, #tpu.memory_space<hbm>>
    %dma_start3A_68 = tpu.memref_squeeze %dma_start3A_67 : memref<1x128xi32, #tpu.memory_space<hbm>> -> memref<128xi32, #tpu.memory_space<hbm>>
    %dma_start3A_69 = arith.constant 0 : i32
    %dma_start3A_70 = tpu.memref_slice %arg9[%dma_start3A_63, %dma_start3A_69] : memref<8x128xi32, #tpu.memory_space<vmem>> -> memref<1x128xi32, #tpu.memory_space<vmem>>
    %dma_start3A_71 = tpu.memref_squeeze %dma_start3A_70 : memref<1x128xi32, #tpu.memory_space<vmem>> -> memref<128xi32, #tpu.memory_space<vmem>>
    %dma_start3A_72 = tpu.memref_slice %arg2[%dma_start3A_62, %mul3A_2] : memref<8x4096xi32, #tpu.memory_space<hbm>> -> memref<1x128xi32, #tpu.memory_space<hbm>>
    %dma_start3A_73 = tpu.memref_squeeze %dma_start3A_72 : memref<1x128xi32, #tpu.memory_space<hbm>> -> memref<128xi32, #tpu.memory_space<hbm>>
    tpu.enqueue_dma source(%dma_start3A_73 : memref<128xi32, #tpu.memory_space<hbm>>) target(%dma_start3A_71 : memref<128xi32, #tpu.memory_space<vmem>>) target_semaphore(%arg17 : memref<!tpu.dma_semaphore, #tpu.memory_space<semaphore_mem>>)
    %dma_start3A_74 = arith.constant 6 : i32
    %dma_start3A_75 = arith.constant 6 : i32
    %dma_start3A_76 = arith.constant 0 : i32
    %dma_start3A_77 = tpu.memref_slice %arg9[%dma_start3A_75, %dma_start3A_76] : memref<8x128xi32, #tpu.memory_space<vmem>> -> memref<1x128xi32, #tpu.memory_space<vmem>>
    %dma_start3A_78 = tpu.memref_squeeze %dma_start3A_77 : memref<1x128xi32, #tpu.memory_space<vmem>> -> memref<128xi32, #tpu.memory_space<vmem>>
    %dma_start3A_79 = tpu.memref_slice %arg2[%dma_start3A_74, %mul3A_2] : memref<8x4096xi32, #tpu.memory_space<hbm>> -> memref<1x128xi32, #tpu.memory_space<hbm>>
    %dma_start3A_80 = tpu.memref_squeeze %dma_start3A_79 : memref<1x128xi32, #tpu.memory_space<hbm>> -> memref<128xi32, #tpu.memory_space<hbm>>
    %dma_start3A_81 = arith.constant 0 : i32
    %dma_start3A_82 = tpu.memref_slice %arg9[%dma_start3A_75, %dma_start3A_81] : memref<8x128xi32, #tpu.memory_space<vmem>> -> memref<1x128xi32, #tpu.memory_space<vmem>>
    %dma_start3A_83 = tpu.memref_squeeze %dma_start3A_82 : memref<1x128xi32, #tpu.memory_space<vmem>> -> memref<128xi32, #tpu.memory_space<vmem>>
    %dma_start3A_84 = tpu.memref_slice %arg2[%dma_start3A_74, %mul3A_2] : memref<8x4096xi32, #tpu.memory_space<hbm>> -> memref<1x128xi32, #tpu.memory_space<hbm>>
    %dma_start3A_85 = tpu.memref_squeeze %dma_start3A_84 : memref<1x128xi32, #tpu.memory_space<hbm>> -> memref<128xi32, #tpu.memory_space<hbm>>
    tpu.enqueue_dma source(%dma_start3A_85 : memref<128xi32, #tpu.memory_space<hbm>>) target(%dma_start3A_83 : memref<128xi32, #tpu.memory_space<vmem>>) target_semaphore(%arg17 : memref<!tpu.dma_semaphore, #tpu.memory_space<semaphore_mem>>)
    %dma_start3A_86 = arith.constant 7 : i32
    %dma_start3A_87 = arith.constant 7 : i32
    %dma_start3A_88 = arith.constant 0 : i32
    %dma_start3A_89 = tpu.memref_slice %arg9[%dma_start3A_87, %dma_start3A_88] : memref<8x128xi32, #tpu.memory_space<vmem>> -> memref<1x128xi32, #tpu.memory_space<vmem>>
    %dma_start3A_90 = tpu.memref_squeeze %dma_start3A_89 : memref<1x128xi32, #tpu.memory_space<vmem>> -> memref<128xi32, #tpu.memory_space<vmem>>
    %dma_start3A_91 = tpu.memref_slice %arg2[%dma_start3A_86, %mul3A_2] : memref<8x4096xi32, #tpu.memory_space<hbm>> -> memref<1x128xi32, #tpu.memory_space<hbm>>
    %dma_start3A_92 = tpu.memref_squeeze %dma_start3A_91 : memref<1x128xi32, #tpu.memory_space<hbm>> -> memref<128xi32, #tpu.memory_space<hbm>>
    %dma_start3A_93 = arith.constant 0 : i32
    %dma_start3A_94 = tpu.memref_slice %arg9[%dma_start3A_87, %dma_start3A_93] : memref<8x128xi32, #tpu.memory_space<vmem>> -> memref<1x128xi32, #tpu.memory_space<vmem>>
    %dma_start3A_95 = tpu.memref_squeeze %dma_start3A_94 : memref<1x128xi32, #tpu.memory_space<vmem>> -> memref<128xi32, #tpu.memory_space<vmem>>
    %dma_start3A_96 = tpu.memref_slice %arg2[%dma_start3A_86, %mul3A_2] : memref<8x4096xi32, #tpu.memory_space<hbm>> -> memref<1x128xi32, #tpu.memory_space<hbm>>
    %dma_start3A_97 = tpu.memref_squeeze %dma_start3A_96 : memref<1x128xi32, #tpu.memory_space<hbm>> -> memref<128xi32, #tpu.memory_space<hbm>>
    tpu.enqueue_dma source(%dma_start3A_97 : memref<128xi32, #tpu.memory_space<hbm>>) target(%dma_start3A_95 : memref<128xi32, #tpu.memory_space<vmem>>) target_semaphore(%arg17 : memref<!tpu.dma_semaphore, #tpu.memory_space<semaphore_mem>>)
    %eq3A = arith.constant 0 : i32
    %eq3A_98 = arith.cmpi eq, %arg1, %eq3A : i32
    %convert_element_type3A = arith.extui %eq3A_98 : i1 to i32
    %cond3A = arith.constant 0 : i32
    %cond3A_99 = arith.cmpi ne, %convert_element_type3A, %cond3A : i32
    scf.if %cond3A_99 {
      "tpu.region"() ({
        %run_scoped3A = tpu.sem_alloc : memref<!tpu.dma_semaphore, #tpu.memory_space<semaphore_mem>>
        tpu.enqueue_dma source(%arg3 : memref<1000x128xf32, #tpu.memory_space<hbm>>) target(%arg12 : memref<1000x128xf32, #tpu.memory_space<vmem_shared>>) target_semaphore(%run_scoped3A : memref<!tpu.dma_semaphore, #tpu.memory_space<semaphore_mem>>)
        tpu.wait_dma2 semaphore(%run_scoped3A : memref<!tpu.dma_semaphore, #tpu.memory_space<semaphore_mem>>) src(%arg3 : memref<1000x128xf32, #tpu.memory_space<hbm>>) dst(%arg12 : memref<1000x128xf32, #tpu.memory_space<vmem_shared>>)
        tpu.yield
      }) : () -> ()
    } else {
    }
    %eq3A_100 = arith.constant 1 : i32
    %eq3A_101 = arith.cmpi eq, %arg1, %eq3A_100 : i32
    %convert_element_type3A_102 = arith.extui %eq3A_101 : i1 to i32
    %cond3A_103 = arith.constant 0 : i32
    %cond3A_104 = arith.cmpi ne, %convert_element_type3A_102, %cond3A_103 : i32
    scf.if %cond3A_104 {
      "tpu.region"() ({
        %run_scoped3A = tpu.sem_alloc : memref<!tpu.dma_semaphore, #tpu.memory_space<semaphore_mem>>
        tpu.enqueue_dma source(%arg4 : memref<1000x128xf32, #tpu.memory_space<hbm>>) target(%arg13 : memref<1000x128xf32, #tpu.memory_space<vmem_shared>>) target_semaphore(%run_scoped3A : memref<!tpu.dma_semaphore, #tpu.memory_space<semaphore_mem>>)
        tpu.wait_dma2 semaphore(%run_scoped3A : memref<!tpu.dma_semaphore, #tpu.memory_space<semaphore_mem>>) src(%arg4 : memref<1000x128xf32, #tpu.memory_space<hbm>>) dst(%arg13 : memref<1000x128xf32, #tpu.memory_space<vmem_shared>>)
        tpu.yield
      }) : () -> ()
    } else {
    }
    %eq3A_105 = arith.constant 2 : i32
    %eq3A_106 = arith.cmpi eq, %arg1, %eq3A_105 : i32
    %convert_element_type3A_107 = arith.extui %eq3A_106 : i1 to i32
    %cond3A_108 = arith.constant 0 : i32
    %cond3A_109 = arith.cmpi ne, %convert_element_type3A_107, %cond3A_108 : i32
    scf.if %cond3A_109 {
      "tpu.region"() ({
        %run_scoped3A = tpu.sem_alloc : memref<!tpu.dma_semaphore, #tpu.memory_space<semaphore_mem>>
        tpu.enqueue_dma source(%arg5 : memref<1000x128xf32, #tpu.memory_space<hbm>>) target(%arg14 : memref<1000x128xf32, #tpu.memory_space<vmem_shared>>) target_semaphore(%run_scoped3A : memref<!tpu.dma_semaphore, #tpu.memory_space<semaphore_mem>>)
        tpu.wait_dma2 semaphore(%run_scoped3A : memref<!tpu.dma_semaphore, #tpu.memory_space<semaphore_mem>>) src(%arg5 : memref<1000x128xf32, #tpu.memory_space<hbm>>) dst(%arg14 : memref<1000x128xf32, #tpu.memory_space<vmem_shared>>)
        tpu.yield
      }) : () -> ()
    } else {
    }
    %eq3A_110 = arith.constant 3 : i32
    %eq3A_111 = arith.cmpi eq, %arg1, %eq3A_110 : i32
    %convert_element_type3A_112 = arith.extui %eq3A_111 : i1 to i32
    %cond3A_113 = arith.constant 0 : i32
    %cond3A_114 = arith.cmpi ne, %convert_element_type3A_112, %cond3A_113 : i32
    scf.if %cond3A_114 {
      "tpu.region"() ({
        %run_scoped3A = tpu.sem_alloc : memref<!tpu.dma_semaphore, #tpu.memory_space<semaphore_mem>>
        tpu.enqueue_dma source(%arg6 : memref<2x128xf32, #tpu.memory_space<hbm>>) target(%arg16 : memref<2x128xf32, #tpu.memory_space<vmem_shared>>) target_semaphore(%run_scoped3A : memref<!tpu.dma_semaphore, #tpu.memory_space<semaphore_mem>>)
        tpu.wait_dma2 semaphore(%run_scoped3A : memref<!tpu.dma_semaphore, #tpu.memory_space<semaphore_mem>>) src(%arg6 : memref<2x128xf32, #tpu.memory_space<hbm>>) dst(%arg16 : memref<2x128xf32, #tpu.memory_space<vmem_shared>>)
        tpu.yield
      }) : () -> ()
    } else {
    }
    %eq3A_115 = arith.constant 4 : i32
    %eq3A_116 = arith.cmpi eq, %arg1, %eq3A_115 : i32
    %convert_element_type3A_117 = arith.extui %eq3A_116 : i1 to i32
    %cond3A_118 = arith.constant 0 : i32
    %cond3A_119 = arith.cmpi ne, %convert_element_type3A_117, %cond3A_118 : i32
    scf.if %cond3A_119 {
      "tpu.region"() ({
        %run_scoped3A = tpu.sem_alloc : memref<!tpu.dma_semaphore, #tpu.memory_space<semaphore_mem>>
        tpu.enqueue_dma source(%arg7 : memref<1000x128xf32, #tpu.memory_space<hbm>>) target(%arg15 : memref<1000x128xf32, #tpu.memory_space<vmem_shared>>) target_semaphore(%run_scoped3A : memref<!tpu.dma_semaphore, #tpu.memory_space<semaphore_mem>>)
        tpu.wait_dma2 semaphore(%run_scoped3A : memref<!tpu.dma_semaphore, #tpu.memory_space<semaphore_mem>>) src(%arg7 : memref<1000x128xf32, #tpu.memory_space<hbm>>) dst(%arg15 : memref<1000x128xf32, #tpu.memory_space<vmem_shared>>)
        tpu.yield
      }) : () -> ()
    } else {
    }
    %dma_wait3A = arith.constant 0 : i32
    %dma_wait3A_120 = arith.constant 0 : i32
    %dma_wait3A_121 = arith.constant 0 : i32
    %dma_wait3A_122 = tpu.memref_slice %arg9[%dma_wait3A_120, %dma_wait3A_121] : memref<8x128xi32, #tpu.memory_space<vmem>> -> memref<1x128xi32, #tpu.memory_space<vmem>>
    %dma_wait3A_123 = tpu.memref_squeeze %dma_wait3A_122 : memref<1x128xi32, #tpu.memory_space<vmem>> -> memref<128xi32, #tpu.memory_space<vmem>>
    %dma_wait3A_124 = tpu.memref_slice %arg2[%dma_wait3A, %mul3A_2] : memref<8x4096xi32, #tpu.memory_space<hbm>> -> memref<1x128xi32, #tpu.memory_space<hbm>>
    %dma_wait3A_125 = tpu.memref_squeeze %dma_wait3A_124 : memref<1x128xi32, #tpu.memory_space<hbm>> -> memref<128xi32, #tpu.memory_space<hbm>>
    %dma_wait3A_126 = arith.constant 0 : i32
    %dma_wait3A_127 = tpu.memref_slice %arg9[%dma_wait3A_120, %dma_wait3A_126] : memref<8x128xi32, #tpu.memory_space<vmem>> -> memref<1x128xi32, #tpu.memory_space<vmem>>
    %dma_wait3A_128 = tpu.memref_squeeze %dma_wait3A_127 : memref<1x128xi32, #tpu.memory_space<vmem>> -> memref<128xi32, #tpu.memory_space<vmem>>
    %dma_wait3A_129 = tpu.memref_slice %arg2[%dma_wait3A, %mul3A_2] : memref<8x4096xi32, #tpu.memory_space<hbm>> -> memref<1x128xi32, #tpu.memory_space<hbm>>
    %dma_wait3A_130 = tpu.memref_squeeze %dma_wait3A_129 : memref<1x128xi32, #tpu.memory_space<hbm>> -> memref<128xi32, #tpu.memory_space<hbm>>
    tpu.wait_dma2 semaphore(%arg17 : memref<!tpu.dma_semaphore, #tpu.memory_space<semaphore_mem>>) src(%dma_wait3A_130 : memref<128xi32, #tpu.memory_space<hbm>>) dst(%dma_wait3A_128 : memref<128xi32, #tpu.memory_space<vmem>>)
    %dma_wait3A_131 = arith.constant 1 : i32
    %dma_wait3A_132 = arith.constant 1 : i32
    %dma_wait3A_133 = arith.constant 0 : i32
    %dma_wait3A_134 = tpu.memref_slice %arg9[%dma_wait3A_132, %dma_wait3A_133] : memref<8x128xi32, #tpu.memory_space<vmem>> -> memref<1x128xi32, #tpu.memory_space<vmem>>
    %dma_wait3A_135 = tpu.memref_squeeze %dma_wait3A_134 : memref<1x128xi32, #tpu.memory_space<vmem>> -> memref<128xi32, #tpu.memory_space<vmem>>
    %dma_wait3A_136 = tpu.memref_slice %arg2[%dma_wait3A_131, %mul3A_2] : memref<8x4096xi32, #tpu.memory_space<hbm>> -> memref<1x128xi32, #tpu.memory_space<hbm>>
    %dma_wait3A_137 = tpu.memref_squeeze %dma_wait3A_136 : memref<1x128xi32, #tpu.memory_space<hbm>> -> memref<128xi32, #tpu.memory_space<hbm>>
    %dma_wait3A_138 = arith.constant 0 : i32
    %dma_wait3A_139 = tpu.memref_slice %arg9[%dma_wait3A_132, %dma_wait3A_138] : memref<8x128xi32, #tpu.memory_space<vmem>> -> memref<1x128xi32, #tpu.memory_space<vmem>>
    %dma_wait3A_140 = tpu.memref_squeeze %dma_wait3A_139 : memref<1x128xi32, #tpu.memory_space<vmem>> -> memref<128xi32, #tpu.memory_space<vmem>>
    %dma_wait3A_141 = tpu.memref_slice %arg2[%dma_wait3A_131, %mul3A_2] : memref<8x4096xi32, #tpu.memory_space<hbm>> -> memref<1x128xi32, #tpu.memory_space<hbm>>
    %dma_wait3A_142 = tpu.memref_squeeze %dma_wait3A_141 : memref<1x128xi32, #tpu.memory_space<hbm>> -> memref<128xi32, #tpu.memory_space<hbm>>
    tpu.wait_dma2 semaphore(%arg17 : memref<!tpu.dma_semaphore, #tpu.memory_space<semaphore_mem>>) src(%dma_wait3A_142 : memref<128xi32, #tpu.memory_space<hbm>>) dst(%dma_wait3A_140 : memref<128xi32, #tpu.memory_space<vmem>>)
    %dma_wait3A_143 = arith.constant 2 : i32
    %dma_wait3A_144 = arith.constant 2 : i32
    %dma_wait3A_145 = arith.constant 0 : i32
    %dma_wait3A_146 = tpu.memref_slice %arg9[%dma_wait3A_144, %dma_wait3A_145] : memref<8x128xi32, #tpu.memory_space<vmem>> -> memref<1x128xi32, #tpu.memory_space<vmem>>
    %dma_wait3A_147 = tpu.memref_squeeze %dma_wait3A_146 : memref<1x128xi32, #tpu.memory_space<vmem>> -> memref<128xi32, #tpu.memory_space<vmem>>
    %dma_wait3A_148 = tpu.memref_slice %arg2[%dma_wait3A_143, %mul3A_2] : memref<8x4096xi32, #tpu.memory_space<hbm>> -> memref<1x128xi32, #tpu.memory_space<hbm>>
    %dma_wait3A_149 = tpu.memref_squeeze %dma_wait3A_148 : memref<1x128xi32, #tpu.memory_space<hbm>> -> memref<128xi32, #tpu.memory_space<hbm>>
    %dma_wait3A_150 = arith.constant 0 : i32
    %dma_wait3A_151 = tpu.memref_slice %arg9[%dma_wait3A_144, %dma_wait3A_150] : memref<8x128xi32, #tpu.memory_space<vmem>> -> memref<1x128xi32, #tpu.memory_space<vmem>>
    %dma_wait3A_152 = tpu.memref_squeeze %dma_wait3A_151 : memref<1x128xi32, #tpu.memory_space<vmem>> -> memref<128xi32, #tpu.memory_space<vmem>>
    %dma_wait3A_153 = tpu.memref_slice %arg2[%dma_wait3A_143, %mul3A_2] : memref<8x4096xi32, #tpu.memory_space<hbm>> -> memref<1x128xi32, #tpu.memory_space<hbm>>
    %dma_wait3A_154 = tpu.memref_squeeze %dma_wait3A_153 : memref<1x128xi32, #tpu.memory_space<hbm>> -> memref<128xi32, #tpu.memory_space<hbm>>
    tpu.wait_dma2 semaphore(%arg17 : memref<!tpu.dma_semaphore, #tpu.memory_space<semaphore_mem>>) src(%dma_wait3A_154 : memref<128xi32, #tpu.memory_space<hbm>>) dst(%dma_wait3A_152 : memref<128xi32, #tpu.memory_space<vmem>>)
    %dma_wait3A_155 = arith.constant 3 : i32
    %dma_wait3A_156 = arith.constant 3 : i32
    %dma_wait3A_157 = arith.constant 0 : i32
    %dma_wait3A_158 = tpu.memref_slice %arg9[%dma_wait3A_156, %dma_wait3A_157] : memref<8x128xi32, #tpu.memory_space<vmem>> -> memref<1x128xi32, #tpu.memory_space<vmem>>
    %dma_wait3A_159 = tpu.memref_squeeze %dma_wait3A_158 : memref<1x128xi32, #tpu.memory_space<vmem>> -> memref<128xi32, #tpu.memory_space<vmem>>
    %dma_wait3A_160 = tpu.memref_slice %arg2[%dma_wait3A_155, %mul3A_2] : memref<8x4096xi32, #tpu.memory_space<hbm>> -> memref<1x128xi32, #tpu.memory_space<hbm>>
    %dma_wait3A_161 = tpu.memref_squeeze %dma_wait3A_160 : memref<1x128xi32, #tpu.memory_space<hbm>> -> memref<128xi32, #tpu.memory_space<hbm>>
    %dma_wait3A_162 = arith.constant 0 : i32
    %dma_wait3A_163 = tpu.memref_slice %arg9[%dma_wait3A_156, %dma_wait3A_162] : memref<8x128xi32, #tpu.memory_space<vmem>> -> memref<1x128xi32, #tpu.memory_space<vmem>>
    %dma_wait3A_164 = tpu.memref_squeeze %dma_wait3A_163 : memref<1x128xi32, #tpu.memory_space<vmem>> -> memref<128xi32, #tpu.memory_space<vmem>>
    %dma_wait3A_165 = tpu.memref_slice %arg2[%dma_wait3A_155, %mul3A_2] : memref<8x4096xi32, #tpu.memory_space<hbm>> -> memref<1x128xi32, #tpu.memory_space<hbm>>
    %dma_wait3A_166 = tpu.memref_squeeze %dma_wait3A_165 : memref<1x128xi32, #tpu.memory_space<hbm>> -> memref<128xi32, #tpu.memory_space<hbm>>
    tpu.wait_dma2 semaphore(%arg17 : memref<!tpu.dma_semaphore, #tpu.memory_space<semaphore_mem>>) src(%dma_wait3A_166 : memref<128xi32, #tpu.memory_space<hbm>>) dst(%dma_wait3A_164 : memref<128xi32, #tpu.memory_space<vmem>>)
    %dma_wait3A_167 = arith.constant 4 : i32
    %dma_wait3A_168 = arith.constant 4 : i32
    %dma_wait3A_169 = arith.constant 0 : i32
    %dma_wait3A_170 = tpu.memref_slice %arg9[%dma_wait3A_168, %dma_wait3A_169] : memref<8x128xi32, #tpu.memory_space<vmem>> -> memref<1x128xi32, #tpu.memory_space<vmem>>
    %dma_wait3A_171 = tpu.memref_squeeze %dma_wait3A_170 : memref<1x128xi32, #tpu.memory_space<vmem>> -> memref<128xi32, #tpu.memory_space<vmem>>
    %dma_wait3A_172 = tpu.memref_slice %arg2[%dma_wait3A_167, %mul3A_2] : memref<8x4096xi32, #tpu.memory_space<hbm>> -> memref<1x128xi32, #tpu.memory_space<hbm>>
    %dma_wait3A_173 = tpu.memref_squeeze %dma_wait3A_172 : memref<1x128xi32, #tpu.memory_space<hbm>> -> memref<128xi32, #tpu.memory_space<hbm>>
    %dma_wait3A_174 = arith.constant 0 : i32
    %dma_wait3A_175 = tpu.memref_slice %arg9[%dma_wait3A_168, %dma_wait3A_174] : memref<8x128xi32, #tpu.memory_space<vmem>> -> memref<1x128xi32, #tpu.memory_space<vmem>>
    %dma_wait3A_176 = tpu.memref_squeeze %dma_wait3A_175 : memref<1x128xi32, #tpu.memory_space<vmem>> -> memref<128xi32, #tpu.memory_space<vmem>>
    %dma_wait3A_177 = tpu.memref_slice %arg2[%dma_wait3A_167, %mul3A_2] : memref<8x4096xi32, #tpu.memory_space<hbm>> -> memref<1x128xi32, #tpu.memory_space<hbm>>
    %dma_wait3A_178 = tpu.memref_squeeze %dma_wait3A_177 : memref<1x128xi32, #tpu.memory_space<hbm>> -> memref<128xi32, #tpu.memory_space<hbm>>
    tpu.wait_dma2 semaphore(%arg17 : memref<!tpu.dma_semaphore, #tpu.memory_space<semaphore_mem>>) src(%dma_wait3A_178 : memref<128xi32, #tpu.memory_space<hbm>>) dst(%dma_wait3A_176 : memref<128xi32, #tpu.memory_space<vmem>>)
    %dma_wait3A_179 = arith.constant 5 : i32
    %dma_wait3A_180 = arith.constant 5 : i32
    %dma_wait3A_181 = arith.constant 0 : i32
    %dma_wait3A_182 = tpu.memref_slice %arg9[%dma_wait3A_180, %dma_wait3A_181] : memref<8x128xi32, #tpu.memory_space<vmem>> -> memref<1x128xi32, #tpu.memory_space<vmem>>
    %dma_wait3A_183 = tpu.memref_squeeze %dma_wait3A_182 : memref<1x128xi32, #tpu.memory_space<vmem>> -> memref<128xi32, #tpu.memory_space<vmem>>
    %dma_wait3A_184 = tpu.memref_slice %arg2[%dma_wait3A_179, %mul3A_2] : memref<8x4096xi32, #tpu.memory_space<hbm>> -> memref<1x128xi32, #tpu.memory_space<hbm>>
    %dma_wait3A_185 = tpu.memref_squeeze %dma_wait3A_184 : memref<1x128xi32, #tpu.memory_space<hbm>> -> memref<128xi32, #tpu.memory_space<hbm>>
    %dma_wait3A_186 = arith.constant 0 : i32
    %dma_wait3A_187 = tpu.memref_slice %arg9[%dma_wait3A_180, %dma_wait3A_186] : memref<8x128xi32, #tpu.memory_space<vmem>> -> memref<1x128xi32, #tpu.memory_space<vmem>>
    %dma_wait3A_188 = tpu.memref_squeeze %dma_wait3A_187 : memref<1x128xi32, #tpu.memory_space<vmem>> -> memref<128xi32, #tpu.memory_space<vmem>>
    %dma_wait3A_189 = tpu.memref_slice %arg2[%dma_wait3A_179, %mul3A_2] : memref<8x4096xi32, #tpu.memory_space<hbm>> -> memref<1x128xi32, #tpu.memory_space<hbm>>
    %dma_wait3A_190 = tpu.memref_squeeze %dma_wait3A_189 : memref<1x128xi32, #tpu.memory_space<hbm>> -> memref<128xi32, #tpu.memory_space<hbm>>
    tpu.wait_dma2 semaphore(%arg17 : memref<!tpu.dma_semaphore, #tpu.memory_space<semaphore_mem>>) src(%dma_wait3A_190 : memref<128xi32, #tpu.memory_space<hbm>>) dst(%dma_wait3A_188 : memref<128xi32, #tpu.memory_space<vmem>>)
    %dma_wait3A_191 = arith.constant 6 : i32
    %dma_wait3A_192 = arith.constant 6 : i32
    %dma_wait3A_193 = arith.constant 0 : i32
    %dma_wait3A_194 = tpu.memref_slice %arg9[%dma_wait3A_192, %dma_wait3A_193] : memref<8x128xi32, #tpu.memory_space<vmem>> -> memref<1x128xi32, #tpu.memory_space<vmem>>
    %dma_wait3A_195 = tpu.memref_squeeze %dma_wait3A_194 : memref<1x128xi32, #tpu.memory_space<vmem>> -> memref<128xi32, #tpu.memory_space<vmem>>
    %dma_wait3A_196 = tpu.memref_slice %arg2[%dma_wait3A_191, %mul3A_2] : memref<8x4096xi32, #tpu.memory_space<hbm>> -> memref<1x128xi32, #tpu.memory_space<hbm>>
    %dma_wait3A_197 = tpu.memref_squeeze %dma_wait3A_196 : memref<1x128xi32, #tpu.memory_space<hbm>> -> memref<128xi32, #tpu.memory_space<hbm>>
    %dma_wait3A_198 = arith.constant 0 : i32
    %dma_wait3A_199 = tpu.memref_slice %arg9[%dma_wait3A_192, %dma_wait3A_198] : memref<8x128xi32, #tpu.memory_space<vmem>> -> memref<1x128xi32, #tpu.memory_space<vmem>>
    %dma_wait3A_200 = tpu.memref_squeeze %dma_wait3A_199 : memref<1x128xi32, #tpu.memory_space<vmem>> -> memref<128xi32, #tpu.memory_space<vmem>>
    %dma_wait3A_201 = tpu.memref_slice %arg2[%dma_wait3A_191, %mul3A_2] : memref<8x4096xi32, #tpu.memory_space<hbm>> -> memref<1x128xi32, #tpu.memory_space<hbm>>
    %dma_wait3A_202 = tpu.memref_squeeze %dma_wait3A_201 : memref<1x128xi32, #tpu.memory_space<hbm>> -> memref<128xi32, #tpu.memory_space<hbm>>
    tpu.wait_dma2 semaphore(%arg17 : memref<!tpu.dma_semaphore, #tpu.memory_space<semaphore_mem>>) src(%dma_wait3A_202 : memref<128xi32, #tpu.memory_space<hbm>>) dst(%dma_wait3A_200 : memref<128xi32, #tpu.memory_space<vmem>>)
    %dma_wait3A_203 = arith.constant 7 : i32
    %dma_wait3A_204 = arith.constant 7 : i32
    %dma_wait3A_205 = arith.constant 0 : i32
    %dma_wait3A_206 = tpu.memref_slice %arg9[%dma_wait3A_204, %dma_wait3A_205] : memref<8x128xi32, #tpu.memory_space<vmem>> -> memref<1x128xi32, #tpu.memory_space<vmem>>
    %dma_wait3A_207 = tpu.memref_squeeze %dma_wait3A_206 : memref<1x128xi32, #tpu.memory_space<vmem>> -> memref<128xi32, #tpu.memory_space<vmem>>
    %dma_wait3A_208 = tpu.memref_slice %arg2[%dma_wait3A_203, %mul3A_2] : memref<8x4096xi32, #tpu.memory_space<hbm>> -> memref<1x128xi32, #tpu.memory_space<hbm>>
    %dma_wait3A_209 = tpu.memref_squeeze %dma_wait3A_208 : memref<1x128xi32, #tpu.memory_space<hbm>> -> memref<128xi32, #tpu.memory_space<hbm>>
    %dma_wait3A_210 = arith.constant 0 : i32
    %dma_wait3A_211 = tpu.memref_slice %arg9[%dma_wait3A_204, %dma_wait3A_210] : memref<8x128xi32, #tpu.memory_space<vmem>> -> memref<1x128xi32, #tpu.memory_space<vmem>>
    %dma_wait3A_212 = tpu.memref_squeeze %dma_wait3A_211 : memref<1x128xi32, #tpu.memory_space<vmem>> -> memref<128xi32, #tpu.memory_space<vmem>>
    %dma_wait3A_213 = tpu.memref_slice %arg2[%dma_wait3A_203, %mul3A_2] : memref<8x4096xi32, #tpu.memory_space<hbm>> -> memref<1x128xi32, #tpu.memory_space<hbm>>
    %dma_wait3A_214 = tpu.memref_squeeze %dma_wait3A_213 : memref<1x128xi32, #tpu.memory_space<hbm>> -> memref<128xi32, #tpu.memory_space<hbm>>
    tpu.wait_dma2 semaphore(%arg17 : memref<!tpu.dma_semaphore, #tpu.memory_space<semaphore_mem>>) src(%dma_wait3A_214 : memref<128xi32, #tpu.memory_space<hbm>>) dst(%dma_wait3A_212 : memref<128xi32, #tpu.memory_space<vmem>>)
    %barrier3A = arith.constant 0 : index
    tpu.barrier barrier_id(%barrier3A)
    %dma_start3A_215 = arith.constant 0 : i32
    %dma_start3A_216 = arith.constant 0 : i32
    %dma_start3A_217 = arith.constant 0 : i32
    %dma_start3A_218 = arith.constant 0 : i32
    %dma_start3A_219 = tpu.memref_slice %arg10[%dma_start3A_216, %dma_start3A_217, %dma_start3A_218] : memref<8x64x128xf32, #tpu.memory_space<vmem>> -> memref<1x64x128xf32, #tpu.memory_space<vmem>>
    %dma_start3A_220 = tpu.memref_squeeze %dma_start3A_219 : memref<1x64x128xf32, #tpu.memory_space<vmem>> -> memref<64x128xf32, #tpu.memory_space<vmem>>
    %dma_start3A_221 = arith.constant 0 : i32
    %dma_start3A_222 = tpu.memref_slice %arg9[%dma_start3A_215, %dma_start3A_221] : memref<8x128xi32, #tpu.memory_space<vmem>> -> memref<1x64xi32, #tpu.memory_space<vmem>>
    %dma_start3A_223 = tpu.memref_squeeze %dma_start3A_222 : memref<1x64xi32, #tpu.memory_space<vmem>> -> memref<64xi32, #tpu.memory_space<vmem>>
    %dma_start3A_224 = arith.constant 0 : i32
    %dma_start3A_225 = arith.constant 0 : i32
    %dma_start3A_226 = tpu.memref_slice %arg12[%dma_start3A_224, %dma_start3A_225] : memref<1000x128xf32, #tpu.memory_space<vmem_shared>> -> memref<1000x128xf32, #tpu.memory_space<vmem_shared>>
    tpu.enqueue_indirect_dma source(%dma_start3A_226 : memref<1000x128xf32, #tpu.memory_space<vmem_shared>>) target(%dma_start3A_220 : memref<64x128xf32, #tpu.memory_space<vmem>>) offsets(%dma_start3A_223 : memref<64xi32, #tpu.memory_space<vmem>>) semaphore(%arg17 : memref<!tpu.dma_semaphore, #tpu.memory_space<semaphore_mem>>)
    %dma_start3A_227 = arith.constant 1 : i32
    %dma_start3A_228 = arith.constant 1 : i32
    %dma_start3A_229 = arith.constant 0 : i32
    %dma_start3A_230 = arith.constant 0 : i32
    %dma_start3A_231 = tpu.memref_slice %arg10[%dma_start3A_228, %dma_start3A_229, %dma_start3A_230] : memref<8x64x128xf32, #tpu.memory_space<vmem>> -> memref<1x64x128xf32, #tpu.memory_space<vmem>>
    %dma_start3A_232 = tpu.memref_squeeze %dma_start3A_231 : memref<1x64x128xf32, #tpu.memory_space<vmem>> -> memref<64x128xf32, #tpu.memory_space<vmem>>
    %dma_start3A_233 = arith.constant 0 : i32
    %dma_start3A_234 = tpu.memref_slice %arg9[%dma_start3A_227, %dma_start3A_233] : memref<8x128xi32, #tpu.memory_space<vmem>> -> memref<1x64xi32, #tpu.memory_space<vmem>>
    %dma_start3A_235 = tpu.memref_squeeze %dma_start3A_234 : memref<1x64xi32, #tpu.memory_space<vmem>> -> memref<64xi32, #tpu.memory_space<vmem>>
    %dma_start3A_236 = arith.constant 0 : i32
    %dma_start3A_237 = arith.constant 0 : i32
    %dma_start3A_238 = tpu.memref_slice %arg13[%dma_start3A_236, %dma_start3A_237] : memref<1000x128xf32, #tpu.memory_space<vmem_shared>> -> memref<1000x128xf32, #tpu.memory_space<vmem_shared>>
    tpu.enqueue_indirect_dma source(%dma_start3A_238 : memref<1000x128xf32, #tpu.memory_space<vmem_shared>>) target(%dma_start3A_232 : memref<64x128xf32, #tpu.memory_space<vmem>>) offsets(%dma_start3A_235 : memref<64xi32, #tpu.memory_space<vmem>>) semaphore(%arg17 : memref<!tpu.dma_semaphore, #tpu.memory_space<semaphore_mem>>)
    %dma_start3A_239 = arith.constant 2 : i32
    %dma_start3A_240 = arith.constant 2 : i32
    %dma_start3A_241 = arith.constant 0 : i32
    %dma_start3A_242 = arith.constant 0 : i32
    %dma_start3A_243 = tpu.memref_slice %arg10[%dma_start3A_240, %dma_start3A_241, %dma_start3A_242] : memref<8x64x128xf32, #tpu.memory_space<vmem>> -> memref<1x64x128xf32, #tpu.memory_space<vmem>>
    %dma_start3A_244 = tpu.memref_squeeze %dma_start3A_243 : memref<1x64x128xf32, #tpu.memory_space<vmem>> -> memref<64x128xf32, #tpu.memory_space<vmem>>
    %dma_start3A_245 = arith.constant 0 : i32
    %dma_start3A_246 = tpu.memref_slice %arg9[%dma_start3A_239, %dma_start3A_245] : memref<8x128xi32, #tpu.memory_space<vmem>> -> memref<1x64xi32, #tpu.memory_space<vmem>>
    %dma_start3A_247 = tpu.memref_squeeze %dma_start3A_246 : memref<1x64xi32, #tpu.memory_space<vmem>> -> memref<64xi32, #tpu.memory_space<vmem>>
    %dma_start3A_248 = arith.constant 0 : i32
    %dma_start3A_249 = arith.constant 0 : i32
    %dma_start3A_250 = tpu.memref_slice %arg14[%dma_start3A_248, %dma_start3A_249] : memref<1000x128xf32, #tpu.memory_space<vmem_shared>> -> memref<1000x128xf32, #tpu.memory_space<vmem_shared>>
    tpu.enqueue_indirect_dma source(%dma_start3A_250 : memref<1000x128xf32, #tpu.memory_space<vmem_shared>>) target(%dma_start3A_244 : memref<64x128xf32, #tpu.memory_space<vmem>>) offsets(%dma_start3A_247 : memref<64xi32, #tpu.memory_space<vmem>>) semaphore(%arg17 : memref<!tpu.dma_semaphore, #tpu.memory_space<semaphore_mem>>)
    %dma_start3A_251 = arith.constant 3 : i32
    %dma_start3A_252 = arith.constant 3 : i32
    %dma_start3A_253 = arith.constant 0 : i32
    %dma_start3A_254 = arith.constant 0 : i32
    %dma_start3A_255 = tpu.memref_slice %arg10[%dma_start3A_252, %dma_start3A_253, %dma_start3A_254] : memref<8x64x128xf32, #tpu.memory_space<vmem>> -> memref<1x64x128xf32, #tpu.memory_space<vmem>>
    %dma_start3A_256 = tpu.memref_squeeze %dma_start3A_255 : memref<1x64x128xf32, #tpu.memory_space<vmem>> -> memref<64x128xf32, #tpu.memory_space<vmem>>
    %dma_start3A_257 = arith.constant 0 : i32
    %dma_start3A_258 = tpu.memref_slice %arg9[%dma_start3A_251, %dma_start3A_257] : memref<8x128xi32, #tpu.memory_space<vmem>> -> memref<1x64xi32, #tpu.memory_space<vmem>>
    %dma_start3A_259 = tpu.memref_squeeze %dma_start3A_258 : memref<1x64xi32, #tpu.memory_space<vmem>> -> memref<64xi32, #tpu.memory_space<vmem>>
    %dma_start3A_260 = arith.constant 0 : i32
    %dma_start3A_261 = arith.constant 0 : i32
    %dma_start3A_262 = tpu.memref_slice %arg16[%dma_start3A_260, %dma_start3A_261] : memref<2x128xf32, #tpu.memory_space<vmem_shared>> -> memref<2x128xf32, #tpu.memory_space<vmem_shared>>
    tpu.enqueue_indirect_dma source(%dma_start3A_262 : memref<2x128xf32, #tpu.memory_space<vmem_shared>>) target(%dma_start3A_256 : memref<64x128xf32, #tpu.memory_space<vmem>>) offsets(%dma_start3A_259 : memref<64xi32, #tpu.memory_space<vmem>>) semaphore(%arg17 : memref<!tpu.dma_semaphore, #tpu.memory_space<semaphore_mem>>)
    %dma_start3A_263 = arith.constant 4 : i32
    %dma_start3A_264 = arith.constant 4 : i32
    %dma_start3A_265 = arith.constant 0 : i32
    %dma_start3A_266 = arith.constant 0 : i32
    %dma_start3A_267 = tpu.memref_slice %arg10[%dma_start3A_264, %dma_start3A_265, %dma_start3A_266] : memref<8x64x128xf32, #tpu.memory_space<vmem>> -> memref<1x64x128xf32, #tpu.memory_space<vmem>>
    %dma_start3A_268 = tpu.memref_squeeze %dma_start3A_267 : memref<1x64x128xf32, #tpu.memory_space<vmem>> -> memref<64x128xf32, #tpu.memory_space<vmem>>
    %dma_start3A_269 = arith.constant 0 : i32
    %dma_start3A_270 = tpu.memref_slice %arg9[%dma_start3A_263, %dma_start3A_269] : memref<8x128xi32, #tpu.memory_space<vmem>> -> memref<1x64xi32, #tpu.memory_space<vmem>>
    %dma_start3A_271 = tpu.memref_squeeze %dma_start3A_270 : memref<1x64xi32, #tpu.memory_space<vmem>> -> memref<64xi32, #tpu.memory_space<vmem>>
    %dma_start3A_272 = arith.constant 0 : i32
    %dma_start3A_273 = arith.constant 0 : i32
    %dma_start3A_274 = tpu.memref_slice %arg15[%dma_start3A_272, %dma_start3A_273] : memref<1000x128xf32, #tpu.memory_space<vmem_shared>> -> memref<1000x128xf32, #tpu.memory_space<vmem_shared>>
    tpu.enqueue_indirect_dma source(%dma_start3A_274 : memref<1000x128xf32, #tpu.memory_space<vmem_shared>>) target(%dma_start3A_268 : memref<64x128xf32, #tpu.memory_space<vmem>>) offsets(%dma_start3A_271 : memref<64xi32, #tpu.memory_space<vmem>>) semaphore(%arg17 : memref<!tpu.dma_semaphore, #tpu.memory_space<semaphore_mem>>)
    %dma_start3A_275 = arith.constant 5 : i32
    %dma_start3A_276 = arith.constant 5 : i32
    %dma_start3A_277 = arith.constant 0 : i32
    %dma_start3A_278 = arith.constant 0 : i32
    %dma_start3A_279 = tpu.memref_slice %arg10[%dma_start3A_276, %dma_start3A_277, %dma_start3A_278] : memref<8x64x128xf32, #tpu.memory_space<vmem>> -> memref<1x64x128xf32, #tpu.memory_space<vmem>>
    %dma_start3A_280 = tpu.memref_squeeze %dma_start3A_279 : memref<1x64x128xf32, #tpu.memory_space<vmem>> -> memref<64x128xf32, #tpu.memory_space<vmem>>
    %dma_start3A_281 = arith.constant 0 : i32
    %dma_start3A_282 = tpu.memref_slice %arg9[%dma_start3A_275, %dma_start3A_281] : memref<8x128xi32, #tpu.memory_space<vmem>> -> memref<1x64xi32, #tpu.memory_space<vmem>>
    %dma_start3A_283 = tpu.memref_squeeze %dma_start3A_282 : memref<1x64xi32, #tpu.memory_space<vmem>> -> memref<64xi32, #tpu.memory_space<vmem>>
    %dma_start3A_284 = arith.constant 0 : i32
    %dma_start3A_285 = arith.constant 0 : i32
    %dma_start3A_286 = tpu.memref_slice %arg15[%dma_start3A_284, %dma_start3A_285] : memref<1000x128xf32, #tpu.memory_space<vmem_shared>> -> memref<1000x128xf32, #tpu.memory_space<vmem_shared>>
    tpu.enqueue_indirect_dma source(%dma_start3A_286 : memref<1000x128xf32, #tpu.memory_space<vmem_shared>>) target(%dma_start3A_280 : memref<64x128xf32, #tpu.memory_space<vmem>>) offsets(%dma_start3A_283 : memref<64xi32, #tpu.memory_space<vmem>>) semaphore(%arg17 : memref<!tpu.dma_semaphore, #tpu.memory_space<semaphore_mem>>)
    %dma_start3A_287 = arith.constant 6 : i32
    %dma_start3A_288 = arith.constant 6 : i32
    %dma_start3A_289 = arith.constant 0 : i32
    %dma_start3A_290 = arith.constant 0 : i32
    %dma_start3A_291 = tpu.memref_slice %arg10[%dma_start3A_288, %dma_start3A_289, %dma_start3A_290] : memref<8x64x128xf32, #tpu.memory_space<vmem>> -> memref<1x64x128xf32, #tpu.memory_space<vmem>>
    %dma_start3A_292 = tpu.memref_squeeze %dma_start3A_291 : memref<1x64x128xf32, #tpu.memory_space<vmem>> -> memref<64x128xf32, #tpu.memory_space<vmem>>
    %dma_start3A_293 = arith.constant 0 : i32
    %dma_start3A_294 = tpu.memref_slice %arg9[%dma_start3A_287, %dma_start3A_293] : memref<8x128xi32, #tpu.memory_space<vmem>> -> memref<1x64xi32, #tpu.memory_space<vmem>>
    %dma_start3A_295 = tpu.memref_squeeze %dma_start3A_294 : memref<1x64xi32, #tpu.memory_space<vmem>> -> memref<64xi32, #tpu.memory_space<vmem>>
    %dma_start3A_296 = arith.constant 0 : i32
    %dma_start3A_297 = arith.constant 0 : i32
    %dma_start3A_298 = tpu.memref_slice %arg15[%dma_start3A_296, %dma_start3A_297] : memref<1000x128xf32, #tpu.memory_space<vmem_shared>> -> memref<1000x128xf32, #tpu.memory_space<vmem_shared>>
    tpu.enqueue_indirect_dma source(%dma_start3A_298 : memref<1000x128xf32, #tpu.memory_space<vmem_shared>>) target(%dma_start3A_292 : memref<64x128xf32, #tpu.memory_space<vmem>>) offsets(%dma_start3A_295 : memref<64xi32, #tpu.memory_space<vmem>>) semaphore(%arg17 : memref<!tpu.dma_semaphore, #tpu.memory_space<semaphore_mem>>)
    %dma_start3A_299 = arith.constant 7 : i32
    %dma_start3A_300 = arith.constant 7 : i32
    %dma_start3A_301 = arith.constant 0 : i32
    %dma_start3A_302 = arith.constant 0 : i32
    %dma_start3A_303 = tpu.memref_slice %arg10[%dma_start3A_300, %dma_start3A_301, %dma_start3A_302] : memref<8x64x128xf32, #tpu.memory_space<vmem>> -> memref<1x64x128xf32, #tpu.memory_space<vmem>>
    %dma_start3A_304 = tpu.memref_squeeze %dma_start3A_303 : memref<1x64x128xf32, #tpu.memory_space<vmem>> -> memref<64x128xf32, #tpu.memory_space<vmem>>
    %dma_start3A_305 = arith.constant 0 : i32
    %dma_start3A_306 = tpu.memref_slice %arg9[%dma_start3A_299, %dma_start3A_305] : memref<8x128xi32, #tpu.memory_space<vmem>> -> memref<1x64xi32, #tpu.memory_space<vmem>>
    %dma_start3A_307 = tpu.memref_squeeze %dma_start3A_306 : memref<1x64xi32, #tpu.memory_space<vmem>> -> memref<64xi32, #tpu.memory_space<vmem>>
    %dma_start3A_308 = arith.constant 0 : i32
    %dma_start3A_309 = arith.constant 0 : i32
    %dma_start3A_310 = tpu.memref_slice %arg15[%dma_start3A_308, %dma_start3A_309] : memref<1000x128xf32, #tpu.memory_space<vmem_shared>> -> memref<1000x128xf32, #tpu.memory_space<vmem_shared>>
    tpu.enqueue_indirect_dma source(%dma_start3A_310 : memref<1000x128xf32, #tpu.memory_space<vmem_shared>>) target(%dma_start3A_304 : memref<64x128xf32, #tpu.memory_space<vmem>>) offsets(%dma_start3A_307 : memref<64xi32, #tpu.memory_space<vmem>>) semaphore(%arg17 : memref<!tpu.dma_semaphore, #tpu.memory_space<semaphore_mem>>)
    %dma_wait3A_311 = arith.constant 0 : i32
    %dma_wait3A_312 = arith.constant 0 : i32
    %dma_wait3A_313 = arith.constant 0 : i32
    %dma_wait3A_314 = arith.constant 0 : i32
    %dma_wait3A_315 = tpu.memref_slice %arg10[%dma_wait3A_312, %dma_wait3A_313, %dma_wait3A_314] : memref<8x64x128xf32, #tpu.memory_space<vmem>> -> memref<1x64x128xf32, #tpu.memory_space<vmem>>
    %dma_wait3A_316 = tpu.memref_squeeze %dma_wait3A_315 : memref<1x64x128xf32, #tpu.memory_space<vmem>> -> memref<64x128xf32, #tpu.memory_space<vmem>>
    %dma_wait3A_317 = arith.constant 0 : i32
    %dma_wait3A_318 = tpu.memref_slice %arg9[%dma_wait3A_311, %dma_wait3A_317] : memref<8x128xi32, #tpu.memory_space<vmem>> -> memref<1x64xi32, #tpu.memory_space<vmem>>
    %dma_wait3A_319 = tpu.memref_squeeze %dma_wait3A_318 : memref<1x64xi32, #tpu.memory_space<vmem>> -> memref<64xi32, #tpu.memory_space<vmem>>
    %dma_wait3A_320 = arith.constant 0 : i32
    %dma_wait3A_321 = arith.constant 0 : i32
    %dma_wait3A_322 = tpu.memref_slice %arg12[%dma_wait3A_320, %dma_wait3A_321] : memref<1000x128xf32, #tpu.memory_space<vmem_shared>> -> memref<1000x128xf32, #tpu.memory_space<vmem_shared>>
    tpu.wait_indirect_dma semaphore(%arg17 : memref<!tpu.dma_semaphore, #tpu.memory_space<semaphore_mem>>) src(%dma_wait3A_322 : memref<1000x128xf32, #tpu.memory_space<vmem_shared>>) dst(%dma_wait3A_316 : memref<64x128xf32, #tpu.memory_space<vmem>>)
    %dma_wait3A_323 = arith.constant 1 : i32
    %dma_wait3A_324 = arith.constant 1 : i32
    %dma_wait3A_325 = arith.constant 0 : i32
    %dma_wait3A_326 = arith.constant 0 : i32
    %dma_wait3A_327 = tpu.memref_slice %arg10[%dma_wait3A_324, %dma_wait3A_325, %dma_wait3A_326] : memref<8x64x128xf32, #tpu.memory_space<vmem>> -> memref<1x64x128xf32, #tpu.memory_space<vmem>>
    %dma_wait3A_328 = tpu.memref_squeeze %dma_wait3A_327 : memref<1x64x128xf32, #tpu.memory_space<vmem>> -> memref<64x128xf32, #tpu.memory_space<vmem>>
    %dma_wait3A_329 = arith.constant 0 : i32
    %dma_wait3A_330 = tpu.memref_slice %arg9[%dma_wait3A_323, %dma_wait3A_329] : memref<8x128xi32, #tpu.memory_space<vmem>> -> memref<1x64xi32, #tpu.memory_space<vmem>>
    %dma_wait3A_331 = tpu.memref_squeeze %dma_wait3A_330 : memref<1x64xi32, #tpu.memory_space<vmem>> -> memref<64xi32, #tpu.memory_space<vmem>>
    %dma_wait3A_332 = arith.constant 0 : i32
    %dma_wait3A_333 = arith.constant 0 : i32
    %dma_wait3A_334 = tpu.memref_slice %arg13[%dma_wait3A_332, %dma_wait3A_333] : memref<1000x128xf32, #tpu.memory_space<vmem_shared>> -> memref<1000x128xf32, #tpu.memory_space<vmem_shared>>
    tpu.wait_indirect_dma semaphore(%arg17 : memref<!tpu.dma_semaphore, #tpu.memory_space<semaphore_mem>>) src(%dma_wait3A_334 : memref<1000x128xf32, #tpu.memory_space<vmem_shared>>) dst(%dma_wait3A_328 : memref<64x128xf32, #tpu.memory_space<vmem>>)
    %dma_wait3A_335 = arith.constant 2 : i32
    %dma_wait3A_336 = arith.constant 2 : i32
    %dma_wait3A_337 = arith.constant 0 : i32
    %dma_wait3A_338 = arith.constant 0 : i32
    %dma_wait3A_339 = tpu.memref_slice %arg10[%dma_wait3A_336, %dma_wait3A_337, %dma_wait3A_338] : memref<8x64x128xf32, #tpu.memory_space<vmem>> -> memref<1x64x128xf32, #tpu.memory_space<vmem>>
    %dma_wait3A_340 = tpu.memref_squeeze %dma_wait3A_339 : memref<1x64x128xf32, #tpu.memory_space<vmem>> -> memref<64x128xf32, #tpu.memory_space<vmem>>
    %dma_wait3A_341 = arith.constant 0 : i32
    %dma_wait3A_342 = tpu.memref_slice %arg9[%dma_wait3A_335, %dma_wait3A_341] : memref<8x128xi32, #tpu.memory_space<vmem>> -> memref<1x64xi32, #tpu.memory_space<vmem>>
    %dma_wait3A_343 = tpu.memref_squeeze %dma_wait3A_342 : memref<1x64xi32, #tpu.memory_space<vmem>> -> memref<64xi32, #tpu.memory_space<vmem>>
    %dma_wait3A_344 = arith.constant 0 : i32
    %dma_wait3A_345 = arith.constant 0 : i32
    %dma_wait3A_346 = tpu.memref_slice %arg14[%dma_wait3A_344, %dma_wait3A_345] : memref<1000x128xf32, #tpu.memory_space<vmem_shared>> -> memref<1000x128xf32, #tpu.memory_space<vmem_shared>>
    tpu.wait_indirect_dma semaphore(%arg17 : memref<!tpu.dma_semaphore, #tpu.memory_space<semaphore_mem>>) src(%dma_wait3A_346 : memref<1000x128xf32, #tpu.memory_space<vmem_shared>>) dst(%dma_wait3A_340 : memref<64x128xf32, #tpu.memory_space<vmem>>)
    %dma_wait3A_347 = arith.constant 3 : i32
    %dma_wait3A_348 = arith.constant 3 : i32
    %dma_wait3A_349 = arith.constant 0 : i32
    %dma_wait3A_350 = arith.constant 0 : i32
    %dma_wait3A_351 = tpu.memref_slice %arg10[%dma_wait3A_348, %dma_wait3A_349, %dma_wait3A_350] : memref<8x64x128xf32, #tpu.memory_space<vmem>> -> memref<1x64x128xf32, #tpu.memory_space<vmem>>
    %dma_wait3A_352 = tpu.memref_squeeze %dma_wait3A_351 : memref<1x64x128xf32, #tpu.memory_space<vmem>> -> memref<64x128xf32, #tpu.memory_space<vmem>>
    %dma_wait3A_353 = arith.constant 0 : i32
    %dma_wait3A_354 = tpu.memref_slice %arg9[%dma_wait3A_347, %dma_wait3A_353] : memref<8x128xi32, #tpu.memory_space<vmem>> -> memref<1x64xi32, #tpu.memory_space<vmem>>
    %dma_wait3A_355 = tpu.memref_squeeze %dma_wait3A_354 : memref<1x64xi32, #tpu.memory_space<vmem>> -> memref<64xi32, #tpu.memory_space<vmem>>
    %dma_wait3A_356 = arith.constant 0 : i32
    %dma_wait3A_357 = arith.constant 0 : i32
    %dma_wait3A_358 = tpu.memref_slice %arg16[%dma_wait3A_356, %dma_wait3A_357] : memref<2x128xf32, #tpu.memory_space<vmem_shared>> -> memref<2x128xf32, #tpu.memory_space<vmem_shared>>
    tpu.wait_indirect_dma semaphore(%arg17 : memref<!tpu.dma_semaphore, #tpu.memory_space<semaphore_mem>>) src(%dma_wait3A_358 : memref<2x128xf32, #tpu.memory_space<vmem_shared>>) dst(%dma_wait3A_352 : memref<64x128xf32, #tpu.memory_space<vmem>>)
    %dma_wait3A_359 = arith.constant 4 : i32
    %dma_wait3A_360 = arith.constant 4 : i32
    %dma_wait3A_361 = arith.constant 0 : i32
    %dma_wait3A_362 = arith.constant 0 : i32
    %dma_wait3A_363 = tpu.memref_slice %arg10[%dma_wait3A_360, %dma_wait3A_361, %dma_wait3A_362] : memref<8x64x128xf32, #tpu.memory_space<vmem>> -> memref<1x64x128xf32, #tpu.memory_space<vmem>>
    %dma_wait3A_364 = tpu.memref_squeeze %dma_wait3A_363 : memref<1x64x128xf32, #tpu.memory_space<vmem>> -> memref<64x128xf32, #tpu.memory_space<vmem>>
    %dma_wait3A_365 = arith.constant 0 : i32
    %dma_wait3A_366 = tpu.memref_slice %arg9[%dma_wait3A_359, %dma_wait3A_365] : memref<8x128xi32, #tpu.memory_space<vmem>> -> memref<1x64xi32, #tpu.memory_space<vmem>>
    %dma_wait3A_367 = tpu.memref_squeeze %dma_wait3A_366 : memref<1x64xi32, #tpu.memory_space<vmem>> -> memref<64xi32, #tpu.memory_space<vmem>>
    %dma_wait3A_368 = arith.constant 0 : i32
    %dma_wait3A_369 = arith.constant 0 : i32
    %dma_wait3A_370 = tpu.memref_slice %arg15[%dma_wait3A_368, %dma_wait3A_369] : memref<1000x128xf32, #tpu.memory_space<vmem_shared>> -> memref<1000x128xf32, #tpu.memory_space<vmem_shared>>
    tpu.wait_indirect_dma semaphore(%arg17 : memref<!tpu.dma_semaphore, #tpu.memory_space<semaphore_mem>>) src(%dma_wait3A_370 : memref<1000x128xf32, #tpu.memory_space<vmem_shared>>) dst(%dma_wait3A_364 : memref<64x128xf32, #tpu.memory_space<vmem>>)
    %dma_wait3A_371 = arith.constant 5 : i32
    %dma_wait3A_372 = arith.constant 5 : i32
    %dma_wait3A_373 = arith.constant 0 : i32
    %dma_wait3A_374 = arith.constant 0 : i32
    %dma_wait3A_375 = tpu.memref_slice %arg10[%dma_wait3A_372, %dma_wait3A_373, %dma_wait3A_374] : memref<8x64x128xf32, #tpu.memory_space<vmem>> -> memref<1x64x128xf32, #tpu.memory_space<vmem>>
    %dma_wait3A_376 = tpu.memref_squeeze %dma_wait3A_375 : memref<1x64x128xf32, #tpu.memory_space<vmem>> -> memref<64x128xf32, #tpu.memory_space<vmem>>
    %dma_wait3A_377 = arith.constant 0 : i32
    %dma_wait3A_378 = tpu.memref_slice %arg9[%dma_wait3A_371, %dma_wait3A_377] : memref<8x128xi32, #tpu.memory_space<vmem>> -> memref<1x64xi32, #tpu.memory_space<vmem>>
    %dma_wait3A_379 = tpu.memref_squeeze %dma_wait3A_378 : memref<1x64xi32, #tpu.memory_space<vmem>> -> memref<64xi32, #tpu.memory_space<vmem>>
    %dma_wait3A_380 = arith.constant 0 : i32
    %dma_wait3A_381 = arith.constant 0 : i32
    %dma_wait3A_382 = tpu.memref_slice %arg15[%dma_wait3A_380, %dma_wait3A_381] : memref<1000x128xf32, #tpu.memory_space<vmem_shared>> -> memref<1000x128xf32, #tpu.memory_space<vmem_shared>>
    tpu.wait_indirect_dma semaphore(%arg17 : memref<!tpu.dma_semaphore, #tpu.memory_space<semaphore_mem>>) src(%dma_wait3A_382 : memref<1000x128xf32, #tpu.memory_space<vmem_shared>>) dst(%dma_wait3A_376 : memref<64x128xf32, #tpu.memory_space<vmem>>)
    %dma_wait3A_383 = arith.constant 6 : i32
    %dma_wait3A_384 = arith.constant 6 : i32
    %dma_wait3A_385 = arith.constant 0 : i32
    %dma_wait3A_386 = arith.constant 0 : i32
    %dma_wait3A_387 = tpu.memref_slice %arg10[%dma_wait3A_384, %dma_wait3A_385, %dma_wait3A_386] : memref<8x64x128xf32, #tpu.memory_space<vmem>> -> memref<1x64x128xf32, #tpu.memory_space<vmem>>
    %dma_wait3A_388 = tpu.memref_squeeze %dma_wait3A_387 : memref<1x64x128xf32, #tpu.memory_space<vmem>> -> memref<64x128xf32, #tpu.memory_space<vmem>>
    %dma_wait3A_389 = arith.constant 0 : i32
    %dma_wait3A_390 = tpu.memref_slice %arg9[%dma_wait3A_383, %dma_wait3A_389] : memref<8x128xi32, #tpu.memory_space<vmem>> -> memref<1x64xi32, #tpu.memory_space<vmem>>
    %dma_wait3A_391 = tpu.memref_squeeze %dma_wait3A_390 : memref<1x64xi32, #tpu.memory_space<vmem>> -> memref<64xi32, #tpu.memory_space<vmem>>
    %dma_wait3A_392 = arith.constant 0 : i32
    %dma_wait3A_393 = arith.constant 0 : i32
    %dma_wait3A_394 = tpu.memref_slice %arg15[%dma_wait3A_392, %dma_wait3A_393] : memref<1000x128xf32, #tpu.memory_space<vmem_shared>> -> memref<1000x128xf32, #tpu.memory_space<vmem_shared>>
    tpu.wait_indirect_dma semaphore(%arg17 : memref<!tpu.dma_semaphore, #tpu.memory_space<semaphore_mem>>) src(%dma_wait3A_394 : memref<1000x128xf32, #tpu.memory_space<vmem_shared>>) dst(%dma_wait3A_388 : memref<64x128xf32, #tpu.memory_space<vmem>>)
    %dma_wait3A_395 = arith.constant 7 : i32
    %dma_wait3A_396 = arith.constant 7 : i32
    %dma_wait3A_397 = arith.constant 0 : i32
    %dma_wait3A_398 = arith.constant 0 : i32
    %dma_wait3A_399 = tpu.memref_slice %arg10[%dma_wait3A_396, %dma_wait3A_397, %dma_wait3A_398] : memref<8x64x128xf32, #tpu.memory_space<vmem>> -> memref<1x64x128xf32, #tpu.memory_space<vmem>>
    %dma_wait3A_400 = tpu.memref_squeeze %dma_wait3A_399 : memref<1x64x128xf32, #tpu.memory_space<vmem>> -> memref<64x128xf32, #tpu.memory_space<vmem>>
    %dma_wait3A_401 = arith.constant 0 : i32
    %dma_wait3A_402 = tpu.memref_slice %arg9[%dma_wait3A_395, %dma_wait3A_401] : memref<8x128xi32, #tpu.memory_space<vmem>> -> memref<1x64xi32, #tpu.memory_space<vmem>>
    %dma_wait3A_403 = tpu.memref_squeeze %dma_wait3A_402 : memref<1x64xi32, #tpu.memory_space<vmem>> -> memref<64xi32, #tpu.memory_space<vmem>>
    %dma_wait3A_404 = arith.constant 0 : i32
    %dma_wait3A_405 = arith.constant 0 : i32
    %dma_wait3A_406 = tpu.memref_slice %arg15[%dma_wait3A_404, %dma_wait3A_405] : memref<1000x128xf32, #tpu.memory_space<vmem_shared>> -> memref<1000x128xf32, #tpu.memory_space<vmem_shared>>
    tpu.wait_indirect_dma semaphore(%arg17 : memref<!tpu.dma_semaphore, #tpu.memory_space<semaphore_mem>>) src(%dma_wait3A_406 : memref<1000x128xf32, #tpu.memory_space<vmem_shared>>) dst(%dma_wait3A_400 : memref<64x128xf32, #tpu.memory_space<vmem>>)
    %scan3A = arith.constant 0 : i32
    %scan3A_407 = arith.constant 0 : i32
    %scan3A_408 = arith.constant 64 : i32
    %scan3A_409 = arith.addi %scan3A_407, %scan3A_408 : i32
    %scan3A_410 = arith.constant 1 : i32
    scf.for %scan3A_610 = %scan3A_407 to %scan3A_409 step %scan3A_410  : i32 {
      %get3A = arith.constant 4 : i32
      %get3A_611 = arith.index_cast %get3A : i32 to index
      %get3A_612 = arith.index_cast %scan3A_610 : i32 to index
      %get3A_613 = arith.constant 0 : index
      %get3A_614 = tpu.vector_load %arg10[%get3A_611, %get3A_612, %get3A_613] {strides = array<i32>} : memref<8x64x128xf32, #tpu.memory_space<vmem>>, vector<1x1x16xf32>,
      %get3A_615 = vector.shape_cast %get3A_614 : vector<1x1x16xf32> to vector<16xf32>
      %get3A_616 = arith.constant 5 : i32
      %get3A_617 = arith.index_cast %get3A_616 : i32 to index
      %get3A_618 = arith.index_cast %scan3A_610 : i32 to index
      %get3A_619 = arith.constant 0 : index
      %get3A_620 = tpu.vector_load %arg10[%get3A_617, %get3A_618, %get3A_619] {strides = array<i32>} : memref<8x64x128xf32, #tpu.memory_space<vmem>>, vector<1x1x16xf32>,
      %get3A_621 = vector.shape_cast %get3A_620 : vector<1x1x16xf32> to vector<16xf32>
      %add3A_622 = arith.addf %get3A_615, %get3A_621 : vector<16xf32>
      %get3A_623 = arith.constant 6 : i32
      %get3A_624 = arith.index_cast %get3A_623 : i32 to index
      %get3A_625 = arith.index_cast %scan3A_610 : i32 to index
      %get3A_626 = arith.constant 0 : index
      %get3A_627 = tpu.vector_load %arg10[%get3A_624, %get3A_625, %get3A_626] {strides = array<i32>} : memref<8x64x128xf32, #tpu.memory_space<vmem>>, vector<1x1x16xf32>,
      %get3A_628 = vector.shape_cast %get3A_627 : vector<1x1x16xf32> to vector<16xf32>
      %add3A_629 = arith.addf %add3A_622, %get3A_628 : vector<16xf32>
      %get3A_630 = arith.constant 7 : i32
      %get3A_631 = arith.index_cast %get3A_630 : i32 to index
      %get3A_632 = arith.index_cast %scan3A_610 : i32 to index
      %get3A_633 = arith.constant 0 : index
      %get3A_634 = tpu.vector_load %arg10[%get3A_631, %get3A_632, %get3A_633] {strides = array<i32>} : memref<8x64x128xf32, #tpu.memory_space<vmem>>, vector<1x1x16xf32>,
      %get3A_635 = vector.shape_cast %get3A_634 : vector<1x1x16xf32> to vector<16xf32>
      %add3A_636 = arith.addf %add3A_629, %get3A_635 : vector<16xf32>
      %get3A_637 = arith.constant 0 : i32
      %get3A_638 = arith.index_cast %get3A_637 : i32 to index
      %get3A_639 = arith.index_cast %scan3A_610 : i32 to index
      %get3A_640 = arith.constant 0 : index
      %get3A_641 = tpu.vector_load %arg10[%get3A_638, %get3A_639, %get3A_640] {strides = array<i32>} : memref<8x64x128xf32, #tpu.memory_space<vmem>>, vector<1x1x16xf32>,
      %get3A_642 = vector.shape_cast %get3A_641 : vector<1x1x16xf32> to vector<16xf32>
      %max3A = arith.constant 0.000000e+00 : f32
      %max3A_643 = vector.broadcast %max3A : f32 to vector<16xf32>
      %max3A_644 = arith.maximumf %get3A_642, %max3A_643 : vector<16xf32>
      %get3A_645 = arith.constant 1 : i32
      %get3A_646 = arith.index_cast %get3A_645 : i32 to index
      %get3A_647 = arith.index_cast %scan3A_610 : i32 to index
      %get3A_648 = arith.constant 0 : index
      %get3A_649 = tpu.vector_load %arg10[%get3A_646, %get3A_647, %get3A_648] {strides = array<i32>} : memref<8x64x128xf32, #tpu.memory_space<vmem>>, vector<1x1x16xf32>,
      %get3A_650 = vector.shape_cast %get3A_649 : vector<1x1x16xf32> to vector<16xf32>
      %max3A_651 = arith.constant 0.000000e+00 : f32
      %max3A_652 = vector.broadcast %max3A_651 : f32 to vector<16xf32>
      %max3A_653 = arith.maximumf %get3A_650, %max3A_652 : vector<16xf32>
      %add3A_654 = arith.addf %max3A_644, %max3A_653 : vector<16xf32>
      %get3A_655 = arith.constant 2 : i32
      %get3A_656 = arith.index_cast %get3A_655 : i32 to index
      %get3A_657 = arith.index_cast %scan3A_610 : i32 to index
      %get3A_658 = arith.constant 0 : index
      %get3A_659 = tpu.vector_load %arg10[%get3A_656, %get3A_657, %get3A_658] {strides = array<i32>} : memref<8x64x128xf32, #tpu.memory_space<vmem>>, vector<1x1x16xf32>,
      %get3A_660 = vector.shape_cast %get3A_659 : vector<1x1x16xf32> to vector<16xf32>
      %max3A_661 = arith.constant 0.000000e+00 : f32
      %max3A_662 = vector.broadcast %max3A_661 : f32 to vector<16xf32>
      %max3A_663 = arith.maximumf %get3A_660, %max3A_662 : vector<16xf32>
      %add3A_664 = arith.addf %add3A_654, %max3A_663 : vector<16xf32>
      %get3A_665 = arith.constant 3 : i32
      %get3A_666 = arith.index_cast %get3A_665 : i32 to index
      %get3A_667 = arith.index_cast %scan3A_610 : i32 to index
      %get3A_668 = arith.constant 0 : index
      %get3A_669 = tpu.vector_load %arg10[%get3A_666, %get3A_667, %get3A_668] {strides = array<i32>} : memref<8x64x128xf32, #tpu.memory_space<vmem>>, vector<1x1x16xf32>,
      %get3A_670 = vector.shape_cast %get3A_669 : vector<1x1x16xf32> to vector<16xf32>
      %max3A_671 = arith.constant 0.000000e+00 : f32
      %max3A_672 = vector.broadcast %max3A_671 : f32 to vector<16xf32>
      %max3A_673 = arith.maximumf %get3A_670, %max3A_672 : vector<16xf32>
      %add3A_674 = arith.addf %add3A_664, %max3A_673 : vector<16xf32>
      %mul3A_675 = arith.constant 2.500000e-01 : f32
      %mul3A_676 = vector.broadcast %mul3A_675 : f32 to vector<16xf32>
      %mul3A_677 = arith.mulf %add3A_636, %mul3A_676 : vector<16xf32>
      %max3A_678 = arith.constant 0.000000e+00 : f32
      %max3A_679 = vector.broadcast %max3A_678 : f32 to vector<16xf32>
      %max3A_680 = arith.maximumf %mul3A_677, %max3A_679 : vector<16xf32>
      %add3A_681 = arith.addf %add3A_674, %max3A_680 : vector<16xf32>
      %add3A_682 = arith.constant 0 : i32
      %add3A_683 = arith.addi %add3A_682, %scan3A_610 : i32
      %swap3A = arith.index_cast %add3A_683 : i32 to index
      %swap3A_684 = arith.constant 0 : index
      %swap3A_685 = tpu.vector_load %arg11[%swap3A, %swap3A_684] {strides = array<i32>} : memref<128x128xf32, #tpu.memory_space<vmem>>, vector<1x16xf32>,
      %swap3A_686 = vector.shape_cast %swap3A_685 : vector<1x16xf32> to vector<16xf32>
      %swap3A_687 = vector.shape_cast %add3A_681 : vector<16xf32> to vector<1x16xf32>
      tpu.vector_store %arg11[%swap3A, %swap3A_684], %swap3A_687 {strides = array<i32>} : memref<128x128xf32, #tpu.memory_space<vmem>>, vector<1x16xf32>,
      %get3A_688 = arith.constant 4 : i32
      %get3A_689 = arith.index_cast %get3A_688 : i32 to index
      %get3A_690 = arith.index_cast %scan3A_610 : i32 to index
      %get3A_691 = arith.constant 16 : index
      %get3A_692 = tpu.vector_load %arg10[%get3A_689, %get3A_690, %get3A_691] {strides = array<i32>} : memref<8x64x128xf32, #tpu.memory_space<vmem>>, vector<1x1x16xf32>,
      %get3A_693 = vector.shape_cast %get3A_692 : vector<1x1x16xf32> to vector<16xf32>
      %get3A_694 = arith.constant 5 : i32
      %get3A_695 = arith.index_cast %get3A_694 : i32 to index
      %get3A_696 = arith.index_cast %scan3A_610 : i32 to index
      %get3A_697 = arith.constant 16 : index
      %get3A_698 = tpu.vector_load %arg10[%get3A_695, %get3A_696, %get3A_697] {strides = array<i32>} : memref<8x64x128xf32, #tpu.memory_space<vmem>>, vector<1x1x16xf32>,
      %get3A_699 = vector.shape_cast %get3A_698 : vector<1x1x16xf32> to vector<16xf32>
      %add3A_700 = arith.addf %get3A_693, %get3A_699 : vector<16xf32>
      %get3A_701 = arith.constant 6 : i32
      %get3A_702 = arith.index_cast %get3A_701 : i32 to index
      %get3A_703 = arith.index_cast %scan3A_610 : i32 to index
      %get3A_704 = arith.constant 16 : index
      %get3A_705 = tpu.vector_load %arg10[%get3A_702, %get3A_703, %get3A_704] {strides = array<i32>} : memref<8x64x128xf32, #tpu.memory_space<vmem>>, vector<1x1x16xf32>,
      %get3A_706 = vector.shape_cast %get3A_705 : vector<1x1x16xf32> to vector<16xf32>
      %add3A_707 = arith.addf %add3A_700, %get3A_706 : vector<16xf32>
      %get3A_708 = arith.constant 7 : i32
      %get3A_709 = arith.index_cast %get3A_708 : i32 to index
      %get3A_710 = arith.index_cast %scan3A_610 : i32 to index
      %get3A_711 = arith.constant 16 : index
      %get3A_712 = tpu.vector_load %arg10[%get3A_709, %get3A_710, %get3A_711] {strides = array<i32>} : memref<8x64x128xf32, #tpu.memory_space<vmem>>, vector<1x1x16xf32>,
      %get3A_713 = vector.shape_cast %get3A_712 : vector<1x1x16xf32> to vector<16xf32>
      %add3A_714 = arith.addf %add3A_707, %get3A_713 : vector<16xf32>
      %get3A_715 = arith.constant 0 : i32
      %get3A_716 = arith.index_cast %get3A_715 : i32 to index
      %get3A_717 = arith.index_cast %scan3A_610 : i32 to index
      %get3A_718 = arith.constant 16 : index
      %get3A_719 = tpu.vector_load %arg10[%get3A_716, %get3A_717, %get3A_718] {strides = array<i32>} : memref<8x64x128xf32, #tpu.memory_space<vmem>>, vector<1x1x16xf32>,
      %get3A_720 = vector.shape_cast %get3A_719 : vector<1x1x16xf32> to vector<16xf32>
      %max3A_721 = arith.constant 0.000000e+00 : f32
      %max3A_722 = vector.broadcast %max3A_721 : f32 to vector<16xf32>
      %max3A_723 = arith.maximumf %get3A_720, %max3A_722 : vector<16xf32>
      %get3A_724 = arith.constant 1 : i32
      %get3A_725 = arith.index_cast %get3A_724 : i32 to index
      %get3A_726 = arith.index_cast %scan3A_610 : i32 to index
      %get3A_727 = arith.constant 16 : index
      %get3A_728 = tpu.vector_load %arg10[%get3A_725, %get3A_726, %get3A_727] {strides = array<i32>} : memref<8x64x128xf32, #tpu.memory_space<vmem>>, vector<1x1x16xf32>,
      %get3A_729 = vector.shape_cast %get3A_728 : vector<1x1x16xf32> to vector<16xf32>
      %max3A_730 = arith.constant 0.000000e+00 : f32
      %max3A_731 = vector.broadcast %max3A_730 : f32 to vector<16xf32>
      %max3A_732 = arith.maximumf %get3A_729, %max3A_731 : vector<16xf32>
      %add3A_733 = arith.addf %max3A_723, %max3A_732 : vector<16xf32>
      %get3A_734 = arith.constant 2 : i32
      %get3A_735 = arith.index_cast %get3A_734 : i32 to index
      %get3A_736 = arith.index_cast %scan3A_610 : i32 to index
      %get3A_737 = arith.constant 16 : index
      %get3A_738 = tpu.vector_load %arg10[%get3A_735, %get3A_736, %get3A_737] {strides = array<i32>} : memref<8x64x128xf32, #tpu.memory_space<vmem>>, vector<1x1x16xf32>,
      %get3A_739 = vector.shape_cast %get3A_738 : vector<1x1x16xf32> to vector<16xf32>
      %max3A_740 = arith.constant 0.000000e+00 : f32
      %max3A_741 = vector.broadcast %max3A_740 : f32 to vector<16xf32>
      %max3A_742 = arith.maximumf %get3A_739, %max3A_741 : vector<16xf32>
      %add3A_743 = arith.addf %add3A_733, %max3A_742 : vector<16xf32>
      %get3A_744 = arith.constant 3 : i32
      %get3A_745 = arith.index_cast %get3A_744 : i32 to index
      %get3A_746 = arith.index_cast %scan3A_610 : i32 to index
      %get3A_747 = arith.constant 16 : index
      %get3A_748 = tpu.vector_load %arg10[%get3A_745, %get3A_746, %get3A_747] {strides = array<i32>} : memref<8x64x128xf32, #tpu.memory_space<vmem>>, vector<1x1x16xf32>,
      %get3A_749 = vector.shape_cast %get3A_748 : vector<1x1x16xf32> to vector<16xf32>
      %max3A_750 = arith.constant 0.000000e+00 : f32
      %max3A_751 = vector.broadcast %max3A_750 : f32 to vector<16xf32>
      %max3A_752 = arith.maximumf %get3A_749, %max3A_751 : vector<16xf32>
      %add3A_753 = arith.addf %add3A_743, %max3A_752 : vector<16xf32>
      %mul3A_754 = arith.constant 2.500000e-01 : f32
      %mul3A_755 = vector.broadcast %mul3A_754 : f32 to vector<16xf32>
      %mul3A_756 = arith.mulf %add3A_714, %mul3A_755 : vector<16xf32>
      %max3A_757 = arith.constant 0.000000e+00 : f32
      %max3A_758 = vector.broadcast %max3A_757 : f32 to vector<16xf32>
      %max3A_759 = arith.maximumf %mul3A_756, %max3A_758 : vector<16xf32>
      %add3A_760 = arith.addf %add3A_753, %max3A_759 : vector<16xf32>
      %add3A_761 = arith.constant 0 : i32
      %add3A_762 = arith.addi %add3A_761, %scan3A_610 : i32
      %swap3A_763 = arith.index_cast %add3A_762 : i32 to index
      %swap3A_764 = arith.constant 16 : index
      %swap3A_765 = tpu.vector_load %arg11[%swap3A_763, %swap3A_764] {strides = array<i32>} : memref<128x128xf32, #tpu.memory_space<vmem>>, vector<1x16xf32>,
      %swap3A_766 = vector.shape_cast %swap3A_765 : vector<1x16xf32> to vector<16xf32>
      %swap3A_767 = vector.shape_cast %add3A_760 : vector<16xf32> to vector<1x16xf32>
      tpu.vector_store %arg11[%swap3A_763, %swap3A_764], %swap3A_767 {strides = array<i32>} : memref<128x128xf32, #tpu.memory_space<vmem>>, vector<1x16xf32>,
      %get3A_768 = arith.constant 4 : i32
      %get3A_769 = arith.index_cast %get3A_768 : i32 to index
      %get3A_770 = arith.index_cast %scan3A_610 : i32 to index
      %get3A_771 = arith.constant 32 : index
      %get3A_772 = tpu.vector_load %arg10[%get3A_769, %get3A_770, %get3A_771] {strides = array<i32>} : memref<8x64x128xf32, #tpu.memory_space<vmem>>, vector<1x1x16xf32>,
      %get3A_773 = vector.shape_cast %get3A_772 : vector<1x1x16xf32> to vector<16xf32>
      %get3A_774 = arith.constant 5 : i32
      %get3A_775 = arith.index_cast %get3A_774 : i32 to index
      %get3A_776 = arith.index_cast %scan3A_610 : i32 to index
      %get3A_777 = arith.constant 32 : index
      %get3A_778 = tpu.vector_load %arg10[%get3A_775, %get3A_776, %get3A_777] {strides = array<i32>} : memref<8x64x128xf32, #tpu.memory_space<vmem>>, vector<1x1x16xf32>,
      %get3A_779 = vector.shape_cast %get3A_778 : vector<1x1x16xf32> to vector<16xf32>
      %add3A_780 = arith.addf %get3A_773, %get3A_779 : vector<16xf32>
      %get3A_781 = arith.constant 6 : i32
      %get3A_782 = arith.index_cast %get3A_781 : i32 to index
      %get3A_783 = arith.index_cast %scan3A_610 : i32 to index
      %get3A_784 = arith.constant 32 : index
      %get3A_785 = tpu.vector_load %arg10[%get3A_782, %get3A_783, %get3A_784] {strides = array<i32>} : memref<8x64x128xf32, #tpu.memory_space<vmem>>, vector<1x1x16xf32>,
      %get3A_786 = vector.shape_cast %get3A_785 : vector<1x1x16xf32> to vector<16xf32>
      %add3A_787 = arith.addf %add3A_780, %get3A_786 : vector<16xf32>
      %get3A_788 = arith.constant 7 : i32
      %get3A_789 = arith.index_cast %get3A_788 : i32 to index
      %get3A_790 = arith.index_cast %scan3A_610 : i32 to index
      %get3A_791 = arith.constant 32 : index
      %get3A_792 = tpu.vector_load %arg10[%get3A_789, %get3A_790, %get3A_791] {strides = array<i32>} : memref<8x64x128xf32, #tpu.memory_space<vmem>>, vector<1x1x16xf32>,
      %get3A_793 = vector.shape_cast %get3A_792 : vector<1x1x16xf32> to vector<16xf32>
      %add3A_794 = arith.addf %add3A_787, %get3A_793 : vector<16xf32>
      %get3A_795 = arith.constant 0 : i32
      %get3A_796 = arith.index_cast %get3A_795 : i32 to index
      %get3A_797 = arith.index_cast %scan3A_610 : i32 to index
      %get3A_798 = arith.constant 32 : index
      %get3A_799 = tpu.vector_load %arg10[%get3A_796, %get3A_797, %get3A_798] {strides = array<i32>} : memref<8x64x128xf32, #tpu.memory_space<vmem>>, vector<1x1x16xf32>,
      %get3A_800 = vector.shape_cast %get3A_799 : vector<1x1x16xf32> to vector<16xf32>
      %max3A_801 = arith.constant 0.000000e+00 : f32
      %max3A_802 = vector.broadcast %max3A_801 : f32 to vector<16xf32>
      %max3A_803 = arith.maximumf %get3A_800, %max3A_802 : vector<16xf32>
      %get3A_804 = arith.constant 1 : i32
      %get3A_805 = arith.index_cast %get3A_804 : i32 to index
      %get3A_806 = arith.index_cast %scan3A_610 : i32 to index
      %get3A_807 = arith.constant 32 : index
      %get3A_808 = tpu.vector_load %arg10[%get3A_805, %get3A_806, %get3A_807] {strides = array<i32>} : memref<8x64x128xf32, #tpu.memory_space<vmem>>, vector<1x1x16xf32>,
      %get3A_809 = vector.shape_cast %get3A_808 : vector<1x1x16xf32> to vector<16xf32>
      %max3A_810 = arith.constant 0.000000e+00 : f32
      %max3A_811 = vector.broadcast %max3A_810 : f32 to vector<16xf32>
      %max3A_812 = arith.maximumf %get3A_809, %max3A_811 : vector<16xf32>
      %add3A_813 = arith.addf %max3A_803, %max3A_812 : vector<16xf32>
      %get3A_814 = arith.constant 2 : i32
      %get3A_815 = arith.index_cast %get3A_814 : i32 to index
      %get3A_816 = arith.index_cast %scan3A_610 : i32 to index
      %get3A_817 = arith.constant 32 : index
      %get3A_818 = tpu.vector_load %arg10[%get3A_815, %get3A_816, %get3A_817] {strides = array<i32>} : memref<8x64x128xf32, #tpu.memory_space<vmem>>, vector<1x1x16xf32>,
      %get3A_819 = vector.shape_cast %get3A_818 : vector<1x1x16xf32> to vector<16xf32>
      %max3A_820 = arith.constant 0.000000e+00 : f32
      %max3A_821 = vector.broadcast %max3A_820 : f32 to vector<16xf32>
      %max3A_822 = arith.maximumf %get3A_819, %max3A_821 : vector<16xf32>
      %add3A_823 = arith.addf %add3A_813, %max3A_822 : vector<16xf32>
      %get3A_824 = arith.constant 3 : i32
      %get3A_825 = arith.index_cast %get3A_824 : i32 to index
      %get3A_826 = arith.index_cast %scan3A_610 : i32 to index
      %get3A_827 = arith.constant 32 : index
      %get3A_828 = tpu.vector_load %arg10[%get3A_825, %get3A_826, %get3A_827] {strides = array<i32>} : memref<8x64x128xf32, #tpu.memory_space<vmem>>, vector<1x1x16xf32>,
      %get3A_829 = vector.shape_cast %get3A_828 : vector<1x1x16xf32> to vector<16xf32>
      %max3A_830 = arith.constant 0.000000e+00 : f32
      %max3A_831 = vector.broadcast %max3A_830 : f32 to vector<16xf32>
      %max3A_832 = arith.maximumf %get3A_829, %max3A_831 : vector<16xf32>
      %add3A_833 = arith.addf %add3A_823, %max3A_832 : vector<16xf32>
      %mul3A_834 = arith.constant 2.500000e-01 : f32
      %mul3A_835 = vector.broadcast %mul3A_834 : f32 to vector<16xf32>
      %mul3A_836 = arith.mulf %add3A_794, %mul3A_835 : vector<16xf32>
      %max3A_837 = arith.constant 0.000000e+00 : f32
      %max3A_838 = vector.broadcast %max3A_837 : f32 to vector<16xf32>
      %max3A_839 = arith.maximumf %mul3A_836, %max3A_838 : vector<16xf32>
      %add3A_840 = arith.addf %add3A_833, %max3A_839 : vector<16xf32>
      %add3A_841 = arith.constant 0 : i32
      %add3A_842 = arith.addi %add3A_841, %scan3A_610 : i32
      %swap3A_843 = arith.index_cast %add3A_842 : i32 to index
      %swap3A_844 = arith.constant 32 : index
      %swap3A_845 = tpu.vector_load %arg11[%swap3A_843, %swap3A_844] {strides = array<i32>} : memref<128x128xf32, #tpu.memory_space<vmem>>, vector<1x16xf32>,
      %swap3A_846 = vector.shape_cast %swap3A_845 : vector<1x16xf32> to vector<16xf32>
      %swap3A_847 = vector.shape_cast %add3A_840 : vector<16xf32> to vector<1x16xf32>
      tpu.vector_store %arg11[%swap3A_843, %swap3A_844], %swap3A_847 {strides = array<i32>} : memref<128x128xf32, #tpu.memory_space<vmem>>, vector<1x16xf32>,
      %get3A_848 = arith.constant 4 : i32
      %get3A_849 = arith.index_cast %get3A_848 : i32 to index
      %get3A_850 = arith.index_cast %scan3A_610 : i32 to index
      %get3A_851 = arith.constant 48 : index
      %get3A_852 = tpu.vector_load %arg10[%get3A_849, %get3A_850, %get3A_851] {strides = array<i32>} : memref<8x64x128xf32, #tpu.memory_space<vmem>>, vector<1x1x16xf32>,
      %get3A_853 = vector.shape_cast %get3A_852 : vector<1x1x16xf32> to vector<16xf32>
      %get3A_854 = arith.constant 5 : i32
      %get3A_855 = arith.index_cast %get3A_854 : i32 to index
      %get3A_856 = arith.index_cast %scan3A_610 : i32 to index
      %get3A_857 = arith.constant 48 : index
      %get3A_858 = tpu.vector_load %arg10[%get3A_855, %get3A_856, %get3A_857] {strides = array<i32>} : memref<8x64x128xf32, #tpu.memory_space<vmem>>, vector<1x1x16xf32>,
      %get3A_859 = vector.shape_cast %get3A_858 : vector<1x1x16xf32> to vector<16xf32>
      %add3A_860 = arith.addf %get3A_853, %get3A_859 : vector<16xf32>
      %get3A_861 = arith.constant 6 : i32
      %get3A_862 = arith.index_cast %get3A_861 : i32 to index
      %get3A_863 = arith.index_cast %scan3A_610 : i32 to index
      %get3A_864 = arith.constant 48 : index
      %get3A_865 = tpu.vector_load %arg10[%get3A_862, %get3A_863, %get3A_864] {strides = array<i32>} : memref<8x64x128xf32, #tpu.memory_space<vmem>>, vector<1x1x16xf32>,
      %get3A_866 = vector.shape_cast %get3A_865 : vector<1x1x16xf32> to vector<16xf32>
      %add3A_867 = arith.addf %add3A_860, %get3A_866 : vector<16xf32>
      %get3A_868 = arith.constant 7 : i32
      %get3A_869 = arith.index_cast %get3A_868 : i32 to index
      %get3A_870 = arith.index_cast %scan3A_610 : i32 to index
      %get3A_871 = arith.constant 48 : index
      %get3A_872 = tpu.vector_load %arg10[%get3A_869, %get3A_870, %get3A_871] {strides = array<i32>} : memref<8x64x128xf32, #tpu.memory_space<vmem>>, vector<1x1x16xf32>,
      %get3A_873 = vector.shape_cast %get3A_872 : vector<1x1x16xf32> to vector<16xf32>
      %add3A_874 = arith.addf %add3A_867, %get3A_873 : vector<16xf32>
      %get3A_875 = arith.constant 0 : i32
      %get3A_876 = arith.index_cast %get3A_875 : i32 to index
      %get3A_877 = arith.index_cast %scan3A_610 : i32 to index
      %get3A_878 = arith.constant 48 : index
      %get3A_879 = tpu.vector_load %arg10[%get3A_876, %get3A_877, %get3A_878] {strides = array<i32>} : memref<8x64x128xf32, #tpu.memory_space<vmem>>, vector<1x1x16xf32>,
      %get3A_880 = vector.shape_cast %get3A_879 : vector<1x1x16xf32> to vector<16xf32>
      %max3A_881 = arith.constant 0.000000e+00 : f32
      %max3A_882 = vector.broadcast %max3A_881 : f32 to vector<16xf32>
      %max3A_883 = arith.maximumf %get3A_880, %max3A_882 : vector<16xf32>
      %get3A_884 = arith.constant 1 : i32
      %get3A_885 = arith.index_cast %get3A_884 : i32 to index
      %get3A_886 = arith.index_cast %scan3A_610 : i32 to index
      %get3A_887 = arith.constant 48 : index
      %get3A_888 = tpu.vector_load %arg10[%get3A_885, %get3A_886, %get3A_887] {strides = array<i32>} : memref<8x64x128xf32, #tpu.memory_space<vmem>>, vector<1x1x16xf32>,
      %get3A_889 = vector.shape_cast %get3A_888 : vector<1x1x16xf32> to vector<16xf32>
      %max3A_890 = arith.constant 0.000000e+00 : f32
      %max3A_891 = vector.broadcast %max3A_890 : f32 to vector<16xf32>
      %max3A_892 = arith.maximumf %get3A_889, %max3A_891 : vector<16xf32>
      %add3A_893 = arith.addf %max3A_883, %max3A_892 : vector<16xf32>
      %get3A_894 = arith.constant 2 : i32
      %get3A_895 = arith.index_cast %get3A_894 : i32 to index
      %get3A_896 = arith.index_cast %scan3A_610 : i32 to index
      %get3A_897 = arith.constant 48 : index
      %get3A_898 = tpu.vector_load %arg10[%get3A_895, %get3A_896, %get3A_897] {strides = array<i32>} : memref<8x64x128xf32, #tpu.memory_space<vmem>>, vector<1x1x16xf32>,
      %get3A_899 = vector.shape_cast %get3A_898 : vector<1x1x16xf32> to vector<16xf32>
      %max3A_900 = arith.constant 0.000000e+00 : f32
      %max3A_901 = vector.broadcast %max3A_900 : f32 to vector<16xf32>
      %max3A_902 = arith.maximumf %get3A_899, %max3A_901 : vector<16xf32>
      %add3A_903 = arith.addf %add3A_893, %max3A_902 : vector<16xf32>
      %get3A_904 = arith.constant 3 : i32
      %get3A_905 = arith.index_cast %get3A_904 : i32 to index
      %get3A_906 = arith.index_cast %scan3A_610 : i32 to index
      %get3A_907 = arith.constant 48 : index
      %get3A_908 = tpu.vector_load %arg10[%get3A_905, %get3A_906, %get3A_907] {strides = array<i32>} : memref<8x64x128xf32, #tpu.memory_space<vmem>>, vector<1x1x16xf32>,
      %get3A_909 = vector.shape_cast %get3A_908 : vector<1x1x16xf32> to vector<16xf32>
      %max3A_910 = arith.constant 0.000000e+00 : f32
      %max3A_911 = vector.broadcast %max3A_910 : f32 to vector<16xf32>
      %max3A_912 = arith.maximumf %get3A_909, %max3A_911 : vector<16xf32>
      %add3A_913 = arith.addf %add3A_903, %max3A_912 : vector<16xf32>
      %mul3A_914 = arith.constant 2.500000e-01 : f32
      %mul3A_915 = vector.broadcast %mul3A_914 : f32 to vector<16xf32>
      %mul3A_916 = arith.mulf %add3A_874, %mul3A_915 : vector<16xf32>
      %max3A_917 = arith.constant 0.000000e+00 : f32
      %max3A_918 = vector.broadcast %max3A_917 : f32 to vector<16xf32>
      %max3A_919 = arith.maximumf %mul3A_916, %max3A_918 : vector<16xf32>
      %add3A_920 = arith.addf %add3A_913, %max3A_919 : vector<16xf32>
      %add3A_921 = arith.constant 0 : i32
      %add3A_922 = arith.addi %add3A_921, %scan3A_610 : i32
      %swap3A_923 = arith.index_cast %add3A_922 : i32 to index
      %swap3A_924 = arith.constant 48 : index
      %swap3A_925 = tpu.vector_load %arg11[%swap3A_923, %swap3A_924] {strides = array<i32>} : memref<128x128xf32, #tpu.memory_space<vmem>>, vector<1x16xf32>,
      %swap3A_926 = vector.shape_cast %swap3A_925 : vector<1x16xf32> to vector<16xf32>
      %swap3A_927 = vector.shape_cast %add3A_920 : vector<16xf32> to vector<1x16xf32>
      tpu.vector_store %arg11[%swap3A_923, %swap3A_924], %swap3A_927 {strides = array<i32>} : memref<128x128xf32, #tpu.memory_space<vmem>>, vector<1x16xf32>,
      %get3A_928 = arith.constant 4 : i32
      %get3A_929 = arith.index_cast %get3A_928 : i32 to index
      %get3A_930 = arith.index_cast %scan3A_610 : i32 to index
      %get3A_931 = arith.constant 64 : index
      %get3A_932 = tpu.vector_load %arg10[%get3A_929, %get3A_930, %get3A_931] {strides = array<i32>} : memref<8x64x128xf32, #tpu.memory_space<vmem>>, vector<1x1x16xf32>,
      %get3A_933 = vector.shape_cast %get3A_932 : vector<1x1x16xf32> to vector<16xf32>
      %get3A_934 = arith.constant 5 : i32
      %get3A_935 = arith.index_cast %get3A_934 : i32 to index
      %get3A_936 = arith.index_cast %scan3A_610 : i32 to index
      %get3A_937 = arith.constant 64 : index
      %get3A_938 = tpu.vector_load %arg10[%get3A_935, %get3A_936, %get3A_937] {strides = array<i32>} : memref<8x64x128xf32, #tpu.memory_space<vmem>>, vector<1x1x16xf32>,
      %get3A_939 = vector.shape_cast %get3A_938 : vector<1x1x16xf32> to vector<16xf32>
      %add3A_940 = arith.addf %get3A_933, %get3A_939 : vector<16xf32>
      %get3A_941 = arith.constant 6 : i32
      %get3A_942 = arith.index_cast %get3A_941 : i32 to index
      %get3A_943 = arith.index_cast %scan3A_610 : i32 to index
      %get3A_944 = arith.constant 64 : index
      %get3A_945 = tpu.vector_load %arg10[%get3A_942, %get3A_943, %get3A_944] {strides = array<i32>} : memref<8x64x128xf32, #tpu.memory_space<vmem>>, vector<1x1x16xf32>,
      %get3A_946 = vector.shape_cast %get3A_945 : vector<1x1x16xf32> to vector<16xf32>
      %add3A_947 = arith.addf %add3A_940, %get3A_946 : vector<16xf32>
      %get3A_948 = arith.constant 7 : i32
      %get3A_949 = arith.index_cast %get3A_948 : i32 to index
      %get3A_950 = arith.index_cast %scan3A_610 : i32 to index
      %get3A_951 = arith.constant 64 : index
      %get3A_952 = tpu.vector_load %arg10[%get3A_949, %get3A_950, %get3A_951] {strides = array<i32>} : memref<8x64x128xf32, #tpu.memory_space<vmem>>, vector<1x1x16xf32>,
      %get3A_953 = vector.shape_cast %get3A_952 : vector<1x1x16xf32> to vector<16xf32>
      %add3A_954 = arith.addf %add3A_947, %get3A_953 : vector<16xf32>
      %get3A_955 = arith.constant 0 : i32
      %get3A_956 = arith.index_cast %get3A_955 : i32 to index
      %get3A_957 = arith.index_cast %scan3A_610 : i32 to index
      %get3A_958 = arith.constant 64 : index
      %get3A_959 = tpu.vector_load %arg10[%get3A_956, %get3A_957, %get3A_958] {strides = array<i32>} : memref<8x64x128xf32, #tpu.memory_space<vmem>>, vector<1x1x16xf32>,
      %get3A_960 = vector.shape_cast %get3A_959 : vector<1x1x16xf32> to vector<16xf32>
      %max3A_961 = arith.constant 0.000000e+00 : f32
      %max3A_962 = vector.broadcast %max3A_961 : f32 to vector<16xf32>
      %max3A_963 = arith.maximumf %get3A_960, %max3A_962 : vector<16xf32>
      %get3A_964 = arith.constant 1 : i32
      %get3A_965 = arith.index_cast %get3A_964 : i32 to index
      %get3A_966 = arith.index_cast %scan3A_610 : i32 to index
      %get3A_967 = arith.constant 64 : index
      %get3A_968 = tpu.vector_load %arg10[%get3A_965, %get3A_966, %get3A_967] {strides = array<i32>} : memref<8x64x128xf32, #tpu.memory_space<vmem>>, vector<1x1x16xf32>,
      %get3A_969 = vector.shape_cast %get3A_968 : vector<1x1x16xf32> to vector<16xf32>
      %max3A_970 = arith.constant 0.000000e+00 : f32
      %max3A_971 = vector.broadcast %max3A_970 : f32 to vector<16xf32>
      %max3A_972 = arith.maximumf %get3A_969, %max3A_971 : vector<16xf32>
      %add3A_973 = arith.addf %max3A_963, %max3A_972 : vector<16xf32>
      %get3A_974 = arith.constant 2 : i32
      %get3A_975 = arith.index_cast %get3A_974 : i32 to index
      %get3A_976 = arith.index_cast %scan3A_610 : i32 to index
      %get3A_977 = arith.constant 64 : index
      %get3A_978 = tpu.vector_load %arg10[%get3A_975, %get3A_976, %get3A_977] {strides = array<i32>} : memref<8x64x128xf32, #tpu.memory_space<vmem>>, vector<1x1x16xf32>,
      %get3A_979 = vector.shape_cast %get3A_978 : vector<1x1x16xf32> to vector<16xf32>
      %max3A_980 = arith.constant 0.000000e+00 : f32
      %max3A_981 = vector.broadcast %max3A_980 : f32 to vector<16xf32>
      %max3A_982 = arith.maximumf %get3A_979, %max3A_981 : vector<16xf32>
      %add3A_983 = arith.addf %add3A_973, %max3A_982 : vector<16xf32>
      %get3A_984 = arith.constant 3 : i32
      %get3A_985 = arith.index_cast %get3A_984 : i32 to index
      %get3A_986 = arith.index_cast %scan3A_610 : i32 to index
      %get3A_987 = arith.constant 64 : index
      %get3A_988 = tpu.vector_load %arg10[%get3A_985, %get3A_986, %get3A_987] {strides = array<i32>} : memref<8x64x128xf32, #tpu.memory_space<vmem>>, vector<1x1x16xf32>,
      %get3A_989 = vector.shape_cast %get3A_988 : vector<1x1x16xf32> to vector<16xf32>
      %max3A_990 = arith.constant 0.000000e+00 : f32
      %max3A_991 = vector.broadcast %max3A_990 : f32 to vector<16xf32>
      %max3A_992 = arith.maximumf %get3A_989, %max3A_991 : vector<16xf32>
      %add3A_993 = arith.addf %add3A_983, %max3A_992 : vector<16xf32>
      %mul3A_994 = arith.constant 2.500000e-01 : f32
      %mul3A_995 = vector.broadcast %mul3A_994 : f32 to vector<16xf32>
      %mul3A_996 = arith.mulf %add3A_954, %mul3A_995 : vector<16xf32>
      %max3A_997 = arith.constant 0.000000e+00 : f32
      %max3A_998 = vector.broadcast %max3A_997 : f32 to vector<16xf32>
      %max3A_999 = arith.maximumf %mul3A_996, %max3A_998 : vector<16xf32>
      %add3A_1000 = arith.addf %add3A_993, %max3A_999 : vector<16xf32>
      %add3A_1001 = arith.constant 0 : i32
      %add3A_1002 = arith.addi %add3A_1001, %scan3A_610 : i32
      %swap3A_1003 = arith.index_cast %add3A_1002 : i32 to index
      %swap3A_1004 = arith.constant 64 : index
      %swap3A_1005 = tpu.vector_load %arg11[%swap3A_1003, %swap3A_1004] {strides = array<i32>} : memref<128x128xf32, #tpu.memory_space<vmem>>, vector<1x16xf32>,
      %swap3A_1006 = vector.shape_cast %swap3A_1005 : vector<1x16xf32> to vector<16xf32>
      %swap3A_1007 = vector.shape_cast %add3A_1000 : vector<16xf32> to vector<1x16xf32>
      tpu.vector_store %arg11[%swap3A_1003, %swap3A_1004], %swap3A_1007 {strides = array<i32>} : memref<128x128xf32, #tpu.memory_space<vmem>>, vector<1x16xf32>,
      %get3A_1008 = arith.constant 4 : i32
      %get3A_1009 = arith.index_cast %get3A_1008 : i32 to index
      %get3A_1010 = arith.index_cast %scan3A_610 : i32 to index
      %get3A_1011 = arith.constant 80 : index
      %get3A_1012 = tpu.vector_load %arg10[%get3A_1009, %get3A_1010, %get3A_1011] {strides = array<i32>} : memref<8x64x128xf32, #tpu.memory_space<vmem>>, vector<1x1x16xf32>,
      %get3A_1013 = vector.shape_cast %get3A_1012 : vector<1x1x16xf32> to vector<16xf32>
      %get3A_1014 = arith.constant 5 : i32
      %get3A_1015 = arith.index_cast %get3A_1014 : i32 to index
      %get3A_1016 = arith.index_cast %scan3A_610 : i32 to index
      %get3A_1017 = arith.constant 80 : index
      %get3A_1018 = tpu.vector_load %arg10[%get3A_1015, %get3A_1016, %get3A_1017] {strides = array<i32>} : memref<8x64x128xf32, #tpu.memory_space<vmem>>, vector<1x1x16xf32>,
      %get3A_1019 = vector.shape_cast %get3A_1018 : vector<1x1x16xf32> to vector<16xf32>
      %add3A_1020 = arith.addf %get3A_1013, %get3A_1019 : vector<16xf32>
      %get3A_1021 = arith.constant 6 : i32
      %get3A_1022 = arith.index_cast %get3A_1021 : i32 to index
      %get3A_1023 = arith.index_cast %scan3A_610 : i32 to index
      %get3A_1024 = arith.constant 80 : index
      %get3A_1025 = tpu.vector_load %arg10[%get3A_1022, %get3A_1023, %get3A_1024] {strides = array<i32>} : memref<8x64x128xf32, #tpu.memory_space<vmem>>, vector<1x1x16xf32>,
      %get3A_1026 = vector.shape_cast %get3A_1025 : vector<1x1x16xf32> to vector<16xf32>
      %add3A_1027 = arith.addf %add3A_1020, %get3A_1026 : vector<16xf32>
      %get3A_1028 = arith.constant 7 : i32
      %get3A_1029 = arith.index_cast %get3A_1028 : i32 to index
      %get3A_1030 = arith.index_cast %scan3A_610 : i32 to index
      %get3A_1031 = arith.constant 80 : index
      %get3A_1032 = tpu.vector_load %arg10[%get3A_1029, %get3A_1030, %get3A_1031] {strides = array<i32>} : memref<8x64x128xf32, #tpu.memory_space<vmem>>, vector<1x1x16xf32>,
      %get3A_1033 = vector.shape_cast %get3A_1032 : vector<1x1x16xf32> to vector<16xf32>
      %add3A_1034 = arith.addf %add3A_1027, %get3A_1033 : vector<16xf32>
      %get3A_1035 = arith.constant 0 : i32
      %get3A_1036 = arith.index_cast %get3A_1035 : i32 to index
      %get3A_1037 = arith.index_cast %scan3A_610 : i32 to index
      %get3A_1038 = arith.constant 80 : index
      %get3A_1039 = tpu.vector_load %arg10[%get3A_1036, %get3A_1037, %get3A_1038] {strides = array<i32>} : memref<8x64x128xf32, #tpu.memory_space<vmem>>, vector<1x1x16xf32>,
      %get3A_1040 = vector.shape_cast %get3A_1039 : vector<1x1x16xf32> to vector<16xf32>
      %max3A_1041 = arith.constant 0.000000e+00 : f32
      %max3A_1042 = vector.broadcast %max3A_1041 : f32 to vector<16xf32>
      %max3A_1043 = arith.maximumf %get3A_1040, %max3A_1042 : vector<16xf32>
      %get3A_1044 = arith.constant 1 : i32
      %get3A_1045 = arith.index_cast %get3A_1044 : i32 to index
      %get3A_1046 = arith.index_cast %scan3A_610 : i32 to index
      %get3A_1047 = arith.constant 80 : index
      %get3A_1048 = tpu.vector_load %arg10[%get3A_1045, %get3A_1046, %get3A_1047] {strides = array<i32>} : memref<8x64x128xf32, #tpu.memory_space<vmem>>, vector<1x1x16xf32>,
      %get3A_1049 = vector.shape_cast %get3A_1048 : vector<1x1x16xf32> to vector<16xf32>
      %max3A_1050 = arith.constant 0.000000e+00 : f32
      %max3A_1051 = vector.broadcast %max3A_1050 : f32 to vector<16xf32>
      %max3A_1052 = arith.maximumf %get3A_1049, %max3A_1051 : vector<16xf32>
      %add3A_1053 = arith.addf %max3A_1043, %max3A_1052 : vector<16xf32>
      %get3A_1054 = arith.constant 2 : i32
      %get3A_1055 = arith.index_cast %get3A_1054 : i32 to index
      %get3A_1056 = arith.index_cast %scan3A_610 : i32 to index
      %get3A_1057 = arith.constant 80 : index
      %get3A_1058 = tpu.vector_load %arg10[%get3A_1055, %get3A_1056, %get3A_1057] {strides = array<i32>} : memref<8x64x128xf32, #tpu.memory_space<vmem>>, vector<1x1x16xf32>,
      %get3A_1059 = vector.shape_cast %get3A_1058 : vector<1x1x16xf32> to vector<16xf32>
      %max3A_1060 = arith.constant 0.000000e+00 : f32
      %max3A_1061 = vector.broadcast %max3A_1060 : f32 to vector<16xf32>
      %max3A_1062 = arith.maximumf %get3A_1059, %max3A_1061 : vector<16xf32>
      %add3A_1063 = arith.addf %add3A_1053, %max3A_1062 : vector<16xf32>
      %get3A_1064 = arith.constant 3 : i32
      %get3A_1065 = arith.index_cast %get3A_1064 : i32 to index
      %get3A_1066 = arith.index_cast %scan3A_610 : i32 to index
      %get3A_1067 = arith.constant 80 : index
      %get3A_1068 = tpu.vector_load %arg10[%get3A_1065, %get3A_1066, %get3A_1067] {strides = array<i32>} : memref<8x64x128xf32, #tpu.memory_space<vmem>>, vector<1x1x16xf32>,
      %get3A_1069 = vector.shape_cast %get3A_1068 : vector<1x1x16xf32> to vector<16xf32>
      %max3A_1070 = arith.constant 0.000000e+00 : f32
      %max3A_1071 = vector.broadcast %max3A_1070 : f32 to vector<16xf32>
      %max3A_1072 = arith.maximumf %get3A_1069, %max3A_1071 : vector<16xf32>
      %add3A_1073 = arith.addf %add3A_1063, %max3A_1072 : vector<16xf32>
      %mul3A_1074 = arith.constant 2.500000e-01 : f32
      %mul3A_1075 = vector.broadcast %mul3A_1074 : f32 to vector<16xf32>
      %mul3A_1076 = arith.mulf %add3A_1034, %mul3A_1075 : vector<16xf32>
      %max3A_1077 = arith.constant 0.000000e+00 : f32
      %max3A_1078 = vector.broadcast %max3A_1077 : f32 to vector<16xf32>
      %max3A_1079 = arith.maximumf %mul3A_1076, %max3A_1078 : vector<16xf32>
      %add3A_1080 = arith.addf %add3A_1073, %max3A_1079 : vector<16xf32>
      %add3A_1081 = arith.constant 0 : i32
      %add3A_1082 = arith.addi %add3A_1081, %scan3A_610 : i32
      %swap3A_1083 = arith.index_cast %add3A_1082 : i32 to index
      %swap3A_1084 = arith.constant 80 : index
      %swap3A_1085 = tpu.vector_load %arg11[%swap3A_1083, %swap3A_1084] {strides = array<i32>} : memref<128x128xf32, #tpu.memory_space<vmem>>, vector<1x16xf32>,
      %swap3A_1086 = vector.shape_cast %swap3A_1085 : vector<1x16xf32> to vector<16xf32>
      %swap3A_1087 = vector.shape_cast %add3A_1080 : vector<16xf32> to vector<1x16xf32>
      tpu.vector_store %arg11[%swap3A_1083, %swap3A_1084], %swap3A_1087 {strides = array<i32>} : memref<128x128xf32, #tpu.memory_space<vmem>>, vector<1x16xf32>,
      %get3A_1088 = arith.constant 4 : i32
      %get3A_1089 = arith.index_cast %get3A_1088 : i32 to index
      %get3A_1090 = arith.index_cast %scan3A_610 : i32 to index
      %get3A_1091 = arith.constant 96 : index
      %get3A_1092 = tpu.vector_load %arg10[%get3A_1089, %get3A_1090, %get3A_1091] {strides = array<i32>} : memref<8x64x128xf32, #tpu.memory_space<vmem>>, vector<1x1x16xf32>,
      %get3A_1093 = vector.shape_cast %get3A_1092 : vector<1x1x16xf32> to vector<16xf32>
      %get3A_1094 = arith.constant 5 : i32
      %get3A_1095 = arith.index_cast %get3A_1094 : i32 to index
      %get3A_1096 = arith.index_cast %scan3A_610 : i32 to index
      %get3A_1097 = arith.constant 96 : index
      %get3A_1098 = tpu.vector_load %arg10[%get3A_1095, %get3A_1096, %get3A_1097] {strides = array<i32>} : memref<8x64x128xf32, #tpu.memory_space<vmem>>, vector<1x1x16xf32>,
      %get3A_1099 = vector.shape_cast %get3A_1098 : vector<1x1x16xf32> to vector<16xf32>
      %add3A_1100 = arith.addf %get3A_1093, %get3A_1099 : vector<16xf32>
      %get3A_1101 = arith.constant 6 : i32
      %get3A_1102 = arith.index_cast %get3A_1101 : i32 to index
      %get3A_1103 = arith.index_cast %scan3A_610 : i32 to index
      %get3A_1104 = arith.constant 96 : index
      %get3A_1105 = tpu.vector_load %arg10[%get3A_1102, %get3A_1103, %get3A_1104] {strides = array<i32>} : memref<8x64x128xf32, #tpu.memory_space<vmem>>, vector<1x1x16xf32>,
      %get3A_1106 = vector.shape_cast %get3A_1105 : vector<1x1x16xf32> to vector<16xf32>
      %add3A_1107 = arith.addf %add3A_1100, %get3A_1106 : vector<16xf32>
      %get3A_1108 = arith.constant 7 : i32
      %get3A_1109 = arith.index_cast %get3A_1108 : i32 to index
      %get3A_1110 = arith.index_cast %scan3A_610 : i32 to index
      %get3A_1111 = arith.constant 96 : index
      %get3A_1112 = tpu.vector_load %arg10[%get3A_1109, %get3A_1110, %get3A_1111] {strides = array<i32>} : memref<8x64x128xf32, #tpu.memory_space<vmem>>, vector<1x1x16xf32>,
      %get3A_1113 = vector.shape_cast %get3A_1112 : vector<1x1x16xf32> to vector<16xf32>
      %add3A_1114 = arith.addf %add3A_1107, %get3A_1113 : vector<16xf32>
      %get3A_1115 = arith.constant 0 : i32
      %get3A_1116 = arith.index_cast %get3A_1115 : i32 to index
      %get3A_1117 = arith.index_cast %scan3A_610 : i32 to index
      %get3A_1118 = arith.constant 96 : index
      %get3A_1119 = tpu.vector_load %arg10[%get3A_1116, %get3A_1117, %get3A_1118] {strides = array<i32>} : memref<8x64x128xf32, #tpu.memory_space<vmem>>, vector<1x1x16xf32>,
      %get3A_1120 = vector.shape_cast %get3A_1119 : vector<1x1x16xf32> to vector<16xf32>
      %max3A_1121 = arith.constant 0.000000e+00 : f32
      %max3A_1122 = vector.broadcast %max3A_1121 : f32 to vector<16xf32>
      %max3A_1123 = arith.maximumf %get3A_1120, %max3A_1122 : vector<16xf32>
      %get3A_1124 = arith.constant 1 : i32
      %get3A_1125 = arith.index_cast %get3A_1124 : i32 to index
      %get3A_1126 = arith.index_cast %scan3A_610 : i32 to index
      %get3A_1127 = arith.constant 96 : index
      %get3A_1128 = tpu.vector_load %arg10[%get3A_1125, %get3A_1126, %get3A_1127] {strides = array<i32>} : memref<8x64x128xf32, #tpu.memory_space<vmem>>, vector<1x1x16xf32>,
      %get3A_1129 = vector.shape_cast %get3A_1128 : vector<1x1x16xf32> to vector<16xf32>
      %max3A_1130 = arith.constant 0.000000e+00 : f32
      %max3A_1131 = vector.broadcast %max3A_1130 : f32 to vector<16xf32>
      %max3A_1132 = arith.maximumf %get3A_1129, %max3A_1131 : vector<16xf32>
      %add3A_1133 = arith.addf %max3A_1123, %max3A_1132 : vector<16xf32>
      %get3A_1134 = arith.constant 2 : i32
      %get3A_1135 = arith.index_cast %get3A_1134 : i32 to index
      %get3A_1136 = arith.index_cast %scan3A_610 : i32 to index
      %get3A_1137 = arith.constant 96 : index
      %get3A_1138 = tpu.vector_load %arg10[%get3A_1135, %get3A_1136, %get3A_1137] {strides = array<i32>} : memref<8x64x128xf32, #tpu.memory_space<vmem>>, vector<1x1x16xf32>,
      %get3A_1139 = vector.shape_cast %get3A_1138 : vector<1x1x16xf32> to vector<16xf32>
      %max3A_1140 = arith.constant 0.000000e+00 : f32
      %max3A_1141 = vector.broadcast %max3A_1140 : f32 to vector<16xf32>
      %max3A_1142 = arith.maximumf %get3A_1139, %max3A_1141 : vector<16xf32>
      %add3A_1143 = arith.addf %add3A_1133, %max3A_1142 : vector<16xf32>
      %get3A_1144 = arith.constant 3 : i32
      %get3A_1145 = arith.index_cast %get3A_1144 : i32 to index
      %get3A_1146 = arith.index_cast %scan3A_610 : i32 to index
      %get3A_1147 = arith.constant 96 : index
      %get3A_1148 = tpu.vector_load %arg10[%get3A_1145, %get3A_1146, %get3A_1147] {strides = array<i32>} : memref<8x64x128xf32, #tpu.memory_space<vmem>>, vector<1x1x16xf32>,
      %get3A_1149 = vector.shape_cast %get3A_1148 : vector<1x1x16xf32> to vector<16xf32>
      %max3A_1150 = arith.constant 0.000000e+00 : f32
      %max3A_1151 = vector.broadcast %max3A_1150 : f32 to vector<16xf32>
      %max3A_1152 = arith.maximumf %get3A_1149, %max3A_1151 : vector<16xf32>
      %add3A_1153 = arith.addf %add3A_1143, %max3A_1152 : vector<16xf32>
      %mul3A_1154 = arith.constant 2.500000e-01 : f32
      %mul3A_1155 = vector.broadcast %mul3A_1154 : f32 to vector<16xf32>
      %mul3A_1156 = arith.mulf %add3A_1114, %mul3A_1155 : vector<16xf32>
      %max3A_1157 = arith.constant 0.000000e+00 : f32
      %max3A_1158 = vector.broadcast %max3A_1157 : f32 to vector<16xf32>
      %max3A_1159 = arith.maximumf %mul3A_1156, %max3A_1158 : vector<16xf32>
      %add3A_1160 = arith.addf %add3A_1153, %max3A_1159 : vector<16xf32>
      %add3A_1161 = arith.constant 0 : i32
      %add3A_1162 = arith.addi %add3A_1161, %scan3A_610 : i32
      %swap3A_1163 = arith.index_cast %add3A_1162 : i32 to index
      %swap3A_1164 = arith.constant 96 : index
      %swap3A_1165 = tpu.vector_load %arg11[%swap3A_1163, %swap3A_1164] {strides = array<i32>} : memref<128x128xf32, #tpu.memory_space<vmem>>, vector<1x16xf32>,
      %swap3A_1166 = vector.shape_cast %swap3A_1165 : vector<1x16xf32> to vector<16xf32>
      %swap3A_1167 = vector.shape_cast %add3A_1160 : vector<16xf32> to vector<1x16xf32>
      tpu.vector_store %arg11[%swap3A_1163, %swap3A_1164], %swap3A_1167 {strides = array<i32>} : memref<128x128xf32, #tpu.memory_space<vmem>>, vector<1x16xf32>,
      %get3A_1168 = arith.constant 4 : i32
      %get3A_1169 = arith.index_cast %get3A_1168 : i32 to index
      %get3A_1170 = arith.index_cast %scan3A_610 : i32 to index
      %get3A_1171 = arith.constant 112 : index
      %get3A_1172 = tpu.vector_load %arg10[%get3A_1169, %get3A_1170, %get3A_1171] {strides = array<i32>} : memref<8x64x128xf32, #tpu.memory_space<vmem>>, vector<1x1x16xf32>,
      %get3A_1173 = vector.shape_cast %get3A_1172 : vector<1x1x16xf32> to vector<16xf32>
      %get3A_1174 = arith.constant 5 : i32
      %get3A_1175 = arith.index_cast %get3A_1174 : i32 to index
      %get3A_1176 = arith.index_cast %scan3A_610 : i32 to index
      %get3A_1177 = arith.constant 112 : index
      %get3A_1178 = tpu.vector_load %arg10[%get3A_1175, %get3A_1176, %get3A_1177] {strides = array<i32>} : memref<8x64x128xf32, #tpu.memory_space<vmem>>, vector<1x1x16xf32>,
      %get3A_1179 = vector.shape_cast %get3A_1178 : vector<1x1x16xf32> to vector<16xf32>
      %add3A_1180 = arith.addf %get3A_1173, %get3A_1179 : vector<16xf32>
      %get3A_1181 = arith.constant 6 : i32
      %get3A_1182 = arith.index_cast %get3A_1181 : i32 to index
      %get3A_1183 = arith.index_cast %scan3A_610 : i32 to index
      %get3A_1184 = arith.constant 112 : index
      %get3A_1185 = tpu.vector_load %arg10[%get3A_1182, %get3A_1183, %get3A_1184] {strides = array<i32>} : memref<8x64x128xf32, #tpu.memory_space<vmem>>, vector<1x1x16xf32>,
      %get3A_1186 = vector.shape_cast %get3A_1185 : vector<1x1x16xf32> to vector<16xf32>
      %add3A_1187 = arith.addf %add3A_1180, %get3A_1186 : vector<16xf32>
      %get3A_1188 = arith.constant 7 : i32
      %get3A_1189 = arith.index_cast %get3A_1188 : i32 to index
      %get3A_1190 = arith.index_cast %scan3A_610 : i32 to index
      %get3A_1191 = arith.constant 112 : index
      %get3A_1192 = tpu.vector_load %arg10[%get3A_1189, %get3A_1190, %get3A_1191] {strides = array<i32>} : memref<8x64x128xf32, #tpu.memory_space<vmem>>, vector<1x1x16xf32>,
      %get3A_1193 = vector.shape_cast %get3A_1192 : vector<1x1x16xf32> to vector<16xf32>
      %add3A_1194 = arith.addf %add3A_1187, %get3A_1193 : vector<16xf32>
      %get3A_1195 = arith.constant 0 : i32
      %get3A_1196 = arith.index_cast %get3A_1195 : i32 to index
      %get3A_1197 = arith.index_cast %scan3A_610 : i32 to index
      %get3A_1198 = arith.constant 112 : index
      %get3A_1199 = tpu.vector_load %arg10[%get3A_1196, %get3A_1197, %get3A_1198] {strides = array<i32>} : memref<8x64x128xf32, #tpu.memory_space<vmem>>, vector<1x1x16xf32>,
      %get3A_1200 = vector.shape_cast %get3A_1199 : vector<1x1x16xf32> to vector<16xf32>
      %max3A_1201 = arith.constant 0.000000e+00 : f32
      %max3A_1202 = vector.broadcast %max3A_1201 : f32 to vector<16xf32>
      %max3A_1203 = arith.maximumf %get3A_1200, %max3A_1202 : vector<16xf32>
      %get3A_1204 = arith.constant 1 : i32
      %get3A_1205 = arith.index_cast %get3A_1204 : i32 to index
      %get3A_1206 = arith.index_cast %scan3A_610 : i32 to index
      %get3A_1207 = arith.constant 112 : index
      %get3A_1208 = tpu.vector_load %arg10[%get3A_1205, %get3A_1206, %get3A_1207] {strides = array<i32>} : memref<8x64x128xf32, #tpu.memory_space<vmem>>, vector<1x1x16xf32>,
      %get3A_1209 = vector.shape_cast %get3A_1208 : vector<1x1x16xf32> to vector<16xf32>
      %max3A_1210 = arith.constant 0.000000e+00 : f32
      %max3A_1211 = vector.broadcast %max3A_1210 : f32 to vector<16xf32>
      %max3A_1212 = arith.maximumf %get3A_1209, %max3A_1211 : vector<16xf32>
      %add3A_1213 = arith.addf %max3A_1203, %max3A_1212 : vector<16xf32>
      %get3A_1214 = arith.constant 2 : i32
      %get3A_1215 = arith.index_cast %get3A_1214 : i32 to index
      %get3A_1216 = arith.index_cast %scan3A_610 : i32 to index
      %get3A_1217 = arith.constant 112 : index
      %get3A_1218 = tpu.vector_load %arg10[%get3A_1215, %get3A_1216, %get3A_1217] {strides = array<i32>} : memref<8x64x128xf32, #tpu.memory_space<vmem>>, vector<1x1x16xf32>,
      %get3A_1219 = vector.shape_cast %get3A_1218 : vector<1x1x16xf32> to vector<16xf32>
      %max3A_1220 = arith.constant 0.000000e+00 : f32
      %max3A_1221 = vector.broadcast %max3A_1220 : f32 to vector<16xf32>
      %max3A_1222 = arith.maximumf %get3A_1219, %max3A_1221 : vector<16xf32>
      %add3A_1223 = arith.addf %add3A_1213, %max3A_1222 : vector<16xf32>
      %get3A_1224 = arith.constant 3 : i32
      %get3A_1225 = arith.index_cast %get3A_1224 : i32 to index
      %get3A_1226 = arith.index_cast %scan3A_610 : i32 to index
      %get3A_1227 = arith.constant 112 : index
      %get3A_1228 = tpu.vector_load %arg10[%get3A_1225, %get3A_1226, %get3A_1227] {strides = array<i32>} : memref<8x64x128xf32, #tpu.memory_space<vmem>>, vector<1x1x16xf32>,
      %get3A_1229 = vector.shape_cast %get3A_1228 : vector<1x1x16xf32> to vector<16xf32>
      %max3A_1230 = arith.constant 0.000000e+00 : f32
      %max3A_1231 = vector.broadcast %max3A_1230 : f32 to vector<16xf32>
      %max3A_1232 = arith.maximumf %get3A_1229, %max3A_1231 : vector<16xf32>
      %add3A_1233 = arith.addf %add3A_1223, %max3A_1232 : vector<16xf32>
      %mul3A_1234 = arith.constant 2.500000e-01 : f32
      %mul3A_1235 = vector.broadcast %mul3A_1234 : f32 to vector<16xf32>
      %mul3A_1236 = arith.mulf %add3A_1194, %mul3A_1235 : vector<16xf32>
      %max3A_1237 = arith.constant 0.000000e+00 : f32
      %max3A_1238 = vector.broadcast %max3A_1237 : f32 to vector<16xf32>
      %max3A_1239 = arith.maximumf %mul3A_1236, %max3A_1238 : vector<16xf32>
      %add3A_1240 = arith.addf %add3A_1233, %max3A_1239 : vector<16xf32>
      %add3A_1241 = arith.constant 0 : i32
      %add3A_1242 = arith.addi %add3A_1241, %scan3A_610 : i32
      %swap3A_1243 = arith.index_cast %add3A_1242 : i32 to index
      %swap3A_1244 = arith.constant 112 : index
      %swap3A_1245 = tpu.vector_load %arg11[%swap3A_1243, %swap3A_1244] {strides = array<i32>} : memref<128x128xf32, #tpu.memory_space<vmem>>, vector<1x16xf32>,
      %swap3A_1246 = vector.shape_cast %swap3A_1245 : vector<1x16xf32> to vector<16xf32>
      %swap3A_1247 = vector.shape_cast %add3A_1240 : vector<16xf32> to vector<1x16xf32>
      tpu.vector_store %arg11[%swap3A_1243, %swap3A_1244], %swap3A_1247 {strides = array<i32>} : memref<128x128xf32, #tpu.memory_space<vmem>>, vector<1x16xf32>,
    }
    %scan3A_411 = arith.constant 64 : i32
    %dma_start3A_412 = arith.constant 0 : i32
    %dma_start3A_413 = arith.constant 0 : i32
    %dma_start3A_414 = arith.constant 0 : i32
    %dma_start3A_415 = arith.constant 0 : i32
    %dma_start3A_416 = tpu.memref_slice %arg10[%dma_start3A_413, %dma_start3A_414, %dma_start3A_415] : memref<8x64x128xf32, #tpu.memory_space<vmem>> -> memref<1x64x128xf32, #tpu.memory_space<vmem>>
    %dma_start3A_417 = tpu.memref_squeeze %dma_start3A_416 : memref<1x64x128xf32, #tpu.memory_space<vmem>> -> memref<64x128xf32, #tpu.memory_space<vmem>>
    %dma_start3A_418 = arith.constant 64 : i32
    %dma_start3A_419 = tpu.memref_slice %arg9[%dma_start3A_412, %dma_start3A_418] : memref<8x128xi32, #tpu.memory_space<vmem>> -> memref<1x64xi32, #tpu.memory_space<vmem>>
    %dma_start3A_420 = tpu.memref_squeeze %dma_start3A_419 : memref<1x64xi32, #tpu.memory_space<vmem>> -> memref<64xi32, #tpu.memory_space<vmem>>
    %dma_start3A_421 = arith.constant 0 : i32
    %dma_start3A_422 = arith.constant 0 : i32
    %dma_start3A_423 = tpu.memref_slice %arg12[%dma_start3A_421, %dma_start3A_422] : memref<1000x128xf32, #tpu.memory_space<vmem_shared>> -> memref<1000x128xf32, #tpu.memory_space<vmem_shared>>
    tpu.enqueue_indirect_dma source(%dma_start3A_423 : memref<1000x128xf32, #tpu.memory_space<vmem_shared>>) target(%dma_start3A_417 : memref<64x128xf32, #tpu.memory_space<vmem>>) offsets(%dma_start3A_420 : memref<64xi32, #tpu.memory_space<vmem>>) semaphore(%arg17 : memref<!tpu.dma_semaphore, #tpu.memory_space<semaphore_mem>>)
    %dma_start3A_424 = arith.constant 1 : i32
    %dma_start3A_425 = arith.constant 1 : i32
    %dma_start3A_426 = arith.constant 0 : i32
    %dma_start3A_427 = arith.constant 0 : i32
    %dma_start3A_428 = tpu.memref_slice %arg10[%dma_start3A_425, %dma_start3A_426, %dma_start3A_427] : memref<8x64x128xf32, #tpu.memory_space<vmem>> -> memref<1x64x128xf32, #tpu.memory_space<vmem>>
    %dma_start3A_429 = tpu.memref_squeeze %dma_start3A_428 : memref<1x64x128xf32, #tpu.memory_space<vmem>> -> memref<64x128xf32, #tpu.memory_space<vmem>>
    %dma_start3A_430 = arith.constant 64 : i32
    %dma_start3A_431 = tpu.memref_slice %arg9[%dma_start3A_424, %dma_start3A_430] : memref<8x128xi32, #tpu.memory_space<vmem>> -> memref<1x64xi32, #tpu.memory_space<vmem>>
    %dma_start3A_432 = tpu.memref_squeeze %dma_start3A_431 : memref<1x64xi32, #tpu.memory_space<vmem>> -> memref<64xi32, #tpu.memory_space<vmem>>
    %dma_start3A_433 = arith.constant 0 : i32
    %dma_start3A_434 = arith.constant 0 : i32
    %dma_start3A_435 = tpu.memref_slice %arg13[%dma_start3A_433, %dma_start3A_434] : memref<1000x128xf32, #tpu.memory_space<vmem_shared>> -> memref<1000x128xf32, #tpu.memory_space<vmem_shared>>
    tpu.enqueue_indirect_dma source(%dma_start3A_435 : memref<1000x128xf32, #tpu.memory_space<vmem_shared>>) target(%dma_start3A_429 : memref<64x128xf32, #tpu.memory_space<vmem>>) offsets(%dma_start3A_432 : memref<64xi32, #tpu.memory_space<vmem>>) semaphore(%arg17 : memref<!tpu.dma_semaphore, #tpu.memory_space<semaphore_mem>>)
    %dma_start3A_436 = arith.constant 2 : i32
    %dma_start3A_437 = arith.constant 2 : i32
    %dma_start3A_438 = arith.constant 0 : i32
    %dma_start3A_439 = arith.constant 0 : i32
    %dma_start3A_440 = tpu.memref_slice %arg10[%dma_start3A_437, %dma_start3A_438, %dma_start3A_439] : memref<8x64x128xf32, #tpu.memory_space<vmem>> -> memref<1x64x128xf32, #tpu.memory_space<vmem>>
    %dma_start3A_441 = tpu.memref_squeeze %dma_start3A_440 : memref<1x64x128xf32, #tpu.memory_space<vmem>> -> memref<64x128xf32, #tpu.memory_space<vmem>>
    %dma_start3A_442 = arith.constant 64 : i32
    %dma_start3A_443 = tpu.memref_slice %arg9[%dma_start3A_436, %dma_start3A_442] : memref<8x128xi32, #tpu.memory_space<vmem>> -> memref<1x64xi32, #tpu.memory_space<vmem>>
    %dma_start3A_444 = tpu.memref_squeeze %dma_start3A_443 : memref<1x64xi32, #tpu.memory_space<vmem>> -> memref<64xi32, #tpu.memory_space<vmem>>
    %dma_start3A_445 = arith.constant 0 : i32
    %dma_start3A_446 = arith.constant 0 : i32
    %dma_start3A_447 = tpu.memref_slice %arg14[%dma_start3A_445, %dma_start3A_446] : memref<1000x128xf32, #tpu.memory_space<vmem_shared>> -> memref<1000x128xf32, #tpu.memory_space<vmem_shared>>
    tpu.enqueue_indirect_dma source(%dma_start3A_447 : memref<1000x128xf32, #tpu.memory_space<vmem_shared>>) target(%dma_start3A_441 : memref<64x128xf32, #tpu.memory_space<vmem>>) offsets(%dma_start3A_444 : memref<64xi32, #tpu.memory_space<vmem>>) semaphore(%arg17 : memref<!tpu.dma_semaphore, #tpu.memory_space<semaphore_mem>>)
    %dma_start3A_448 = arith.constant 3 : i32
    %dma_start3A_449 = arith.constant 3 : i32
    %dma_start3A_450 = arith.constant 0 : i32
    %dma_start3A_451 = arith.constant 0 : i32
    %dma_start3A_452 = tpu.memref_slice %arg10[%dma_start3A_449, %dma_start3A_450, %dma_start3A_451] : memref<8x64x128xf32, #tpu.memory_space<vmem>> -> memref<1x64x128xf32, #tpu.memory_space<vmem>>
    %dma_start3A_453 = tpu.memref_squeeze %dma_start3A_452 : memref<1x64x128xf32, #tpu.memory_space<vmem>> -> memref<64x128xf32, #tpu.memory_space<vmem>>
    %dma_start3A_454 = arith.constant 64 : i32
    %dma_start3A_455 = tpu.memref_slice %arg9[%dma_start3A_448, %dma_start3A_454] : memref<8x128xi32, #tpu.memory_space<vmem>> -> memref<1x64xi32, #tpu.memory_space<vmem>>
    %dma_start3A_456 = tpu.memref_squeeze %dma_start3A_455 : memref<1x64xi32, #tpu.memory_space<vmem>> -> memref<64xi32, #tpu.memory_space<vmem>>
    %dma_start3A_457 = arith.constant 0 : i32
    %dma_start3A_458 = arith.constant 0 : i32
    %dma_start3A_459 = tpu.memref_slice %arg16[%dma_start3A_457, %dma_start3A_458] : memref<2x128xf32, #tpu.memory_space<vmem_shared>> -> memref<2x128xf32, #tpu.memory_space<vmem_shared>>
    tpu.enqueue_indirect_dma source(%dma_start3A_459 : memref<2x128xf32, #tpu.memory_space<vmem_shared>>) target(%dma_start3A_453 : memref<64x128xf32, #tpu.memory_space<vmem>>) offsets(%dma_start3A_456 : memref<64xi32, #tpu.memory_space<vmem>>) semaphore(%arg17 : memref<!tpu.dma_semaphore, #tpu.memory_space<semaphore_mem>>)
    %dma_start3A_460 = arith.constant 4 : i32
    %dma_start3A_461 = arith.constant 4 : i32
    %dma_start3A_462 = arith.constant 0 : i32
    %dma_start3A_463 = arith.constant 0 : i32
    %dma_start3A_464 = tpu.memref_slice %arg10[%dma_start3A_461, %dma_start3A_462, %dma_start3A_463] : memref<8x64x128xf32, #tpu.memory_space<vmem>> -> memref<1x64x128xf32, #tpu.memory_space<vmem>>
    %dma_start3A_465 = tpu.memref_squeeze %dma_start3A_464 : memref<1x64x128xf32, #tpu.memory_space<vmem>> -> memref<64x128xf32, #tpu.memory_space<vmem>>
    %dma_start3A_466 = arith.constant 64 : i32
    %dma_start3A_467 = tpu.memref_slice %arg9[%dma_start3A_460, %dma_start3A_466] : memref<8x128xi32, #tpu.memory_space<vmem>> -> memref<1x64xi32, #tpu.memory_space<vmem>>
    %dma_start3A_468 = tpu.memref_squeeze %dma_start3A_467 : memref<1x64xi32, #tpu.memory_space<vmem>> -> memref<64xi32, #tpu.memory_space<vmem>>
    %dma_start3A_469 = arith.constant 0 : i32
    %dma_start3A_470 = arith.constant 0 : i32
    %dma_start3A_471 = tpu.memref_slice %arg15[%dma_start3A_469, %dma_start3A_470] : memref<1000x128xf32, #tpu.memory_space<vmem_shared>> -> memref<1000x128xf32, #tpu.memory_space<vmem_shared>>
    tpu.enqueue_indirect_dma source(%dma_start3A_471 : memref<1000x128xf32, #tpu.memory_space<vmem_shared>>) target(%dma_start3A_465 : memref<64x128xf32, #tpu.memory_space<vmem>>) offsets(%dma_start3A_468 : memref<64xi32, #tpu.memory_space<vmem>>) semaphore(%arg17 : memref<!tpu.dma_semaphore, #tpu.memory_space<semaphore_mem>>)
    %dma_start3A_472 = arith.constant 5 : i32
    %dma_start3A_473 = arith.constant 5 : i32
    %dma_start3A_474 = arith.constant 0 : i32
    %dma_start3A_475 = arith.constant 0 : i32
    %dma_start3A_476 = tpu.memref_slice %arg10[%dma_start3A_473, %dma_start3A_474, %dma_start3A_475] : memref<8x64x128xf32, #tpu.memory_space<vmem>> -> memref<1x64x128xf32, #tpu.memory_space<vmem>>
    %dma_start3A_477 = tpu.memref_squeeze %dma_start3A_476 : memref<1x64x128xf32, #tpu.memory_space<vmem>> -> memref<64x128xf32, #tpu.memory_space<vmem>>
    %dma_start3A_478 = arith.constant 64 : i32
    %dma_start3A_479 = tpu.memref_slice %arg9[%dma_start3A_472, %dma_start3A_478] : memref<8x128xi32, #tpu.memory_space<vmem>> -> memref<1x64xi32, #tpu.memory_space<vmem>>
    %dma_start3A_480 = tpu.memref_squeeze %dma_start3A_479 : memref<1x64xi32, #tpu.memory_space<vmem>> -> memref<64xi32, #tpu.memory_space<vmem>>
    %dma_start3A_481 = arith.constant 0 : i32
    %dma_start3A_482 = arith.constant 0 : i32
    %dma_start3A_483 = tpu.memref_slice %arg15[%dma_start3A_481, %dma_start3A_482] : memref<1000x128xf32, #tpu.memory_space<vmem_shared>> -> memref<1000x128xf32, #tpu.memory_space<vmem_shared>>
    tpu.enqueue_indirect_dma source(%dma_start3A_483 : memref<1000x128xf32, #tpu.memory_space<vmem_shared>>) target(%dma_start3A_477 : memref<64x128xf32, #tpu.memory_space<vmem>>) offsets(%dma_start3A_480 : memref<64xi32, #tpu.memory_space<vmem>>) semaphore(%arg17 : memref<!tpu.dma_semaphore, #tpu.memory_space<semaphore_mem>>)
    %dma_start3A_484 = arith.constant 6 : i32
    %dma_start3A_485 = arith.constant 6 : i32
    %dma_start3A_486 = arith.constant 0 : i32
    %dma_start3A_487 = arith.constant 0 : i32
    %dma_start3A_488 = tpu.memref_slice %arg10[%dma_start3A_485, %dma_start3A_486, %dma_start3A_487] : memref<8x64x128xf32, #tpu.memory_space<vmem>> -> memref<1x64x128xf32, #tpu.memory_space<vmem>>
    %dma_start3A_489 = tpu.memref_squeeze %dma_start3A_488 : memref<1x64x128xf32, #tpu.memory_space<vmem>> -> memref<64x128xf32, #tpu.memory_space<vmem>>
    %dma_start3A_490 = arith.constant 64 : i32
    %dma_start3A_491 = tpu.memref_slice %arg9[%dma_start3A_484, %dma_start3A_490] : memref<8x128xi32, #tpu.memory_space<vmem>> -> memref<1x64xi32, #tpu.memory_space<vmem>>
    %dma_start3A_492 = tpu.memref_squeeze %dma_start3A_491 : memref<1x64xi32, #tpu.memory_space<vmem>> -> memref<64xi32, #tpu.memory_space<vmem>>
    %dma_start3A_493 = arith.constant 0 : i32
    %dma_start3A_494 = arith.constant 0 : i32
    %dma_start3A_495 = tpu.memref_slice %arg15[%dma_start3A_493, %dma_start3A_494] : memref<1000x128xf32, #tpu.memory_space<vmem_shared>> -> memref<1000x128xf32, #tpu.memory_space<vmem_shared>>
    tpu.enqueue_indirect_dma source(%dma_start3A_495 : memref<1000x128xf32, #tpu.memory_space<vmem_shared>>) target(%dma_start3A_489 : memref<64x128xf32, #tpu.memory_space<vmem>>) offsets(%dma_start3A_492 : memref<64xi32, #tpu.memory_space<vmem>>) semaphore(%arg17 : memref<!tpu.dma_semaphore, #tpu.memory_space<semaphore_mem>>)
    %dma_start3A_496 = arith.constant 7 : i32
    %dma_start3A_497 = arith.constant 7 : i32
    %dma_start3A_498 = arith.constant 0 : i32
    %dma_start3A_499 = arith.constant 0 : i32
    %dma_start3A_500 = tpu.memref_slice %arg10[%dma_start3A_497, %dma_start3A_498, %dma_start3A_499] : memref<8x64x128xf32, #tpu.memory_space<vmem>> -> memref<1x64x128xf32, #tpu.memory_space<vmem>>
    %dma_start3A_501 = tpu.memref_squeeze %dma_start3A_500 : memref<1x64x128xf32, #tpu.memory_space<vmem>> -> memref<64x128xf32, #tpu.memory_space<vmem>>
    %dma_start3A_502 = arith.constant 64 : i32
    %dma_start3A_503 = tpu.memref_slice %arg9[%dma_start3A_496, %dma_start3A_502] : memref<8x128xi32, #tpu.memory_space<vmem>> -> memref<1x64xi32, #tpu.memory_space<vmem>>
    %dma_start3A_504 = tpu.memref_squeeze %dma_start3A_503 : memref<1x64xi32, #tpu.memory_space<vmem>> -> memref<64xi32, #tpu.memory_space<vmem>>
    %dma_start3A_505 = arith.constant 0 : i32
    %dma_start3A_506 = arith.constant 0 : i32
    %dma_start3A_507 = tpu.memref_slice %arg15[%dma_start3A_505, %dma_start3A_506] : memref<1000x128xf32, #tpu.memory_space<vmem_shared>> -> memref<1000x128xf32, #tpu.memory_space<vmem_shared>>
    tpu.enqueue_indirect_dma source(%dma_start3A_507 : memref<1000x128xf32, #tpu.memory_space<vmem_shared>>) target(%dma_start3A_501 : memref<64x128xf32, #tpu.memory_space<vmem>>) offsets(%dma_start3A_504 : memref<64xi32, #tpu.memory_space<vmem>>) semaphore(%arg17 : memref<!tpu.dma_semaphore, #tpu.memory_space<semaphore_mem>>)
    %dma_wait3A_508 = arith.constant 0 : i32
    %dma_wait3A_509 = arith.constant 0 : i32
    %dma_wait3A_510 = arith.constant 0 : i32
    %dma_wait3A_511 = arith.constant 0 : i32
    %dma_wait3A_512 = tpu.memref_slice %arg10[%dma_wait3A_509, %dma_wait3A_510, %dma_wait3A_511] : memref<8x64x128xf32, #tpu.memory_space<vmem>> -> memref<1x64x128xf32, #tpu.memory_space<vmem>>
    %dma_wait3A_513 = tpu.memref_squeeze %dma_wait3A_512 : memref<1x64x128xf32, #tpu.memory_space<vmem>> -> memref<64x128xf32, #tpu.memory_space<vmem>>
    %dma_wait3A_514 = arith.constant 64 : i32
    %dma_wait3A_515 = tpu.memref_slice %arg9[%dma_wait3A_508, %dma_wait3A_514] : memref<8x128xi32, #tpu.memory_space<vmem>> -> memref<1x64xi32, #tpu.memory_space<vmem>>
    %dma_wait3A_516 = tpu.memref_squeeze %dma_wait3A_515 : memref<1x64xi32, #tpu.memory_space<vmem>> -> memref<64xi32, #tpu.memory_space<vmem>>
    %dma_wait3A_517 = arith.constant 0 : i32
    %dma_wait3A_518 = arith.constant 0 : i32
    %dma_wait3A_519 = tpu.memref_slice %arg12[%dma_wait3A_517, %dma_wait3A_518] : memref<1000x128xf32, #tpu.memory_space<vmem_shared>> -> memref<1000x128xf32, #tpu.memory_space<vmem_shared>>
    tpu.wait_indirect_dma semaphore(%arg17 : memref<!tpu.dma_semaphore, #tpu.memory_space<semaphore_mem>>) src(%dma_wait3A_519 : memref<1000x128xf32, #tpu.memory_space<vmem_shared>>) dst(%dma_wait3A_513 : memref<64x128xf32, #tpu.memory_space<vmem>>)
    %dma_wait3A_520 = arith.constant 1 : i32
    %dma_wait3A_521 = arith.constant 1 : i32
    %dma_wait3A_522 = arith.constant 0 : i32
    %dma_wait3A_523 = arith.constant 0 : i32
    %dma_wait3A_524 = tpu.memref_slice %arg10[%dma_wait3A_521, %dma_wait3A_522, %dma_wait3A_523] : memref<8x64x128xf32, #tpu.memory_space<vmem>> -> memref<1x64x128xf32, #tpu.memory_space<vmem>>
    %dma_wait3A_525 = tpu.memref_squeeze %dma_wait3A_524 : memref<1x64x128xf32, #tpu.memory_space<vmem>> -> memref<64x128xf32, #tpu.memory_space<vmem>>
    %dma_wait3A_526 = arith.constant 64 : i32
    %dma_wait3A_527 = tpu.memref_slice %arg9[%dma_wait3A_520, %dma_wait3A_526] : memref<8x128xi32, #tpu.memory_space<vmem>> -> memref<1x64xi32, #tpu.memory_space<vmem>>
    %dma_wait3A_528 = tpu.memref_squeeze %dma_wait3A_527 : memref<1x64xi32, #tpu.memory_space<vmem>> -> memref<64xi32, #tpu.memory_space<vmem>>
    %dma_wait3A_529 = arith.constant 0 : i32
    %dma_wait3A_530 = arith.constant 0 : i32
    %dma_wait3A_531 = tpu.memref_slice %arg13[%dma_wait3A_529, %dma_wait3A_530] : memref<1000x128xf32, #tpu.memory_space<vmem_shared>> -> memref<1000x128xf32, #tpu.memory_space<vmem_shared>>
    tpu.wait_indirect_dma semaphore(%arg17 : memref<!tpu.dma_semaphore, #tpu.memory_space<semaphore_mem>>) src(%dma_wait3A_531 : memref<1000x128xf32, #tpu.memory_space<vmem_shared>>) dst(%dma_wait3A_525 : memref<64x128xf32, #tpu.memory_space<vmem>>)
    %dma_wait3A_532 = arith.constant 2 : i32
    %dma_wait3A_533 = arith.constant 2 : i32
    %dma_wait3A_534 = arith.constant 0 : i32
    %dma_wait3A_535 = arith.constant 0 : i32
    %dma_wait3A_536 = tpu.memref_slice %arg10[%dma_wait3A_533, %dma_wait3A_534, %dma_wait3A_535] : memref<8x64x128xf32, #tpu.memory_space<vmem>> -> memref<1x64x128xf32, #tpu.memory_space<vmem>>
    %dma_wait3A_537 = tpu.memref_squeeze %dma_wait3A_536 : memref<1x64x128xf32, #tpu.memory_space<vmem>> -> memref<64x128xf32, #tpu.memory_space<vmem>>
    %dma_wait3A_538 = arith.constant 64 : i32
    %dma_wait3A_539 = tpu.memref_slice %arg9[%dma_wait3A_532, %dma_wait3A_538] : memref<8x128xi32, #tpu.memory_space<vmem>> -> memref<1x64xi32, #tpu.memory_space<vmem>>
    %dma_wait3A_540 = tpu.memref_squeeze %dma_wait3A_539 : memref<1x64xi32, #tpu.memory_space<vmem>> -> memref<64xi32, #tpu.memory_space<vmem>>
    %dma_wait3A_541 = arith.constant 0 : i32
    %dma_wait3A_542 = arith.constant 0 : i32
    %dma_wait3A_543 = tpu.memref_slice %arg14[%dma_wait3A_541, %dma_wait3A_542] : memref<1000x128xf32, #tpu.memory_space<vmem_shared>> -> memref<1000x128xf32, #tpu.memory_space<vmem_shared>>
    tpu.wait_indirect_dma semaphore(%arg17 : memref<!tpu.dma_semaphore, #tpu.memory_space<semaphore_mem>>) src(%dma_wait3A_543 : memref<1000x128xf32, #tpu.memory_space<vmem_shared>>) dst(%dma_wait3A_537 : memref<64x128xf32, #tpu.memory_space<vmem>>)
    %dma_wait3A_544 = arith.constant 3 : i32
    %dma_wait3A_545 = arith.constant 3 : i32
    %dma_wait3A_546 = arith.constant 0 : i32
    %dma_wait3A_547 = arith.constant 0 : i32
    %dma_wait3A_548 = tpu.memref_slice %arg10[%dma_wait3A_545, %dma_wait3A_546, %dma_wait3A_547] : memref<8x64x128xf32, #tpu.memory_space<vmem>> -> memref<1x64x128xf32, #tpu.memory_space<vmem>>
    %dma_wait3A_549 = tpu.memref_squeeze %dma_wait3A_548 : memref<1x64x128xf32, #tpu.memory_space<vmem>> -> memref<64x128xf32, #tpu.memory_space<vmem>>
    %dma_wait3A_550 = arith.constant 64 : i32
    %dma_wait3A_551 = tpu.memref_slice %arg9[%dma_wait3A_544, %dma_wait3A_550] : memref<8x128xi32, #tpu.memory_space<vmem>> -> memref<1x64xi32, #tpu.memory_space<vmem>>
    %dma_wait3A_552 = tpu.memref_squeeze %dma_wait3A_551 : memref<1x64xi32, #tpu.memory_space<vmem>> -> memref<64xi32, #tpu.memory_space<vmem>>
    %dma_wait3A_553 = arith.constant 0 : i32
    %dma_wait3A_554 = arith.constant 0 : i32
    %dma_wait3A_555 = tpu.memref_slice %arg16[%dma_wait3A_553, %dma_wait3A_554] : memref<2x128xf32, #tpu.memory_space<vmem_shared>> -> memref<2x128xf32, #tpu.memory_space<vmem_shared>>
    tpu.wait_indirect_dma semaphore(%arg17 : memref<!tpu.dma_semaphore, #tpu.memory_space<semaphore_mem>>) src(%dma_wait3A_555 : memref<2x128xf32, #tpu.memory_space<vmem_shared>>) dst(%dma_wait3A_549 : memref<64x128xf32, #tpu.memory_space<vmem>>)
    %dma_wait3A_556 = arith.constant 4 : i32
    %dma_wait3A_557 = arith.constant 4 : i32
    %dma_wait3A_558 = arith.constant 0 : i32
    %dma_wait3A_559 = arith.constant 0 : i32
    %dma_wait3A_560 = tpu.memref_slice %arg10[%dma_wait3A_557, %dma_wait3A_558, %dma_wait3A_559] : memref<8x64x128xf32, #tpu.memory_space<vmem>> -> memref<1x64x128xf32, #tpu.memory_space<vmem>>
    %dma_wait3A_561 = tpu.memref_squeeze %dma_wait3A_560 : memref<1x64x128xf32, #tpu.memory_space<vmem>> -> memref<64x128xf32, #tpu.memory_space<vmem>>
    %dma_wait3A_562 = arith.constant 64 : i32
    %dma_wait3A_563 = tpu.memref_slice %arg9[%dma_wait3A_556, %dma_wait3A_562] : memref<8x128xi32, #tpu.memory_space<vmem>> -> memref<1x64xi32, #tpu.memory_space<vmem>>
    %dma_wait3A_564 = tpu.memref_squeeze %dma_wait3A_563 : memref<1x64xi32, #tpu.memory_space<vmem>> -> memref<64xi32, #tpu.memory_space<vmem>>
    %dma_wait3A_565 = arith.constant 0 : i32
    %dma_wait3A_566 = arith.constant 0 : i32
    %dma_wait3A_567 = tpu.memref_slice %arg15[%dma_wait3A_565, %dma_wait3A_566] : memref<1000x128xf32, #tpu.memory_space<vmem_shared>> -> memref<1000x128xf32, #tpu.memory_space<vmem_shared>>
    tpu.wait_indirect_dma semaphore(%arg17 : memref<!tpu.dma_semaphore, #tpu.memory_space<semaphore_mem>>) src(%dma_wait3A_567 : memref<1000x128xf32, #tpu.memory_space<vmem_shared>>) dst(%dma_wait3A_561 : memref<64x128xf32, #tpu.memory_space<vmem>>)
    %dma_wait3A_568 = arith.constant 5 : i32
    %dma_wait3A_569 = arith.constant 5 : i32
    %dma_wait3A_570 = arith.constant 0 : i32
    %dma_wait3A_571 = arith.constant 0 : i32
    %dma_wait3A_572 = tpu.memref_slice %arg10[%dma_wait3A_569, %dma_wait3A_570, %dma_wait3A_571] : memref<8x64x128xf32, #tpu.memory_space<vmem>> -> memref<1x64x128xf32, #tpu.memory_space<vmem>>
    %dma_wait3A_573 = tpu.memref_squeeze %dma_wait3A_572 : memref<1x64x128xf32, #tpu.memory_space<vmem>> -> memref<64x128xf32, #tpu.memory_space<vmem>>
    %dma_wait3A_574 = arith.constant 64 : i32
    %dma_wait3A_575 = tpu.memref_slice %arg9[%dma_wait3A_568, %dma_wait3A_574] : memref<8x128xi32, #tpu.memory_space<vmem>> -> memref<1x64xi32, #tpu.memory_space<vmem>>
    %dma_wait3A_576 = tpu.memref_squeeze %dma_wait3A_575 : memref<1x64xi32, #tpu.memory_space<vmem>> -> memref<64xi32, #tpu.memory_space<vmem>>
    %dma_wait3A_577 = arith.constant 0 : i32
    %dma_wait3A_578 = arith.constant 0 : i32
    %dma_wait3A_579 = tpu.memref_slice %arg15[%dma_wait3A_577, %dma_wait3A_578] : memref<1000x128xf32, #tpu.memory_space<vmem_shared>> -> memref<1000x128xf32, #tpu.memory_space<vmem_shared>>
    tpu.wait_indirect_dma semaphore(%arg17 : memref<!tpu.dma_semaphore, #tpu.memory_space<semaphore_mem>>) src(%dma_wait3A_579 : memref<1000x128xf32, #tpu.memory_space<vmem_shared>>) dst(%dma_wait3A_573 : memref<64x128xf32, #tpu.memory_space<vmem>>)
    %dma_wait3A_580 = arith.constant 6 : i32
    %dma_wait3A_581 = arith.constant 6 : i32
    %dma_wait3A_582 = arith.constant 0 : i32
    %dma_wait3A_583 = arith.constant 0 : i32
    %dma_wait3A_584 = tpu.memref_slice %arg10[%dma_wait3A_581, %dma_wait3A_582, %dma_wait3A_583] : memref<8x64x128xf32, #tpu.memory_space<vmem>> -> memref<1x64x128xf32, #tpu.memory_space<vmem>>
    %dma_wait3A_585 = tpu.memref_squeeze %dma_wait3A_584 : memref<1x64x128xf32, #tpu.memory_space<vmem>> -> memref<64x128xf32, #tpu.memory_space<vmem>>
    %dma_wait3A_586 = arith.constant 64 : i32
    %dma_wait3A_587 = tpu.memref_slice %arg9[%dma_wait3A_580, %dma_wait3A_586] : memref<8x128xi32, #tpu.memory_space<vmem>> -> memref<1x64xi32, #tpu.memory_space<vmem>>
    %dma_wait3A_588 = tpu.memref_squeeze %dma_wait3A_587 : memref<1x64xi32, #tpu.memory_space<vmem>> -> memref<64xi32, #tpu.memory_space<vmem>>
    %dma_wait3A_589 = arith.constant 0 : i32
    %dma_wait3A_590 = arith.constant 0 : i32
    %dma_wait3A_591 = tpu.memref_slice %arg15[%dma_wait3A_589, %dma_wait3A_590] : memref<1000x128xf32, #tpu.memory_space<vmem_shared>> -> memref<1000x128xf32, #tpu.memory_space<vmem_shared>>
    tpu.wait_indirect_dma semaphore(%arg17 : memref<!tpu.dma_semaphore, #tpu.memory_space<semaphore_mem>>) src(%dma_wait3A_591 : memref<1000x128xf32, #tpu.memory_space<vmem_shared>>) dst(%dma_wait3A_585 : memref<64x128xf32, #tpu.memory_space<vmem>>)
    %dma_wait3A_592 = arith.constant 7 : i32
    %dma_wait3A_593 = arith.constant 7 : i32
    %dma_wait3A_594 = arith.constant 0 : i32
    %dma_wait3A_595 = arith.constant 0 : i32
    %dma_wait3A_596 = tpu.memref_slice %arg10[%dma_wait3A_593, %dma_wait3A_594, %dma_wait3A_595] : memref<8x64x128xf32, #tpu.memory_space<vmem>> -> memref<1x64x128xf32, #tpu.memory_space<vmem>>
    %dma_wait3A_597 = tpu.memref_squeeze %dma_wait3A_596 : memref<1x64x128xf32, #tpu.memory_space<vmem>> -> memref<64x128xf32, #tpu.memory_space<vmem>>
    %dma_wait3A_598 = arith.constant 64 : i32
    %dma_wait3A_599 = tpu.memref_slice %arg9[%dma_wait3A_592, %dma_wait3A_598] : memref<8x128xi32, #tpu.memory_space<vmem>> -> memref<1x64xi32, #tpu.memory_space<vmem>>
    %dma_wait3A_600 = tpu.memref_squeeze %dma_wait3A_599 : memref<1x64xi32, #tpu.memory_space<vmem>> -> memref<64xi32, #tpu.memory_space<vmem>>
    %dma_wait3A_601 = arith.constant 0 : i32
    %dma_wait3A_602 = arith.constant 0 : i32
    %dma_wait3A_603 = tpu.memref_slice %arg15[%dma_wait3A_601, %dma_wait3A_602] : memref<1000x128xf32, #tpu.memory_space<vmem_shared>> -> memref<1000x128xf32, #tpu.memory_space<vmem_shared>>
    tpu.wait_indirect_dma semaphore(%arg17 : memref<!tpu.dma_semaphore, #tpu.memory_space<semaphore_mem>>) src(%dma_wait3A_603 : memref<1000x128xf32, #tpu.memory_space<vmem_shared>>) dst(%dma_wait3A_597 : memref<64x128xf32, #tpu.memory_space<vmem>>)
    %scan3A_604 = arith.constant 0 : i32
    %scan3A_605 = arith.constant 0 : i32
    %scan3A_606 = arith.constant 64 : i32
    %scan3A_607 = arith.addi %scan3A_605, %scan3A_606 : i32
    %scan3A_608 = arith.constant 1 : i32
    scf.for %scan3A_610 = %scan3A_605 to %scan3A_607 step %scan3A_608  : i32 {
      %get3A = arith.constant 4 : i32
      %get3A_611 = arith.index_cast %get3A : i32 to index
      %get3A_612 = arith.index_cast %scan3A_610 : i32 to index
      %get3A_613 = arith.constant 0 : index
      %get3A_614 = tpu.vector_load %arg10[%get3A_611, %get3A_612, %get3A_613] {strides = array<i32>} : memref<8x64x128xf32, #tpu.memory_space<vmem>>, vector<1x1x16xf32>,
      %get3A_615 = vector.shape_cast %get3A_614 : vector<1x1x16xf32> to vector<16xf32>
      %get3A_616 = arith.constant 5 : i32
      %get3A_617 = arith.index_cast %get3A_616 : i32 to index
      %get3A_618 = arith.index_cast %scan3A_610 : i32 to index
      %get3A_619 = arith.constant 0 : index
      %get3A_620 = tpu.vector_load %arg10[%get3A_617, %get3A_618, %get3A_619] {strides = array<i32>} : memref<8x64x128xf32, #tpu.memory_space<vmem>>, vector<1x1x16xf32>,
      %get3A_621 = vector.shape_cast %get3A_620 : vector<1x1x16xf32> to vector<16xf32>
      %add3A_622 = arith.addf %get3A_615, %get3A_621 : vector<16xf32>
      %get3A_623 = arith.constant 6 : i32
      %get3A_624 = arith.index_cast %get3A_623 : i32 to index
      %get3A_625 = arith.index_cast %scan3A_610 : i32 to index
      %get3A_626 = arith.constant 0 : index
      %get3A_627 = tpu.vector_load %arg10[%get3A_624, %get3A_625, %get3A_626] {strides = array<i32>} : memref<8x64x128xf32, #tpu.memory_space<vmem>>, vector<1x1x16xf32>,
      %get3A_628 = vector.shape_cast %get3A_627 : vector<1x1x16xf32> to vector<16xf32>
      %add3A_629 = arith.addf %add3A_622, %get3A_628 : vector<16xf32>
      %get3A_630 = arith.constant 7 : i32
      %get3A_631 = arith.index_cast %get3A_630 : i32 to index
      %get3A_632 = arith.index_cast %scan3A_610 : i32 to index
      %get3A_633 = arith.constant 0 : index
      %get3A_634 = tpu.vector_load %arg10[%get3A_631, %get3A_632, %get3A_633] {strides = array<i32>} : memref<8x64x128xf32, #tpu.memory_space<vmem>>, vector<1x1x16xf32>,
      %get3A_635 = vector.shape_cast %get3A_634 : vector<1x1x16xf32> to vector<16xf32>
      %add3A_636 = arith.addf %add3A_629, %get3A_635 : vector<16xf32>
      %get3A_637 = arith.constant 0 : i32
      %get3A_638 = arith.index_cast %get3A_637 : i32 to index
      %get3A_639 = arith.index_cast %scan3A_610 : i32 to index
      %get3A_640 = arith.constant 0 : index
      %get3A_641 = tpu.vector_load %arg10[%get3A_638, %get3A_639, %get3A_640] {strides = array<i32>} : memref<8x64x128xf32, #tpu.memory_space<vmem>>, vector<1x1x16xf32>,
      %get3A_642 = vector.shape_cast %get3A_641 : vector<1x1x16xf32> to vector<16xf32>
      %max3A = arith.constant 0.000000e+00 : f32
      %max3A_643 = vector.broadcast %max3A : f32 to vector<16xf32>
      %max3A_644 = arith.maximumf %get3A_642, %max3A_643 : vector<16xf32>
      %get3A_645 = arith.constant 1 : i32
      %get3A_646 = arith.index_cast %get3A_645 : i32 to index
      %get3A_647 = arith.index_cast %scan3A_610 : i32 to index
      %get3A_648 = arith.constant 0 : index
      %get3A_649 = tpu.vector_load %arg10[%get3A_646, %get3A_647, %get3A_648] {strides = array<i32>} : memref<8x64x128xf32, #tpu.memory_space<vmem>>, vector<1x1x16xf32>,
      %get3A_650 = vector.shape_cast %get3A_649 : vector<1x1x16xf32> to vector<16xf32>
      %max3A_651 = arith.constant 0.000000e+00 : f32
      %max3A_652 = vector.broadcast %max3A_651 : f32 to vector<16xf32>
      %max3A_653 = arith.maximumf %get3A_650, %max3A_652 : vector<16xf32>
      %add3A_654 = arith.addf %max3A_644, %max3A_653 : vector<16xf32>
      %get3A_655 = arith.constant 2 : i32
      %get3A_656 = arith.index_cast %get3A_655 : i32 to index
      %get3A_657 = arith.index_cast %scan3A_610 : i32 to index
      %get3A_658 = arith.constant 0 : index
      %get3A_659 = tpu.vector_load %arg10[%get3A_656, %get3A_657, %get3A_658] {strides = array<i32>} : memref<8x64x128xf32, #tpu.memory_space<vmem>>, vector<1x1x16xf32>,
      %get3A_660 = vector.shape_cast %get3A_659 : vector<1x1x16xf32> to vector<16xf32>
      %max3A_661 = arith.constant 0.000000e+00 : f32
      %max3A_662 = vector.broadcast %max3A_661 : f32 to vector<16xf32>
      %max3A_663 = arith.maximumf %get3A_660, %max3A_662 : vector<16xf32>
      %add3A_664 = arith.addf %add3A_654, %max3A_663 : vector<16xf32>
      %get3A_665 = arith.constant 3 : i32
      %get3A_666 = arith.index_cast %get3A_665 : i32 to index
      %get3A_667 = arith.index_cast %scan3A_610 : i32 to index
      %get3A_668 = arith.constant 0 : index
      %get3A_669 = tpu.vector_load %arg10[%get3A_666, %get3A_667, %get3A_668] {strides = array<i32>} : memref<8x64x128xf32, #tpu.memory_space<vmem>>, vector<1x1x16xf32>,
      %get3A_670 = vector.shape_cast %get3A_669 : vector<1x1x16xf32> to vector<16xf32>
      %max3A_671 = arith.constant 0.000000e+00 : f32
      %max3A_672 = vector.broadcast %max3A_671 : f32 to vector<16xf32>
      %max3A_673 = arith.maximumf %get3A_670, %max3A_672 : vector<16xf32>
      %add3A_674 = arith.addf %add3A_664, %max3A_673 : vector<16xf32>
      %mul3A_675 = arith.constant 2.500000e-01 : f32
      %mul3A_676 = vector.broadcast %mul3A_675 : f32 to vector<16xf32>
      %mul3A_677 = arith.mulf %add3A_636, %mul3A_676 : vector<16xf32>
      %max3A_678 = arith.constant 0.000000e+00 : f32
      %max3A_679 = vector.broadcast %max3A_678 : f32 to vector<16xf32>
      %max3A_680 = arith.maximumf %mul3A_677, %max3A_679 : vector<16xf32>
      %add3A_681 = arith.addf %add3A_674, %max3A_680 : vector<16xf32>
      %add3A_682 = arith.constant 64 : i32
      %add3A_683 = arith.addi %add3A_682, %scan3A_610 : i32
      %swap3A = arith.index_cast %add3A_683 : i32 to index
      %swap3A_684 = arith.constant 0 : index
      %swap3A_685 = tpu.vector_load %arg11[%swap3A, %swap3A_684] {strides = array<i32>} : memref<128x128xf32, #tpu.memory_space<vmem>>, vector<1x16xf32>,
      %swap3A_686 = vector.shape_cast %swap3A_685 : vector<1x16xf32> to vector<16xf32>
      %swap3A_687 = vector.shape_cast %add3A_681 : vector<16xf32> to vector<1x16xf32>
      tpu.vector_store %arg11[%swap3A, %swap3A_684], %swap3A_687 {strides = array<i32>} : memref<128x128xf32, #tpu.memory_space<vmem>>, vector<1x16xf32>,
      %get3A_688 = arith.constant 4 : i32
      %get3A_689 = arith.index_cast %get3A_688 : i32 to index
      %get3A_690 = arith.index_cast %scan3A_610 : i32 to index
      %get3A_691 = arith.constant 16 : index
      %get3A_692 = tpu.vector_load %arg10[%get3A_689, %get3A_690, %get3A_691] {strides = array<i32>} : memref<8x64x128xf32, #tpu.memory_space<vmem>>, vector<1x1x16xf32>,
      %get3A_693 = vector.shape_cast %get3A_692 : vector<1x1x16xf32> to vector<16xf32>
      %get3A_694 = arith.constant 5 : i32
      %get3A_695 = arith.index_cast %get3A_694 : i32 to index
      %get3A_696 = arith.index_cast %scan3A_610 : i32 to index
      %get3A_697 = arith.constant 16 : index
      %get3A_698 = tpu.vector_load %arg10[%get3A_695, %get3A_696, %get3A_697] {strides = array<i32>} : memref<8x64x128xf32, #tpu.memory_space<vmem>>, vector<1x1x16xf32>,
      %get3A_699 = vector.shape_cast %get3A_698 : vector<1x1x16xf32> to vector<16xf32>
      %add3A_700 = arith.addf %get3A_693, %get3A_699 : vector<16xf32>
      %get3A_701 = arith.constant 6 : i32
      %get3A_702 = arith.index_cast %get3A_701 : i32 to index
      %get3A_703 = arith.index_cast %scan3A_610 : i32 to index
      %get3A_704 = arith.constant 16 : index
      %get3A_705 = tpu.vector_load %arg10[%get3A_702, %get3A_703, %get3A_704] {strides = array<i32>} : memref<8x64x128xf32, #tpu.memory_space<vmem>>, vector<1x1x16xf32>,
      %get3A_706 = vector.shape_cast %get3A_705 : vector<1x1x16xf32> to vector<16xf32>
      %add3A_707 = arith.addf %add3A_700, %get3A_706 : vector<16xf32>
      %get3A_708 = arith.constant 7 : i32
      %get3A_709 = arith.index_cast %get3A_708 : i32 to index
      %get3A_710 = arith.index_cast %scan3A_610 : i32 to index
      %get3A_711 = arith.constant 16 : index
      %get3A_712 = tpu.vector_load %arg10[%get3A_709, %get3A_710, %get3A_711] {strides = array<i32>} : memref<8x64x128xf32, #tpu.memory_space<vmem>>, vector<1x1x16xf32>,
      %get3A_713 = vector.shape_cast %get3A_712 : vector<1x1x16xf32> to vector<16xf32>
      %add3A_714 = arith.addf %add3A_707, %get3A_713 : vector<16xf32>
      %get3A_715 = arith.constant 0 : i32
      %get3A_716 = arith.index_cast %get3A_715 : i32 to index
      %get3A_717 = arith.index_cast %scan3A_610 : i32 to index
      %get3A_718 = arith.constant 16 : index
      %get3A_719 = tpu.vector_load %arg10[%get3A_716, %get3A_717, %get3A_718] {strides = array<i32>} : memref<8x64x128xf32, #tpu.memory_space<vmem>>, vector<1x1x16xf32>,
      %get3A_720 = vector.shape_cast %get3A_719 : vector<1x1x16xf32> to vector<16xf32>
      %max3A_721 = arith.constant 0.000000e+00 : f32
      %max3A_722 = vector.broadcast %max3A_721 : f32 to vector<16xf32>
      %max3A_723 = arith.maximumf %get3A_720, %max3A_722 : vector<16xf32>
      %get3A_724 = arith.constant 1 : i32
      %get3A_725 = arith.index_cast %get3A_724 : i32 to index
      %get3A_726 = arith.index_cast %scan3A_610 : i32 to index
      %get3A_727 = arith.constant 16 : index
      %get3A_728 = tpu.vector_load %arg10[%get3A_725, %get3A_726, %get3A_727] {strides = array<i32>} : memref<8x64x128xf32, #tpu.memory_space<vmem>>, vector<1x1x16xf32>,
      %get3A_729 = vector.shape_cast %get3A_728 : vector<1x1x16xf32> to vector<16xf32>
      %max3A_730 = arith.constant 0.000000e+00 : f32
      %max3A_731 = vector.broadcast %max3A_730 : f32 to vector<16xf32>
      %max3A_732 = arith.maximumf %get3A_729, %max3A_731 : vector<16xf32>
      %add3A_733 = arith.addf %max3A_723, %max3A_732 : vector<16xf32>
      %get3A_734 = arith.constant 2 : i32
      %get3A_735 = arith.index_cast %get3A_734 : i32 to index
      %get3A_736 = arith.index_cast %scan3A_610 : i32 to index
      %get3A_737 = arith.constant 16 : index
      %get3A_738 = tpu.vector_load %arg10[%get3A_735, %get3A_736, %get3A_737] {strides = array<i32>} : memref<8x64x128xf32, #tpu.memory_space<vmem>>, vector<1x1x16xf32>,
      %get3A_739 = vector.shape_cast %get3A_738 : vector<1x1x16xf32> to vector<16xf32>
      %max3A_740 = arith.constant 0.000000e+00 : f32
      %max3A_741 = vector.broadcast %max3A_740 : f32 to vector<16xf32>
      %max3A_742 = arith.maximumf %get3A_739, %max3A_741 : vector<16xf32>
      %add3A_743 = arith.addf %add3A_733, %max3A_742 : vector<16xf32>
      %get3A_744 = arith.constant 3 : i32
      %get3A_745 = arith.index_cast %get3A_744 : i32 to index
      %get3A_746 = arith.index_cast %scan3A_610 : i32 to index
      %get3A_747 = arith.constant 16 : index
      %get3A_748 = tpu.vector_load %arg10[%get3A_745, %get3A_746, %get3A_747] {strides = array<i32>} : memref<8x64x128xf32, #tpu.memory_space<vmem>>, vector<1x1x16xf32>,
      %get3A_749 = vector.shape_cast %get3A_748 : vector<1x1x16xf32> to vector<16xf32>
      %max3A_750 = arith.constant 0.000000e+00 : f32
      %max3A_751 = vector.broadcast %max3A_750 : f32 to vector<16xf32>
      %max3A_752 = arith.maximumf %get3A_749, %max3A_751 : vector<16xf32>
      %add3A_753 = arith.addf %add3A_743, %max3A_752 : vector<16xf32>
      %mul3A_754 = arith.constant 2.500000e-01 : f32
      %mul3A_755 = vector.broadcast %mul3A_754 : f32 to vector<16xf32>
      %mul3A_756 = arith.mulf %add3A_714, %mul3A_755 : vector<16xf32>
      %max3A_757 = arith.constant 0.000000e+00 : f32
      %max3A_758 = vector.broadcast %max3A_757 : f32 to vector<16xf32>
      %max3A_759 = arith.maximumf %mul3A_756, %max3A_758 : vector<16xf32>
      %add3A_760 = arith.addf %add3A_753, %max3A_759 : vector<16xf32>
      %add3A_761 = arith.constant 64 : i32
      %add3A_762 = arith.addi %add3A_761, %scan3A_610 : i32
      %swap3A_763 = arith.index_cast %add3A_762 : i32 to index
      %swap3A_764 = arith.constant 16 : index
      %swap3A_765 = tpu.vector_load %arg11[%swap3A_763, %swap3A_764] {strides = array<i32>} : memref<128x128xf32, #tpu.memory_space<vmem>>, vector<1x16xf32>,
      %swap3A_766 = vector.shape_cast %swap3A_765 : vector<1x16xf32> to vector<16xf32>
      %swap3A_767 = vector.shape_cast %add3A_760 : vector<16xf32> to vector<1x16xf32>
      tpu.vector_store %arg11[%swap3A_763, %swap3A_764], %swap3A_767 {strides = array<i32>} : memref<128x128xf32, #tpu.memory_space<vmem>>, vector<1x16xf32>,
      %get3A_768 = arith.constant 4 : i32
      %get3A_769 = arith.index_cast %get3A_768 : i32 to index
      %get3A_770 = arith.index_cast %scan3A_610 : i32 to index
      %get3A_771 = arith.constant 32 : index
      %get3A_772 = tpu.vector_load %arg10[%get3A_769, %get3A_770, %get3A_771] {strides = array<i32>} : memref<8x64x128xf32, #tpu.memory_space<vmem>>, vector<1x1x16xf32>,
      %get3A_773 = vector.shape_cast %get3A_772 : vector<1x1x16xf32> to vector<16xf32>
      %get3A_774 = arith.constant 5 : i32
      %get3A_775 = arith.index_cast %get3A_774 : i32 to index
      %get3A_776 = arith.index_cast %scan3A_610 : i32 to index
      %get3A_777 = arith.constant 32 : index
      %get3A_778 = tpu.vector_load %arg10[%get3A_775, %get3A_776, %get3A_777] {strides = array<i32>} : memref<8x64x128xf32, #tpu.memory_space<vmem>>, vector<1x1x16xf32>,
      %get3A_779 = vector.shape_cast %get3A_778 : vector<1x1x16xf32> to vector<16xf32>
      %add3A_780 = arith.addf %get3A_773, %get3A_779 : vector<16xf32>
      %get3A_781 = arith.constant 6 : i32
      %get3A_782 = arith.index_cast %get3A_781 : i32 to index
      %get3A_783 = arith.index_cast %scan3A_610 : i32 to index
      %get3A_784 = arith.constant 32 : index
      %get3A_785 = tpu.vector_load %arg10[%get3A_782, %get3A_783, %get3A_784] {strides = array<i32>} : memref<8x64x128xf32, #tpu.memory_space<vmem>>, vector<1x1x16xf32>,
      %get3A_786 = vector.shape_cast %get3A_785 : vector<1x1x16xf32> to vector<16xf32>
      %add3A_787 = arith.addf %add3A_780, %get3A_786 : vector<16xf32>
      %get3A_788 = arith.constant 7 : i32
      %get3A_789 = arith.index_cast %get3A_788 : i32 to index
      %get3A_790 = arith.index_cast %scan3A_610 : i32 to index
      %get3A_791 = arith.constant 32 : index
      %get3A_792 = tpu.vector_load %arg10[%get3A_789, %get3A_790, %get3A_791] {strides = array<i32>} : memref<8x64x128xf32, #tpu.memory_space<vmem>>, vector<1x1x16xf32>,
      %get3A_793 = vector.shape_cast %get3A_792 : vector<1x1x16xf32> to vector<16xf32>
      %add3A_794 = arith.addf %add3A_787, %get3A_793 : vector<16xf32>
      %get3A_795 = arith.constant 0 : i32
      %get3A_796 = arith.index_cast %get3A_795 : i32 to index
      %get3A_797 = arith.index_cast %scan3A_610 : i32 to index
      %get3A_798 = arith.constant 32 : index
      %get3A_799 = tpu.vector_load %arg10[%get3A_796, %get3A_797, %get3A_798] {strides = array<i32>} : memref<8x64x128xf32, #tpu.memory_space<vmem>>, vector<1x1x16xf32>,
      %get3A_800 = vector.shape_cast %get3A_799 : vector<1x1x16xf32> to vector<16xf32>
      %max3A_801 = arith.constant 0.000000e+00 : f32
      %max3A_802 = vector.broadcast %max3A_801 : f32 to vector<16xf32>
      %max3A_803 = arith.maximumf %get3A_800, %max3A_802 : vector<16xf32>
      %get3A_804 = arith.constant 1 : i32
      %get3A_805 = arith.index_cast %get3A_804 : i32 to index
      %get3A_806 = arith.index_cast %scan3A_610 : i32 to index
      %get3A_807 = arith.constant 32 : index
      %get3A_808 = tpu.vector_load %arg10[%get3A_805, %get3A_806, %get3A_807] {strides = array<i32>} : memref<8x64x128xf32, #tpu.memory_space<vmem>>, vector<1x1x16xf32>,
      %get3A_809 = vector.shape_cast %get3A_808 : vector<1x1x16xf32> to vector<16xf32>
      %max3A_810 = arith.constant 0.000000e+00 : f32
      %max3A_811 = vector.broadcast %max3A_810 : f32 to vector<16xf32>
      %max3A_812 = arith.maximumf %get3A_809, %max3A_811 : vector<16xf32>
      %add3A_813 = arith.addf %max3A_803, %max3A_812 : vector<16xf32>
      %get3A_814 = arith.constant 2 : i32
      %get3A_815 = arith.index_cast %get3A_814 : i32 to index
      %get3A_816 = arith.index_cast %scan3A_610 : i32 to index
      %get3A_817 = arith.constant 32 : index
      %get3A_818 = tpu.vector_load %arg10[%get3A_815, %get3A_816, %get3A_817] {strides = array<i32>} : memref<8x64x128xf32, #tpu.memory_space<vmem>>, vector<1x1x16xf32>,
      %get3A_819 = vector.shape_cast %get3A_818 : vector<1x1x16xf32> to vector<16xf32>
      %max3A_820 = arith.constant 0.000000e+00 : f32
      %max3A_821 = vector.broadcast %max3A_820 : f32 to vector<16xf32>
      %max3A_822 = arith.maximumf %get3A_819, %max3A_821 : vector<16xf32>
      %add3A_823 = arith.addf %add3A_813, %max3A_822 : vector<16xf32>
      %get3A_824 = arith.constant 3 : i32
      %get3A_825 = arith.index_cast %get3A_824 : i32 to index
      %get3A_826 = arith.index_cast %scan3A_610 : i32 to index
      %get3A_827 = arith.constant 32 : index
      %get3A_828 = tpu.vector_load %arg10[%get3A_825, %get3A_826, %get3A_827] {strides = array<i32>} : memref<8x64x128xf32, #tpu.memory_space<vmem>>, vector<1x1x16xf32>,
      %get3A_829 = vector.shape_cast %get3A_828 : vector<1x1x16xf32> to vector<16xf32>
      %max3A_830 = arith.constant 0.000000e+00 : f32
      %max3A_831 = vector.broadcast %max3A_830 : f32 to vector<16xf32>
      %max3A_832 = arith.maximumf %get3A_829, %max3A_831 : vector<16xf32>
      %add3A_833 = arith.addf %add3A_823, %max3A_832 : vector<16xf32>
      %mul3A_834 = arith.constant 2.500000e-01 : f32
      %mul3A_835 = vector.broadcast %mul3A_834 : f32 to vector<16xf32>
      %mul3A_836 = arith.mulf %add3A_794, %mul3A_835 : vector<16xf32>
      %max3A_837 = arith.constant 0.000000e+00 : f32
      %max3A_838 = vector.broadcast %max3A_837 : f32 to vector<16xf32>
      %max3A_839 = arith.maximumf %mul3A_836, %max3A_838 : vector<16xf32>
      %add3A_840 = arith.addf %add3A_833, %max3A_839 : vector<16xf32>
      %add3A_841 = arith.constant 64 : i32
      %add3A_842 = arith.addi %add3A_841, %scan3A_610 : i32
      %swap3A_843 = arith.index_cast %add3A_842 : i32 to index
      %swap3A_844 = arith.constant 32 : index
      %swap3A_845 = tpu.vector_load %arg11[%swap3A_843, %swap3A_844] {strides = array<i32>} : memref<128x128xf32, #tpu.memory_space<vmem>>, vector<1x16xf32>,
      %swap3A_846 = vector.shape_cast %swap3A_845 : vector<1x16xf32> to vector<16xf32>
      %swap3A_847 = vector.shape_cast %add3A_840 : vector<16xf32> to vector<1x16xf32>
      tpu.vector_store %arg11[%swap3A_843, %swap3A_844], %swap3A_847 {strides = array<i32>} : memref<128x128xf32, #tpu.memory_space<vmem>>, vector<1x16xf32>,
      %get3A_848 = arith.constant 4 : i32
      %get3A_849 = arith.index_cast %get3A_848 : i32 to index
      %get3A_850 = arith.index_cast %scan3A_610 : i32 to index
      %get3A_851 = arith.constant 48 : index
      %get3A_852 = tpu.vector_load %arg10[%get3A_849, %get3A_850, %get3A_851] {strides = array<i32>} : memref<8x64x128xf32, #tpu.memory_space<vmem>>, vector<1x1x16xf32>,
      %get3A_853 = vector.shape_cast %get3A_852 : vector<1x1x16xf32> to vector<16xf32>
      %get3A_854 = arith.constant 5 : i32
      %get3A_855 = arith.index_cast %get3A_854 : i32 to index
      %get3A_856 = arith.index_cast %scan3A_610 : i32 to index
      %get3A_857 = arith.constant 48 : index
      %get3A_858 = tpu.vector_load %arg10[%get3A_855, %get3A_856, %get3A_857] {strides = array<i32>} : memref<8x64x128xf32, #tpu.memory_space<vmem>>, vector<1x1x16xf32>,
      %get3A_859 = vector.shape_cast %get3A_858 : vector<1x1x16xf32> to vector<16xf32>
      %add3A_860 = arith.addf %get3A_853, %get3A_859 : vector<16xf32>
      %get3A_861 = arith.constant 6 : i32
      %get3A_862 = arith.index_cast %get3A_861 : i32 to index
      %get3A_863 = arith.index_cast %scan3A_610 : i32 to index
      %get3A_864 = arith.constant 48 : index
      %get3A_865 = tpu.vector_load %arg10[%get3A_862, %get3A_863, %get3A_864] {strides = array<i32>} : memref<8x64x128xf32, #tpu.memory_space<vmem>>, vector<1x1x16xf32>,
      %get3A_866 = vector.shape_cast %get3A_865 : vector<1x1x16xf32> to vector<16xf32>
      %add3A_867 = arith.addf %add3A_860, %get3A_866 : vector<16xf32>
      %get3A_868 = arith.constant 7 : i32
      %get3A_869 = arith.index_cast %get3A_868 : i32 to index
      %get3A_870 = arith.index_cast %scan3A_610 : i32 to index
      %get3A_871 = arith.constant 48 : index
      %get3A_872 = tpu.vector_load %arg10[%get3A_869, %get3A_870, %get3A_871] {strides = array<i32>} : memref<8x64x128xf32, #tpu.memory_space<vmem>>, vector<1x1x16xf32>,
      %get3A_873 = vector.shape_cast %get3A_872 : vector<1x1x16xf32> to vector<16xf32>
      %add3A_874 = arith.addf %add3A_867, %get3A_873 : vector<16xf32>
      %get3A_875 = arith.constant 0 : i32
      %get3A_876 = arith.index_cast %get3A_875 : i32 to index
      %get3A_877 = arith.index_cast %scan3A_610 : i32 to index
      %get3A_878 = arith.constant 48 : index
      %get3A_879 = tpu.vector_load %arg10[%get3A_876, %get3A_877, %get3A_878] {strides = array<i32>} : memref<8x64x128xf32, #tpu.memory_space<vmem>>, vector<1x1x16xf32>,
      %get3A_880 = vector.shape_cast %get3A_879 : vector<1x1x16xf32> to vector<16xf32>
      %max3A_881 = arith.constant 0.000000e+00 : f32
      %max3A_882 = vector.broadcast %max3A_881 : f32 to vector<16xf32>
      %max3A_883 = arith.maximumf %get3A_880, %max3A_882 : vector<16xf32>
      %get3A_884 = arith.constant 1 : i32
      %get3A_885 = arith.index_cast %get3A_884 : i32 to index
      %get3A_886 = arith.index_cast %scan3A_610 : i32 to index
      %get3A_887 = arith.constant 48 : index
      %get3A_888 = tpu.vector_load %arg10[%get3A_885, %get3A_886, %get3A_887] {strides = array<i32>} : memref<8x64x128xf32, #tpu.memory_space<vmem>>, vector<1x1x16xf32>,
      %get3A_889 = vector.shape_cast %get3A_888 : vector<1x1x16xf32> to vector<16xf32>
      %max3A_890 = arith.constant 0.000000e+00 : f32
      %max3A_891 = vector.broadcast %max3A_890 : f32 to vector<16xf32>
      %max3A_892 = arith.maximumf %get3A_889, %max3A_891 : vector<16xf32>
      %add3A_893 = arith.addf %max3A_883, %max3A_892 : vector<16xf32>
      %get3A_894 = arith.constant 2 : i32
      %get3A_895 = arith.index_cast %get3A_894 : i32 to index
      %get3A_896 = arith.index_cast %scan3A_610 : i32 to index
      %get3A_897 = arith.constant 48 : index
      %get3A_898 = tpu.vector_load %arg10[%get3A_895, %get3A_896, %get3A_897] {strides = array<i32>} : memref<8x64x128xf32, #tpu.memory_space<vmem>>, vector<1x1x16xf32>,
      %get3A_899 = vector.shape_cast %get3A_898 : vector<1x1x16xf32> to vector<16xf32>
      %max3A_900 = arith.constant 0.000000e+00 : f32
      %max3A_901 = vector.broadcast %max3A_900 : f32 to vector<16xf32>
      %max3A_902 = arith.maximumf %get3A_899, %max3A_901 : vector<16xf32>
      %add3A_903 = arith.addf %add3A_893, %max3A_902 : vector<16xf32>
      %get3A_904 = arith.constant 3 : i32
      %get3A_905 = arith.index_cast %get3A_904 : i32 to index
      %get3A_906 = arith.index_cast %scan3A_610 : i32 to index
      %get3A_907 = arith.constant 48 : index
      %get3A_908 = tpu.vector_load %arg10[%get3A_905, %get3A_906, %get3A_907] {strides = array<i32>} : memref<8x64x128xf32, #tpu.memory_space<vmem>>, vector<1x1x16xf32>,
      %get3A_909 = vector.shape_cast %get3A_908 : vector<1x1x16xf32> to vector<16xf32>
      %max3A_910 = arith.constant 0.000000e+00 : f32
      %max3A_911 = vector.broadcast %max3A_910 : f32 to vector<16xf32>
      %max3A_912 = arith.maximumf %get3A_909, %max3A_911 : vector<16xf32>
      %add3A_913 = arith.addf %add3A_903, %max3A_912 : vector<16xf32>
      %mul3A_914 = arith.constant 2.500000e-01 : f32
      %mul3A_915 = vector.broadcast %mul3A_914 : f32 to vector<16xf32>
      %mul3A_916 = arith.mulf %add3A_874, %mul3A_915 : vector<16xf32>
      %max3A_917 = arith.constant 0.000000e+00 : f32
      %max3A_918 = vector.broadcast %max3A_917 : f32 to vector<16xf32>
      %max3A_919 = arith.maximumf %mul3A_916, %max3A_918 : vector<16xf32>
      %add3A_920 = arith.addf %add3A_913, %max3A_919 : vector<16xf32>
      %add3A_921 = arith.constant 64 : i32
      %add3A_922 = arith.addi %add3A_921, %scan3A_610 : i32
      %swap3A_923 = arith.index_cast %add3A_922 : i32 to index
      %swap3A_924 = arith.constant 48 : index
      %swap3A_925 = tpu.vector_load %arg11[%swap3A_923, %swap3A_924] {strides = array<i32>} : memref<128x128xf32, #tpu.memory_space<vmem>>, vector<1x16xf32>,
      %swap3A_926 = vector.shape_cast %swap3A_925 : vector<1x16xf32> to vector<16xf32>
      %swap3A_927 = vector.shape_cast %add3A_920 : vector<16xf32> to vector<1x16xf32>
      tpu.vector_store %arg11[%swap3A_923, %swap3A_924], %swap3A_927 {strides = array<i32>} : memref<128x128xf32, #tpu.memory_space<vmem>>, vector<1x16xf32>,
      %get3A_928 = arith.constant 4 : i32
      %get3A_929 = arith.index_cast %get3A_928 : i32 to index
      %get3A_930 = arith.index_cast %scan3A_610 : i32 to index
      %get3A_931 = arith.constant 64 : index
      %get3A_932 = tpu.vector_load %arg10[%get3A_929, %get3A_930, %get3A_931] {strides = array<i32>} : memref<8x64x128xf32, #tpu.memory_space<vmem>>, vector<1x1x16xf32>,
      %get3A_933 = vector.shape_cast %get3A_932 : vector<1x1x16xf32> to vector<16xf32>
      %get3A_934 = arith.constant 5 : i32
      %get3A_935 = arith.index_cast %get3A_934 : i32 to index
      %get3A_936 = arith.index_cast %scan3A_610 : i32 to index
      %get3A_937 = arith.constant 64 : index
      %get3A_938 = tpu.vector_load %arg10[%get3A_935, %get3A_936, %get3A_937] {strides = array<i32>} : memref<8x64x128xf32, #tpu.memory_space<vmem>>, vector<1x1x16xf32>,
      %get3A_939 = vector.shape_cast %get3A_938 : vector<1x1x16xf32> to vector<16xf32>
      %add3A_940 = arith.addf %get3A_933, %get3A_939 : vector<16xf32>
      %get3A_941 = arith.constant 6 : i32
      %get3A_942 = arith.index_cast %get3A_941 : i32 to index
      %get3A_943 = arith.index_cast %scan3A_610 : i32 to index
      %get3A_944 = arith.constant 64 : index
      %get3A_945 = tpu.vector_load %arg10[%get3A_942, %get3A_943, %get3A_944] {strides = array<i32>} : memref<8x64x128xf32, #tpu.memory_space<vmem>>, vector<1x1x16xf32>,
      %get3A_946 = vector.shape_cast %get3A_945 : vector<1x1x16xf32> to vector<16xf32>
      %add3A_947 = arith.addf %add3A_940, %get3A_946 : vector<16xf32>
      %get3A_948 = arith.constant 7 : i32
      %get3A_949 = arith.index_cast %get3A_948 : i32 to index
      %get3A_950 = arith.index_cast %scan3A_610 : i32 to index
      %get3A_951 = arith.constant 64 : index
      %get3A_952 = tpu.vector_load %arg10[%get3A_949, %get3A_950, %get3A_951] {strides = array<i32>} : memref<8x64x128xf32, #tpu.memory_space<vmem>>, vector<1x1x16xf32>,
      %get3A_953 = vector.shape_cast %get3A_952 : vector<1x1x16xf32> to vector<16xf32>
      %add3A_954 = arith.addf %add3A_947, %get3A_953 : vector<16xf32>
      %get3A_955 = arith.constant 0 : i32
      %get3A_956 = arith.index_cast %get3A_955 : i32 to index
      %get3A_957 = arith.index_cast %scan3A_610 : i32 to index
      %get3A_958 = arith.constant 64 : index
      %get3A_959 = tpu.vector_load %arg10[%get3A_956, %get3A_957, %get3A_958] {strides = array<i32>} : memref<8x64x128xf32, #tpu.memory_space<vmem>>, vector<1x1x16xf32>,
      %get3A_960 = vector.shape_cast %get3A_959 : vector<1x1x16xf32> to vector<16xf32>
      %max3A_961 = arith.constant 0.000000e+00 : f32
      %max3A_962 = vector.broadcast %max3A_961 : f32 to vector<16xf32>
      %max3A_963 = arith.maximumf %get3A_960, %max3A_962 : vector<16xf32>
      %get3A_964 = arith.constant 1 : i32
      %get3A_965 = arith.index_cast %get3A_964 : i32 to index
      %get3A_966 = arith.index_cast %scan3A_610 : i32 to index
      %get3A_967 = arith.constant 64 : index
      %get3A_968 = tpu.vector_load %arg10[%get3A_965, %get3A_966, %get3A_967] {strides = array<i32>} : memref<8x64x128xf32, #tpu.memory_space<vmem>>, vector<1x1x16xf32>,
      %get3A_969 = vector.shape_cast %get3A_968 : vector<1x1x16xf32> to vector<16xf32>
      %max3A_970 = arith.constant 0.000000e+00 : f32
      %max3A_971 = vector.broadcast %max3A_970 : f32 to vector<16xf32>
      %max3A_972 = arith.maximumf %get3A_969, %max3A_971 : vector<16xf32>
      %add3A_973 = arith.addf %max3A_963, %max3A_972 : vector<16xf32>
      %get3A_974 = arith.constant 2 : i32
      %get3A_975 = arith.index_cast %get3A_974 : i32 to index
      %get3A_976 = arith.index_cast %scan3A_610 : i32 to index
      %get3A_977 = arith.constant 64 : index
      %get3A_978 = tpu.vector_load %arg10[%get3A_975, %get3A_976, %get3A_977] {strides = array<i32>} : memref<8x64x128xf32, #tpu.memory_space<vmem>>, vector<1x1x16xf32>,
      %get3A_979 = vector.shape_cast %get3A_978 : vector<1x1x16xf32> to vector<16xf32>
      %max3A_980 = arith.constant 0.000000e+00 : f32
      %max3A_981 = vector.broadcast %max3A_980 : f32 to vector<16xf32>
      %max3A_982 = arith.maximumf %get3A_979, %max3A_981 : vector<16xf32>
      %add3A_983 = arith.addf %add3A_973, %max3A_982 : vector<16xf32>
      %get3A_984 = arith.constant 3 : i32
      %get3A_985 = arith.index_cast %get3A_984 : i32 to index
      %get3A_986 = arith.index_cast %scan3A_610 : i32 to index
      %get3A_987 = arith.constant 64 : index
      %get3A_988 = tpu.vector_load %arg10[%get3A_985, %get3A_986, %get3A_987] {strides = array<i32>} : memref<8x64x128xf32, #tpu.memory_space<vmem>>, vector<1x1x16xf32>,
      %get3A_989 = vector.shape_cast %get3A_988 : vector<1x1x16xf32> to vector<16xf32>
      %max3A_990 = arith.constant 0.000000e+00 : f32
      %max3A_991 = vector.broadcast %max3A_990 : f32 to vector<16xf32>
      %max3A_992 = arith.maximumf %get3A_989, %max3A_991 : vector<16xf32>
      %add3A_993 = arith.addf %add3A_983, %max3A_992 : vector<16xf32>
      %mul3A_994 = arith.constant 2.500000e-01 : f32
      %mul3A_995 = vector.broadcast %mul3A_994 : f32 to vector<16xf32>
      %mul3A_996 = arith.mulf %add3A_954, %mul3A_995 : vector<16xf32>
      %max3A_997 = arith.constant 0.000000e+00 : f32
      %max3A_998 = vector.broadcast %max3A_997 : f32 to vector<16xf32>
      %max3A_999 = arith.maximumf %mul3A_996, %max3A_998 : vector<16xf32>
      %add3A_1000 = arith.addf %add3A_993, %max3A_999 : vector<16xf32>
      %add3A_1001 = arith.constant 64 : i32
      %add3A_1002 = arith.addi %add3A_1001, %scan3A_610 : i32
      %swap3A_1003 = arith.index_cast %add3A_1002 : i32 to index
      %swap3A_1004 = arith.constant 64 : index
      %swap3A_1005 = tpu.vector_load %arg11[%swap3A_1003, %swap3A_1004] {strides = array<i32>} : memref<128x128xf32, #tpu.memory_space<vmem>>, vector<1x16xf32>,
      %swap3A_1006 = vector.shape_cast %swap3A_1005 : vector<1x16xf32> to vector<16xf32>
      %swap3A_1007 = vector.shape_cast %add3A_1000 : vector<16xf32> to vector<1x16xf32>
      tpu.vector_store %arg11[%swap3A_1003, %swap3A_1004], %swap3A_1007 {strides = array<i32>} : memref<128x128xf32, #tpu.memory_space<vmem>>, vector<1x16xf32>,
      %get3A_1008 = arith.constant 4 : i32
      %get3A_1009 = arith.index_cast %get3A_1008 : i32 to index
      %get3A_1010 = arith.index_cast %scan3A_610 : i32 to index
      %get3A_1011 = arith.constant 80 : index
      %get3A_1012 = tpu.vector_load %arg10[%get3A_1009, %get3A_1010, %get3A_1011] {strides = array<i32>} : memref<8x64x128xf32, #tpu.memory_space<vmem>>, vector<1x1x16xf32>,
      %get3A_1013 = vector.shape_cast %get3A_1012 : vector<1x1x16xf32> to vector<16xf32>
      %get3A_1014 = arith.constant 5 : i32
      %get3A_1015 = arith.index_cast %get3A_1014 : i32 to index
      %get3A_1016 = arith.index_cast %scan3A_610 : i32 to index
      %get3A_1017 = arith.constant 80 : index
      %get3A_1018 = tpu.vector_load %arg10[%get3A_1015, %get3A_1016, %get3A_1017] {strides = array<i32>} : memref<8x64x128xf32, #tpu.memory_space<vmem>>, vector<1x1x16xf32>,
      %get3A_1019 = vector.shape_cast %get3A_1018 : vector<1x1x16xf32> to vector<16xf32>
      %add3A_1020 = arith.addf %get3A_1013, %get3A_1019 : vector<16xf32>
      %get3A_1021 = arith.constant 6 : i32
      %get3A_1022 = arith.index_cast %get3A_1021 : i32 to index
      %get3A_1023 = arith.index_cast %scan3A_610 : i32 to index
      %get3A_1024 = arith.constant 80 : index
      %get3A_1025 = tpu.vector_load %arg10[%get3A_1022, %get3A_1023, %get3A_1024] {strides = array<i32>} : memref<8x64x128xf32, #tpu.memory_space<vmem>>, vector<1x1x16xf32>,
      %get3A_1026 = vector.shape_cast %get3A_1025 : vector<1x1x16xf32> to vector<16xf32>
      %add3A_1027 = arith.addf %add3A_1020, %get3A_1026 : vector<16xf32>
      %get3A_1028 = arith.constant 7 : i32
      %get3A_1029 = arith.index_cast %get3A_1028 : i32 to index
      %get3A_1030 = arith.index_cast %scan3A_610 : i32 to index
      %get3A_1031 = arith.constant 80 : index
      %get3A_1032 = tpu.vector_load %arg10[%get3A_1029, %get3A_1030, %get3A_1031] {strides = array<i32>} : memref<8x64x128xf32, #tpu.memory_space<vmem>>, vector<1x1x16xf32>,
      %get3A_1033 = vector.shape_cast %get3A_1032 : vector<1x1x16xf32> to vector<16xf32>
      %add3A_1034 = arith.addf %add3A_1027, %get3A_1033 : vector<16xf32>
      %get3A_1035 = arith.constant 0 : i32
      %get3A_1036 = arith.index_cast %get3A_1035 : i32 to index
      %get3A_1037 = arith.index_cast %scan3A_610 : i32 to index
      %get3A_1038 = arith.constant 80 : index
      %get3A_1039 = tpu.vector_load %arg10[%get3A_1036, %get3A_1037, %get3A_1038] {strides = array<i32>} : memref<8x64x128xf32, #tpu.memory_space<vmem>>, vector<1x1x16xf32>,
      %get3A_1040 = vector.shape_cast %get3A_1039 : vector<1x1x16xf32> to vector<16xf32>
      %max3A_1041 = arith.constant 0.000000e+00 : f32
      %max3A_1042 = vector.broadcast %max3A_1041 : f32 to vector<16xf32>
      %max3A_1043 = arith.maximumf %get3A_1040, %max3A_1042 : vector<16xf32>
      %get3A_1044 = arith.constant 1 : i32
      %get3A_1045 = arith.index_cast %get3A_1044 : i32 to index
      %get3A_1046 = arith.index_cast %scan3A_610 : i32 to index
      %get3A_1047 = arith.constant 80 : index
      %get3A_1048 = tpu.vector_load %arg10[%get3A_1045, %get3A_1046, %get3A_1047] {strides = array<i32>} : memref<8x64x128xf32, #tpu.memory_space<vmem>>, vector<1x1x16xf32>,
      %get3A_1049 = vector.shape_cast %get3A_1048 : vector<1x1x16xf32> to vector<16xf32>
      %max3A_1050 = arith.constant 0.000000e+00 : f32
      %max3A_1051 = vector.broadcast %max3A_1050 : f32 to vector<16xf32>
      %max3A_1052 = arith.maximumf %get3A_1049, %max3A_1051 : vector<16xf32>
      %add3A_1053 = arith.addf %max3A_1043, %max3A_1052 : vector<16xf32>
      %get3A_1054 = arith.constant 2 : i32
      %get3A_1055 = arith.index_cast %get3A_1054 : i32 to index
      %get3A_1056 = arith.index_cast %scan3A_610 : i32 to index
      %get3A_1057 = arith.constant 80 : index
      %get3A_1058 = tpu.vector_load %arg10[%get3A_1055, %get3A_1056, %get3A_1057] {strides = array<i32>} : memref<8x64x128xf32, #tpu.memory_space<vmem>>, vector<1x1x16xf32>,
      %get3A_1059 = vector.shape_cast %get3A_1058 : vector<1x1x16xf32> to vector<16xf32>
      %max3A_1060 = arith.constant 0.000000e+00 : f32
      %max3A_1061 = vector.broadcast %max3A_1060 : f32 to vector<16xf32>
      %max3A_1062 = arith.maximumf %get3A_1059, %max3A_1061 : vector<16xf32>
      %add3A_1063 = arith.addf %add3A_1053, %max3A_1062 : vector<16xf32>
      %get3A_1064 = arith.constant 3 : i32
      %get3A_1065 = arith.index_cast %get3A_1064 : i32 to index
      %get3A_1066 = arith.index_cast %scan3A_610 : i32 to index
      %get3A_1067 = arith.constant 80 : index
      %get3A_1068 = tpu.vector_load %arg10[%get3A_1065, %get3A_1066, %get3A_1067] {strides = array<i32>} : memref<8x64x128xf32, #tpu.memory_space<vmem>>, vector<1x1x16xf32>,
      %get3A_1069 = vector.shape_cast %get3A_1068 : vector<1x1x16xf32> to vector<16xf32>
      %max3A_1070 = arith.constant 0.000000e+00 : f32
      %max3A_1071 = vector.broadcast %max3A_1070 : f32 to vector<16xf32>
      %max3A_1072 = arith.maximumf %get3A_1069, %max3A_1071 : vector<16xf32>
      %add3A_1073 = arith.addf %add3A_1063, %max3A_1072 : vector<16xf32>
      %mul3A_1074 = arith.constant 2.500000e-01 : f32
      %mul3A_1075 = vector.broadcast %mul3A_1074 : f32 to vector<16xf32>
      %mul3A_1076 = arith.mulf %add3A_1034, %mul3A_1075 : vector<16xf32>
      %max3A_1077 = arith.constant 0.000000e+00 : f32
      %max3A_1078 = vector.broadcast %max3A_1077 : f32 to vector<16xf32>
      %max3A_1079 = arith.maximumf %mul3A_1076, %max3A_1078 : vector<16xf32>
      %add3A_1080 = arith.addf %add3A_1073, %max3A_1079 : vector<16xf32>
      %add3A_1081 = arith.constant 64 : i32
      %add3A_1082 = arith.addi %add3A_1081, %scan3A_610 : i32
      %swap3A_1083 = arith.index_cast %add3A_1082 : i32 to index
      %swap3A_1084 = arith.constant 80 : index
      %swap3A_1085 = tpu.vector_load %arg11[%swap3A_1083, %swap3A_1084] {strides = array<i32>} : memref<128x128xf32, #tpu.memory_space<vmem>>, vector<1x16xf32>,
      %swap3A_1086 = vector.shape_cast %swap3A_1085 : vector<1x16xf32> to vector<16xf32>
      %swap3A_1087 = vector.shape_cast %add3A_1080 : vector<16xf32> to vector<1x16xf32>
      tpu.vector_store %arg11[%swap3A_1083, %swap3A_1084], %swap3A_1087 {strides = array<i32>} : memref<128x128xf32, #tpu.memory_space<vmem>>, vector<1x16xf32>,
      %get3A_1088 = arith.constant 4 : i32
      %get3A_1089 = arith.index_cast %get3A_1088 : i32 to index
      %get3A_1090 = arith.index_cast %scan3A_610 : i32 to index
      %get3A_1091 = arith.constant 96 : index
      %get3A_1092 = tpu.vector_load %arg10[%get3A_1089, %get3A_1090, %get3A_1091] {strides = array<i32>} : memref<8x64x128xf32, #tpu.memory_space<vmem>>, vector<1x1x16xf32>,
      %get3A_1093 = vector.shape_cast %get3A_1092 : vector<1x1x16xf32> to vector<16xf32>
      %get3A_1094 = arith.constant 5 : i32
      %get3A_1095 = arith.index_cast %get3A_1094 : i32 to index
      %get3A_1096 = arith.index_cast %scan3A_610 : i32 to index
      %get3A_1097 = arith.constant 96 : index
      %get3A_1098 = tpu.vector_load %arg10[%get3A_1095, %get3A_1096, %get3A_1097] {strides = array<i32>} : memref<8x64x128xf32, #tpu.memory_space<vmem>>, vector<1x1x16xf32>,
      %get3A_1099 = vector.shape_cast %get3A_1098 : vector<1x1x16xf32> to vector<16xf32>
      %add3A_1100 = arith.addf %get3A_1093, %get3A_1099 : vector<16xf32>
      %get3A_1101 = arith.constant 6 : i32
      %get3A_1102 = arith.index_cast %get3A_1101 : i32 to index
      %get3A_1103 = arith.index_cast %scan3A_610 : i32 to index
      %get3A_1104 = arith.constant 96 : index
      %get3A_1105 = tpu.vector_load %arg10[%get3A_1102, %get3A_1103, %get3A_1104] {strides = array<i32>} : memref<8x64x128xf32, #tpu.memory_space<vmem>>, vector<1x1x16xf32>,
      %get3A_1106 = vector.shape_cast %get3A_1105 : vector<1x1x16xf32> to vector<16xf32>
      %add3A_1107 = arith.addf %add3A_1100, %get3A_1106 : vector<16xf32>
      %get3A_1108 = arith.constant 7 : i32
      %get3A_1109 = arith.index_cast %get3A_1108 : i32 to index
      %get3A_1110 = arith.index_cast %scan3A_610 : i32 to index
      %get3A_1111 = arith.constant 96 : index
      %get3A_1112 = tpu.vector_load %arg10[%get3A_1109, %get3A_1110, %get3A_1111] {strides = array<i32>} : memref<8x64x128xf32, #tpu.memory_space<vmem>>, vector<1x1x16xf32>,
      %get3A_1113 = vector.shape_cast %get3A_1112 : vector<1x1x16xf32> to vector<16xf32>
      %add3A_1114 = arith.addf %add3A_1107, %get3A_1113 : vector<16xf32>
      %get3A_1115 = arith.constant 0 : i32
      %get3A_1116 = arith.index_cast %get3A_1115 : i32 to index
      %get3A_1117 = arith.index_cast %scan3A_610 : i32 to index
      %get3A_1118 = arith.constant 96 : index
      %get3A_1119 = tpu.vector_load %arg10[%get3A_1116, %get3A_1117, %get3A_1118] {strides = array<i32>} : memref<8x64x128xf32, #tpu.memory_space<vmem>>, vector<1x1x16xf32>,
      %get3A_1120 = vector.shape_cast %get3A_1119 : vector<1x1x16xf32> to vector<16xf32>
      %max3A_1121 = arith.constant 0.000000e+00 : f32
      %max3A_1122 = vector.broadcast %max3A_1121 : f32 to vector<16xf32>
      %max3A_1123 = arith.maximumf %get3A_1120, %max3A_1122 : vector<16xf32>
      %get3A_1124 = arith.constant 1 : i32
      %get3A_1125 = arith.index_cast %get3A_1124 : i32 to index
      %get3A_1126 = arith.index_cast %scan3A_610 : i32 to index
      %get3A_1127 = arith.constant 96 : index
      %get3A_1128 = tpu.vector_load %arg10[%get3A_1125, %get3A_1126, %get3A_1127] {strides = array<i32>} : memref<8x64x128xf32, #tpu.memory_space<vmem>>, vector<1x1x16xf32>,
      %get3A_1129 = vector.shape_cast %get3A_1128 : vector<1x1x16xf32> to vector<16xf32>
      %max3A_1130 = arith.constant 0.000000e+00 : f32
      %max3A_1131 = vector.broadcast %max3A_1130 : f32 to vector<16xf32>
      %max3A_1132 = arith.maximumf %get3A_1129, %max3A_1131 : vector<16xf32>
      %add3A_1133 = arith.addf %max3A_1123, %max3A_1132 : vector<16xf32>
      %get3A_1134 = arith.constant 2 : i32
      %get3A_1135 = arith.index_cast %get3A_1134 : i32 to index
      %get3A_1136 = arith.index_cast %scan3A_610 : i32 to index
      %get3A_1137 = arith.constant 96 : index
      %get3A_1138 = tpu.vector_load %arg10[%get3A_1135, %get3A_1136, %get3A_1137] {strides = array<i32>} : memref<8x64x128xf32, #tpu.memory_space<vmem>>, vector<1x1x16xf32>,
      %get3A_1139 = vector.shape_cast %get3A_1138 : vector<1x1x16xf32> to vector<16xf32>
      %max3A_1140 = arith.constant 0.000000e+00 : f32
      %max3A_1141 = vector.broadcast %max3A_1140 : f32 to vector<16xf32>
      %max3A_1142 = arith.maximumf %get3A_1139, %max3A_1141 : vector<16xf32>
      %add3A_1143 = arith.addf %add3A_1133, %max3A_1142 : vector<16xf32>
      %get3A_1144 = arith.constant 3 : i32
      %get3A_1145 = arith.index_cast %get3A_1144 : i32 to index
      %get3A_1146 = arith.index_cast %scan3A_610 : i32 to index
      %get3A_1147 = arith.constant 96 : index
      %get3A_1148 = tpu.vector_load %arg10[%get3A_1145, %get3A_1146, %get3A_1147] {strides = array<i32>} : memref<8x64x128xf32, #tpu.memory_space<vmem>>, vector<1x1x16xf32>,
      %get3A_1149 = vector.shape_cast %get3A_1148 : vector<1x1x16xf32> to vector<16xf32>
      %max3A_1150 = arith.constant 0.000000e+00 : f32
      %max3A_1151 = vector.broadcast %max3A_1150 : f32 to vector<16xf32>
      %max3A_1152 = arith.maximumf %get3A_1149, %max3A_1151 : vector<16xf32>
      %add3A_1153 = arith.addf %add3A_1143, %max3A_1152 : vector<16xf32>
      %mul3A_1154 = arith.constant 2.500000e-01 : f32
      %mul3A_1155 = vector.broadcast %mul3A_1154 : f32 to vector<16xf32>
      %mul3A_1156 = arith.mulf %add3A_1114, %mul3A_1155 : vector<16xf32>
      %max3A_1157 = arith.constant 0.000000e+00 : f32
      %max3A_1158 = vector.broadcast %max3A_1157 : f32 to vector<16xf32>
      %max3A_1159 = arith.maximumf %mul3A_1156, %max3A_1158 : vector<16xf32>
      %add3A_1160 = arith.addf %add3A_1153, %max3A_1159 : vector<16xf32>
      %add3A_1161 = arith.constant 64 : i32
      %add3A_1162 = arith.addi %add3A_1161, %scan3A_610 : i32
      %swap3A_1163 = arith.index_cast %add3A_1162 : i32 to index
      %swap3A_1164 = arith.constant 96 : index
      %swap3A_1165 = tpu.vector_load %arg11[%swap3A_1163, %swap3A_1164] {strides = array<i32>} : memref<128x128xf32, #tpu.memory_space<vmem>>, vector<1x16xf32>,
      %swap3A_1166 = vector.shape_cast %swap3A_1165 : vector<1x16xf32> to vector<16xf32>
      %swap3A_1167 = vector.shape_cast %add3A_1160 : vector<16xf32> to vector<1x16xf32>
      tpu.vector_store %arg11[%swap3A_1163, %swap3A_1164], %swap3A_1167 {strides = array<i32>} : memref<128x128xf32, #tpu.memory_space<vmem>>, vector<1x16xf32>,
      %get3A_1168 = arith.constant 4 : i32
      %get3A_1169 = arith.index_cast %get3A_1168 : i32 to index
      %get3A_1170 = arith.index_cast %scan3A_610 : i32 to index
      %get3A_1171 = arith.constant 112 : index
      %get3A_1172 = tpu.vector_load %arg10[%get3A_1169, %get3A_1170, %get3A_1171] {strides = array<i32>} : memref<8x64x128xf32, #tpu.memory_space<vmem>>, vector<1x1x16xf32>,
      %get3A_1173 = vector.shape_cast %get3A_1172 : vector<1x1x16xf32> to vector<16xf32>
      %get3A_1174 = arith.constant 5 : i32
      %get3A_1175 = arith.index_cast %get3A_1174 : i32 to index
      %get3A_1176 = arith.index_cast %scan3A_610 : i32 to index
      %get3A_1177 = arith.constant 112 : index
      %get3A_1178 = tpu.vector_load %arg10[%get3A_1175, %get3A_1176, %get3A_1177] {strides = array<i32>} : memref<8x64x128xf32, #tpu.memory_space<vmem>>, vector<1x1x16xf32>,
      %get3A_1179 = vector.shape_cast %get3A_1178 : vector<1x1x16xf32> to vector<16xf32>
      %add3A_1180 = arith.addf %get3A_1173, %get3A_1179 : vector<16xf32>
      %get3A_1181 = arith.constant 6 : i32
      %get3A_1182 = arith.index_cast %get3A_1181 : i32 to index
      %get3A_1183 = arith.index_cast %scan3A_610 : i32 to index
      %get3A_1184 = arith.constant 112 : index
      %get3A_1185 = tpu.vector_load %arg10[%get3A_1182, %get3A_1183, %get3A_1184] {strides = array<i32>} : memref<8x64x128xf32, #tpu.memory_space<vmem>>, vector<1x1x16xf32>,
      %get3A_1186 = vector.shape_cast %get3A_1185 : vector<1x1x16xf32> to vector<16xf32>
      %add3A_1187 = arith.addf %add3A_1180, %get3A_1186 : vector<16xf32>
      %get3A_1188 = arith.constant 7 : i32
      %get3A_1189 = arith.index_cast %get3A_1188 : i32 to index
      %get3A_1190 = arith.index_cast %scan3A_610 : i32 to index
      %get3A_1191 = arith.constant 112 : index
      %get3A_1192 = tpu.vector_load %arg10[%get3A_1189, %get3A_1190, %get3A_1191] {strides = array<i32>} : memref<8x64x128xf32, #tpu.memory_space<vmem>>, vector<1x1x16xf32>,
      %get3A_1193 = vector.shape_cast %get3A_1192 : vector<1x1x16xf32> to vector<16xf32>
      %add3A_1194 = arith.addf %add3A_1187, %get3A_1193 : vector<16xf32>
      %get3A_1195 = arith.constant 0 : i32
      %get3A_1196 = arith.index_cast %get3A_1195 : i32 to index
      %get3A_1197 = arith.index_cast %scan3A_610 : i32 to index
      %get3A_1198 = arith.constant 112 : index
      %get3A_1199 = tpu.vector_load %arg10[%get3A_1196, %get3A_1197, %get3A_1198] {strides = array<i32>} : memref<8x64x128xf32, #tpu.memory_space<vmem>>, vector<1x1x16xf32>,
      %get3A_1200 = vector.shape_cast %get3A_1199 : vector<1x1x16xf32> to vector<16xf32>
      %max3A_1201 = arith.constant 0.000000e+00 : f32
      %max3A_1202 = vector.broadcast %max3A_1201 : f32 to vector<16xf32>
      %max3A_1203 = arith.maximumf %get3A_1200, %max3A_1202 : vector<16xf32>
      %get3A_1204 = arith.constant 1 : i32
      %get3A_1205 = arith.index_cast %get3A_1204 : i32 to index
      %get3A_1206 = arith.index_cast %scan3A_610 : i32 to index
      %get3A_1207 = arith.constant 112 : index
      %get3A_1208 = tpu.vector_load %arg10[%get3A_1205, %get3A_1206, %get3A_1207] {strides = array<i32>} : memref<8x64x128xf32, #tpu.memory_space<vmem>>, vector<1x1x16xf32>,
      %get3A_1209 = vector.shape_cast %get3A_1208 : vector<1x1x16xf32> to vector<16xf32>
      %max3A_1210 = arith.constant 0.000000e+00 : f32
      %max3A_1211 = vector.broadcast %max3A_1210 : f32 to vector<16xf32>
      %max3A_1212 = arith.maximumf %get3A_1209, %max3A_1211 : vector<16xf32>
      %add3A_1213 = arith.addf %max3A_1203, %max3A_1212 : vector<16xf32>
      %get3A_1214 = arith.constant 2 : i32
      %get3A_1215 = arith.index_cast %get3A_1214 : i32 to index
      %get3A_1216 = arith.index_cast %scan3A_610 : i32 to index
      %get3A_1217 = arith.constant 112 : index
      %get3A_1218 = tpu.vector_load %arg10[%get3A_1215, %get3A_1216, %get3A_1217] {strides = array<i32>} : memref<8x64x128xf32, #tpu.memory_space<vmem>>, vector<1x1x16xf32>,
      %get3A_1219 = vector.shape_cast %get3A_1218 : vector<1x1x16xf32> to vector<16xf32>
      %max3A_1220 = arith.constant 0.000000e+00 : f32
      %max3A_1221 = vector.broadcast %max3A_1220 : f32 to vector<16xf32>
      %max3A_1222 = arith.maximumf %get3A_1219, %max3A_1221 : vector<16xf32>
      %add3A_1223 = arith.addf %add3A_1213, %max3A_1222 : vector<16xf32>
      %get3A_1224 = arith.constant 3 : i32
      %get3A_1225 = arith.index_cast %get3A_1224 : i32 to index
      %get3A_1226 = arith.index_cast %scan3A_610 : i32 to index
      %get3A_1227 = arith.constant 112 : index
      %get3A_1228 = tpu.vector_load %arg10[%get3A_1225, %get3A_1226, %get3A_1227] {strides = array<i32>} : memref<8x64x128xf32, #tpu.memory_space<vmem>>, vector<1x1x16xf32>,
      %get3A_1229 = vector.shape_cast %get3A_1228 : vector<1x1x16xf32> to vector<16xf32>
      %max3A_1230 = arith.constant 0.000000e+00 : f32
      %max3A_1231 = vector.broadcast %max3A_1230 : f32 to vector<16xf32>
      %max3A_1232 = arith.maximumf %get3A_1229, %max3A_1231 : vector<16xf32>
      %add3A_1233 = arith.addf %add3A_1223, %max3A_1232 : vector<16xf32>
      %mul3A_1234 = arith.constant 2.500000e-01 : f32
      %mul3A_1235 = vector.broadcast %mul3A_1234 : f32 to vector<16xf32>
      %mul3A_1236 = arith.mulf %add3A_1194, %mul3A_1235 : vector<16xf32>
      %max3A_1237 = arith.constant 0.000000e+00 : f32
      %max3A_1238 = vector.broadcast %max3A_1237 : f32 to vector<16xf32>
      %max3A_1239 = arith.maximumf %mul3A_1236, %max3A_1238 : vector<16xf32>
      %add3A_1240 = arith.addf %add3A_1233, %max3A_1239 : vector<16xf32>
      %add3A_1241 = arith.constant 64 : i32
      %add3A_1242 = arith.addi %add3A_1241, %scan3A_610 : i32
      %swap3A_1243 = arith.index_cast %add3A_1242 : i32 to index
      %swap3A_1244 = arith.constant 112 : index
      %swap3A_1245 = tpu.vector_load %arg11[%swap3A_1243, %swap3A_1244] {strides = array<i32>} : memref<128x128xf32, #tpu.memory_space<vmem>>, vector<1x16xf32>,
      %swap3A_1246 = vector.shape_cast %swap3A_1245 : vector<1x16xf32> to vector<16xf32>
      %swap3A_1247 = vector.shape_cast %add3A_1240 : vector<16xf32> to vector<1x16xf32>
      tpu.vector_store %arg11[%swap3A_1243, %swap3A_1244], %swap3A_1247 {strides = array<i32>} : memref<128x128xf32, #tpu.memory_space<vmem>>, vector<1x16xf32>,
    }
    %scan3A_609 = arith.constant 64 : i32
    "tpu.region"() ({
      %run_scoped3A = tpu.sem_alloc : memref<!tpu.dma_semaphore, #tpu.memory_space<semaphore_mem>>
      %dma_start3A_610 = arith.constant 0 : i32
      %dma_start3A_611 = tpu.memref_slice %arg8[%mul3A_2, %dma_start3A_610] : memref<4096x128xf32, #tpu.memory_space<hbm>> -> memref<128x128xf32, #tpu.memory_space<hbm>>
      %dma_start3A_612 = arith.constant 0 : i32
      %dma_start3A_613 = tpu.memref_slice %arg8[%mul3A_2, %dma_start3A_612] : memref<4096x128xf32, #tpu.memory_space<hbm>> -> memref<128x128xf32, #tpu.memory_space<hbm>>
      tpu.enqueue_dma source(%arg11 : memref<128x128xf32, #tpu.memory_space<vmem>>) target(%dma_start3A_613 : memref<128x128xf32, #tpu.memory_space<hbm>>) target_semaphore(%run_scoped3A : memref<!tpu.dma_semaphore, #tpu.memory_space<semaphore_mem>>)
      %dma_wait3A_614 = arith.constant 0 : i32
      %dma_wait3A_615 = tpu.memref_slice %arg8[%mul3A_2, %dma_wait3A_614] : memref<4096x128xf32, #tpu.memory_space<hbm>> -> memref<128x128xf32, #tpu.memory_space<hbm>>
      %dma_wait3A_616 = arith.constant 0 : i32
      %dma_wait3A_617 = tpu.memref_slice %arg8[%mul3A_2, %dma_wait3A_616] : memref<4096x128xf32, #tpu.memory_space<hbm>> -> memref<128x128xf32, #tpu.memory_space<hbm>>
      tpu.wait_dma2 semaphore(%run_scoped3A : memref<!tpu.dma_semaphore, #tpu.memory_space<semaphore_mem>>) src(%arg11 : memref<128x128xf32, #tpu.memory_space<vmem>>) dst(%dma_wait3A_617 : memref<128x128xf32, #tpu.memory_space<hbm>>)
      tpu.yield
    }) : () -> ()
    return
  }
}

module attributes {stable_mosaic.version = 14 : i64} {
  func.func @body(%arg0: i32, %arg1: memref<2048x9xi32, #tpu.memory_space<vmem>>, %arg2: memref<144x128xf32, #tpu.memory_space<vmem>>, %arg3: memref<2048x128xf32, #tpu.memory_space<vmem>>) attributes {dimension_semantics = [#tpu.dimension_semantics<arbitrary>], iteration_bounds = array<i64: 2>, scalar_prefetch = 0 : i64, scratch_operands = 0 : i64, tpu.core_type = #tpu.core_type<tc>, window_params = [{transform_indices = @transform_0, window_bounds = array<i64: 2048, 9>}, {pipeline_mode = #tpu.pipeline_mode<synchronous>, transform_indices = @transform_1, window_bounds = array<i64: 144, 128>}, {transform_indices = @transform_2, window_bounds = array<i64: 2048, 128>}]} {
    %iota3A = tpu.iota {dimensions = array<i32: 1>} : vector<2048x16xi32>
    %get3A = arith.constant 0 : index
    %get3A_0 = arith.constant 0 : index
    %get3A_1 = vector.load %arg1[%get3A, %get3A_0] : memref<2048x9xi32, #tpu.memory_space<vmem>>, vector<2048x1xi32>
    %shift_right_logical3A = vector.broadcast %get3A_1 : vector<2048x1xi32> to vector<2048x16xi32>
    %shift_right_logical3A_2 = arith.shrui %shift_right_logical3A, %iota3A : vector<2048x16xi32>
    %and3A = arith.constant 1 : i32
    %and3A_3 = vector.broadcast %and3A : i32 to vector<2048x16xi32>
    %and3A_4 = arith.andi %shift_right_logical3A_2, %and3A_3 : vector<2048x16xi32>
    %get3A_5 = arith.constant 0 : index
    %get3A_6 = arith.constant 1 : index
    %get3A_7 = vector.load %arg1[%get3A_5, %get3A_6] : memref<2048x9xi32, #tpu.memory_space<vmem>>, vector<2048x1xi32>
    %shift_right_logical3A_8 = vector.broadcast %get3A_7 : vector<2048x1xi32> to vector<2048x16xi32>
    %shift_right_logical3A_9 = arith.shrui %shift_right_logical3A_8, %iota3A : vector<2048x16xi32>
    %and3A_10 = arith.constant 1 : i32
    %and3A_11 = vector.broadcast %and3A_10 : i32 to vector<2048x16xi32>
    %and3A_12 = arith.andi %shift_right_logical3A_9, %and3A_11 : vector<2048x16xi32>
    %get3A_13 = arith.constant 0 : index
    %get3A_14 = arith.constant 2 : index
    %get3A_15 = vector.load %arg1[%get3A_13, %get3A_14] : memref<2048x9xi32, #tpu.memory_space<vmem>>, vector<2048x1xi32>
    %shift_right_logical3A_16 = vector.broadcast %get3A_15 : vector<2048x1xi32> to vector<2048x16xi32>
    %shift_right_logical3A_17 = arith.shrui %shift_right_logical3A_16, %iota3A : vector<2048x16xi32>
    %and3A_18 = arith.constant 1 : i32
    %and3A_19 = vector.broadcast %and3A_18 : i32 to vector<2048x16xi32>
    %and3A_20 = arith.andi %shift_right_logical3A_17, %and3A_19 : vector<2048x16xi32>
    %get3A_21 = arith.constant 0 : index
    %get3A_22 = arith.constant 3 : index
    %get3A_23 = vector.load %arg1[%get3A_21, %get3A_22] : memref<2048x9xi32, #tpu.memory_space<vmem>>, vector<2048x1xi32>
    %shift_right_logical3A_24 = vector.broadcast %get3A_23 : vector<2048x1xi32> to vector<2048x16xi32>
    %shift_right_logical3A_25 = arith.shrui %shift_right_logical3A_24, %iota3A : vector<2048x16xi32>
    %and3A_26 = arith.constant 1 : i32
    %and3A_27 = vector.broadcast %and3A_26 : i32 to vector<2048x16xi32>
    %and3A_28 = arith.andi %shift_right_logical3A_25, %and3A_27 : vector<2048x16xi32>
    %get3A_29 = arith.constant 0 : index
    %get3A_30 = arith.constant 4 : index
    %get3A_31 = vector.load %arg1[%get3A_29, %get3A_30] : memref<2048x9xi32, #tpu.memory_space<vmem>>, vector<2048x1xi32>
    %shift_right_logical3A_32 = vector.broadcast %get3A_31 : vector<2048x1xi32> to vector<2048x16xi32>
    %shift_right_logical3A_33 = arith.shrui %shift_right_logical3A_32, %iota3A : vector<2048x16xi32>
    %and3A_34 = arith.constant 1 : i32
    %and3A_35 = vector.broadcast %and3A_34 : i32 to vector<2048x16xi32>
    %and3A_36 = arith.andi %shift_right_logical3A_33, %and3A_35 : vector<2048x16xi32>
    %get3A_37 = arith.constant 0 : index
    %get3A_38 = arith.constant 5 : index
    %get3A_39 = vector.load %arg1[%get3A_37, %get3A_38] : memref<2048x9xi32, #tpu.memory_space<vmem>>, vector<2048x1xi32>
    %shift_right_logical3A_40 = vector.broadcast %get3A_39 : vector<2048x1xi32> to vector<2048x16xi32>
    %shift_right_logical3A_41 = arith.shrui %shift_right_logical3A_40, %iota3A : vector<2048x16xi32>
    %and3A_42 = arith.constant 1 : i32
    %and3A_43 = vector.broadcast %and3A_42 : i32 to vector<2048x16xi32>
    %and3A_44 = arith.andi %shift_right_logical3A_41, %and3A_43 : vector<2048x16xi32>
    %get3A_45 = arith.constant 0 : index
    %get3A_46 = arith.constant 6 : index
    %get3A_47 = vector.load %arg1[%get3A_45, %get3A_46] : memref<2048x9xi32, #tpu.memory_space<vmem>>, vector<2048x1xi32>
    %shift_right_logical3A_48 = vector.broadcast %get3A_47 : vector<2048x1xi32> to vector<2048x16xi32>
    %shift_right_logical3A_49 = arith.shrui %shift_right_logical3A_48, %iota3A : vector<2048x16xi32>
    %and3A_50 = arith.constant 1 : i32
    %and3A_51 = vector.broadcast %and3A_50 : i32 to vector<2048x16xi32>
    %and3A_52 = arith.andi %shift_right_logical3A_49, %and3A_51 : vector<2048x16xi32>
    %get3A_53 = arith.constant 0 : index
    %get3A_54 = arith.constant 7 : index
    %get3A_55 = vector.load %arg1[%get3A_53, %get3A_54] : memref<2048x9xi32, #tpu.memory_space<vmem>>, vector<2048x1xi32>
    %shift_right_logical3A_56 = vector.broadcast %get3A_55 : vector<2048x1xi32> to vector<2048x16xi32>
    %shift_right_logical3A_57 = arith.shrui %shift_right_logical3A_56, %iota3A : vector<2048x16xi32>
    %and3A_58 = arith.constant 1 : i32
    %and3A_59 = vector.broadcast %and3A_58 : i32 to vector<2048x16xi32>
    %and3A_60 = arith.andi %shift_right_logical3A_57, %and3A_59 : vector<2048x16xi32>
    %get3A_61 = arith.constant 0 : index
    %get3A_62 = arith.constant 8 : index
    %get3A_63 = vector.load %arg1[%get3A_61, %get3A_62] : memref<2048x9xi32, #tpu.memory_space<vmem>>, vector<2048x1xi32>
    %shift_right_logical3A_64 = vector.broadcast %get3A_63 : vector<2048x1xi32> to vector<2048x16xi32>
    %shift_right_logical3A_65 = arith.shrui %shift_right_logical3A_64, %iota3A : vector<2048x16xi32>
    %and3A_66 = arith.constant 1 : i32
    %and3A_67 = vector.broadcast %and3A_66 : i32 to vector<2048x16xi32>
    %and3A_68 = arith.andi %shift_right_logical3A_65, %and3A_67 : vector<2048x16xi32>
    %concatenate3A = tpu.concatenate %and3A_4, %and3A_12, %and3A_20, %and3A_28, %and3A_36, %and3A_44, %and3A_52, %and3A_60, %and3A_68 in 1 : vector<2048x16xi32>, vector<2048x16xi32>, vector<2048x16xi32>, vector<2048x16xi32>, vector<2048x16xi32>, vector<2048x16xi32>, vector<2048x16xi32>, vector<2048x16xi32>, vector<2048x16xi32> -> vector<2048x144xi32>
    %convert_element_type3A = arith.sitofp %concatenate3A : vector<2048x144xi32> to vector<2048x144xf32>
    %get3A_69 = arith.constant 0 : index
    %get3A_70 = arith.constant 0 : index
    %get3A_71 = vector.load %arg2[%get3A_69, %get3A_70] : memref<144x128xf32, #tpu.memory_space<vmem>>, vector<144x128xf32>
    %dot_general3A = arith.constant dense<0.000000e+00> : vector<2048x128xf32>
    %dot_general3A_72 = tpu.matmul %convert_element_type3A, %get3A_71, %dot_general3A {dimension_numbers = #tpu.dot_dimension_numbers<[1], [0], [0], [1], [0, 0, 1, 1], [], []>, transpose_lhs_hint = false} : vector<2048x144xf32>, vector<144x128xf32>, vector<2048x128xf32> -> vector<2048x128xf32>
    %swap3A = arith.constant 0 : index
    %swap3A_73 = arith.constant 0 : index
    %swap3A_74 = vector.load %arg3[%swap3A, %swap3A_73] : memref<2048x128xf32, #tpu.memory_space<vmem>>, vector<2048x128xf32>
    tpu.vector_store %arg3[%swap3A, %swap3A_73], %dot_general3A_72 {strides = array<i32>} : memref<2048x128xf32, #tpu.memory_space<vmem>>, vector<2048x128xf32>,
    return
  }
  func.func @transform_0(%arg0: i32) -> (i32, i32) {
    %c0_i32 = arith.constant 0 : i32
    %c0_i32_0 = arith.constant 0 : i32
    return %arg0, %c0_i32 : i32, i32
  }
  func.func @transform_1(%arg0: i32) -> (i32, i32) {
    %c0_i32 = arith.constant 0 : i32
    %c0_i32_0 = arith.constant 0 : i32
    %c0_i32_1 = arith.constant 0 : i32
    return %c0_i32, %c0_i32_0 : i32, i32
  }
  func.func @transform_2(%arg0: i32) -> (i32, i32) {
    %c0_i32 = arith.constant 0 : i32
    %c0_i32_0 = arith.constant 0 : i32
    return %arg0, %c0_i32 : i32, i32
  }
}

module attributes {stable_mosaic.version = 14 : i64} {
  func.func @body(%arg0: i32, %arg1: memref<2048x128xf32, #tpu.memory_space<vmem>>, %arg2: memref<2048x128xf32, #tpu.memory_space<vmem>>, %arg3: memref<2048x1xi32, #tpu.memory_space<vmem>>, %arg4: memref<128x128xf32, #tpu.memory_space<vmem>>, %arg5: memref<1x128xf32, #tpu.memory_space<vmem>>, %arg6: memref<2048x128xf32, #tpu.memory_space<vmem>>) attributes {dimension_semantics = [#tpu.dimension_semantics<arbitrary>], iteration_bounds = array<i64: 2>, scalar_prefetch = 0 : i64, scratch_operands = 0 : i64, tpu.core_type = #tpu.core_type<tc>, window_params = [{transform_indices = @transform_0, window_bounds = array<i64: 2048, 128>}, {transform_indices = @transform_1, window_bounds = array<i64: 2048, 128>}, {transform_indices = @transform_2, window_bounds = array<i64: 2048, 1>}, {pipeline_mode = #tpu.pipeline_mode<synchronous>, transform_indices = @transform_3, window_bounds = array<i64: 128, 128>}, {pipeline_mode = #tpu.pipeline_mode<synchronous>, transform_indices = @transform_4, window_bounds = array<i64: 1, 128>}, {transform_indices = @transform_5, window_bounds = array<i64: 2048, 128>}]} {
    %get3A = arith.constant 0 : index
    %get3A_0 = arith.constant 0 : index
    %get3A_1 = vector.load %arg1[%get3A, %get3A_0] : memref<2048x128xf32, #tpu.memory_space<vmem>>, vector<2048x128xf32>
    %get3A_2 = arith.constant 0 : index
    %get3A_3 = arith.constant 0 : index
    %get3A_4 = vector.load %arg2[%get3A_2, %get3A_3] : memref<2048x128xf32, #tpu.memory_space<vmem>>, vector<2048x128xf32>
    %add3A = arith.addf %get3A_1, %get3A_4 : vector<2048x128xf32>
    %get3A_5 = arith.constant 0 : index
    %get3A_6 = arith.constant 0 : index
    %get3A_7 = vector.load %arg4[%get3A_5, %get3A_6] : memref<128x128xf32, #tpu.memory_space<vmem>>, vector<128x128xf32>
    %dot_general3A = arith.constant dense<0.000000e+00> : vector<2048x128xf32>
    %dot_general3A_8 = tpu.matmul %add3A, %get3A_7, %dot_general3A {dimension_numbers = #tpu.dot_dimension_numbers<[1], [0], [0], [1], [0, 0, 1, 1], [], []>, transpose_lhs_hint = false} : vector<2048x128xf32>, vector<128x128xf32>, vector<2048x128xf32> -> vector<2048x128xf32>
    %get3A_9 = arith.constant 0 : index
    %get3A_10 = arith.constant 0 : index
    %get3A_11 = vector.load %arg5[%get3A_9, %get3A_10] : memref<1x128xf32, #tpu.memory_space<vmem>>, vector<1x128xf32>
    %add3A_12 = vector.broadcast %get3A_11 : vector<1x128xf32> to vector<2048x128xf32>
    %add3A_13 = arith.addf %dot_general3A_8, %add3A_12 : vector<2048x128xf32>
    %max3A = arith.constant 0.000000e+00 : f32
    %max3A_14 = vector.broadcast %max3A : f32 to vector<2048x128xf32>
    %max3A_15 = arith.maximumf %add3A_13, %max3A_14 : vector<2048x128xf32>
    %get3A_16 = arith.constant 0 : index
    %get3A_17 = arith.constant 0 : index
    %get3A_18 = vector.load %arg3[%get3A_16, %get3A_17] : memref<2048x1xi32, #tpu.memory_space<vmem>>, vector<2048x1xi32>
    %ne3A = arith.constant 0 : i32
    %ne3A_19 = vector.broadcast %ne3A : i32 to vector<2048x1xi32>
    %ne3A_20 = arith.cmpi ne, %get3A_18, %ne3A_19 : vector<2048x1xi32>
    %jit3A = arith.constant 0.000000e+00 : f32
    %broadcast_in_dim3A = vector.shape_cast %ne3A_20 : vector<2048x1xi1> to vector<2048x1xi1>
    %broadcast_in_dim3A_21 = vector.broadcast %broadcast_in_dim3A : vector<2048x1xi1> to vector<2048x128xi1>
    %broadcast_in_dim3A_22 = vector.broadcast %jit3A : f32 to vector<2048x128xf32>
    %select_n3A = arith.select %broadcast_in_dim3A_21, %max3A_15, %broadcast_in_dim3A_22 : vector<2048x128xi1>, vector<2048x128xf32>
    %swap3A = arith.constant 0 : index
    %swap3A_23 = arith.constant 0 : index
    %swap3A_24 = vector.load %arg6[%swap3A, %swap3A_23] : memref<2048x128xf32, #tpu.memory_space<vmem>>, vector<2048x128xf32>
    tpu.vector_store %arg6[%swap3A, %swap3A_23], %select_n3A {strides = array<i32>} : memref<2048x128xf32, #tpu.memory_space<vmem>>, vector<2048x128xf32>,
    return
  }
  func.func @transform_0(%arg0: i32) -> (i32, i32) {
    %c0_i32 = arith.constant 0 : i32
    %c0_i32_0 = arith.constant 0 : i32
    return %arg0, %c0_i32 : i32, i32
  }
  func.func @transform_1(%arg0: i32) -> (i32, i32) {
    %c0_i32 = arith.constant 0 : i32
    %c0_i32_0 = arith.constant 0 : i32
    return %arg0, %c0_i32 : i32, i32
  }
  func.func @transform_2(%arg0: i32) -> (i32, i32) {
    %c0_i32 = arith.constant 0 : i32
    %c0_i32_0 = arith.constant 0 : i32
    return %arg0, %c0_i32 : i32, i32
  }
  func.func @transform_3(%arg0: i32) -> (i32, i32) {
    %c0_i32 = arith.constant 0 : i32
    %c0_i32_0 = arith.constant 0 : i32
    %c0_i32_1 = arith.constant 0 : i32
    return %c0_i32, %c0_i32_0 : i32, i32
  }
  func.func @transform_4(%arg0: i32) -> (i32, i32) {
    %c0_i32 = arith.constant 0 : i32
    %c0_i32_0 = arith.constant 0 : i32
    %c0_i32_1 = arith.constant 0 : i32
    return %c0_i32, %c0_i32_0 : i32, i32
  }
  func.func @transform_5(%arg0: i32) -> (i32, i32) {
    %c0_i32 = arith.constant 0 : i32
    %c0_i32_0 = arith.constant 0 : i32
    return %arg0, %c0_i32 : i32, i32
  }
}

</mosaic_0001>

<sc_bundles>
// kernel: kernel.5.cloned.1.call-start
scs
__scs_entry_jumppad:
0x0: {  	(pc) =	sbr.rel $0x88, $3  }
0x1: {  	(tag) =	ssettag $0x0;
	lr =	simm.s32 $0x1  }
0x2: {  	[smem:$0x3F93] =	sst lr;
	_ =	strace $0xD0000000  }
0x3: {  	_ = 	snop  }
0x4: {  	_ = 	snop  }
0x5: {  	_ = 	snop  }
0x6: {  	_ = 	snop  }
0x7: {  	_ = 	snop  }
__scs_overlays_trampoline_lowered:
0x8: {  	[smem:$0x3FA2] =	sst s0  }
0x9: {  	[smem:$0x3FA3] =	sst s1  }
0xa: {  	[smem:$0x3FA4] =	sst s2  }
0xb: {  	[smem:$0x3FA5] =	sst s3  }
0xc: {  	[smem:$0x3FA6] =	sst s4  }
0xd: {  	[smem:$0x3FA7] =	sst s5  }
0xe: {  	[smem:$0x3FA8] =	sst s6  }
0xf: {  	[smem:$0x3FA9] =	sst s7  }
0x10: {  	[smem:$0x3FAA] =	sst s8  }
0x11: {  	[smem:$0x3FAB] =	sst s9;
	s0 =	simm.s32 @!p0 $0x0  }
0x12: {  	s1 =	sld [smem:$0x3F91];
	s0 =	simm.s32 @p0 $0x1  }
0x13: {  	[smem:$0x3FAC] =	sst s0;
	s0 =	simm.s32 @!p1 $0x0  }
0x14: {  	s2 =	sld [smem:$0x3F90];
	s0 =	simm.s32 @p1 $0x1  }
0x15: {  	[smem:$0x3FAD] =	sst s0;
	s0 =	simm.s32 @!p2 $0x0  }
0x16: {  	s3 =	sld [smem:$0x3FDB];
	s0 =	simm.s32 @p2 $0x1  }
0x17: {  	s4 =	simm.s32 $0x1BF5;
	[smem:$0x3FAF] =	sst s0  }
0x18: {  	s0 =	sld [smem:$0x3F92];
	_ =	swait.ge [sflag:s4], $0x0  }
0x19: {  	s7 =	sld [smem:$0x3F93]  }
0x1a: {  	s8 =	sadd.s32 $0xFFFFE003, lr  }
0x1b: {  	s9 =	sadd.s32 $0xFFFFFEF7, lr;
	s5 =	simm.s32 $0xFFFFFFFF;
	p2 =	slt.u32 s8, $0xFFFFF086  }
0x1c: {  	p1 =	slt.u32 s9, $0xF7A;
	s5 =	simm.s32 @!p2 $0x0  }
0x1d: {  	s5 =	simm.s32 @p1 $0x1;
	p0 =	seq.s32 s7, s2  }
0x1e: {  	s7 =	smul.u32 @!p0 $0xF7A, s2;
	p2 =	seq.s32 @!p0 s5, $0x0  }
0x1f: {  	s9 =	smul.u32 $0xF7A, s1;
	s8 =	simm.s32 @!p0 $0x1BF5;
	p2 =	por !p2, p0  }
0x20: {  	[sflag:s8] =	ssyncset.s32 @!p0 $0xFFFFF086;
	s6 =	sadd.s32 @!p0 s3, s7;
	s7 =	simm.s32 @!p0 $0x108  }
0x21: {  	s3 =	sadd.s32 s3, s9;
	s6 =	sadd.s32 @!p0 $0x88, s6;
	s7 =	simm.s32 @p2 $0x1082  }
0x22: {  	[simem:s7], [sflag:s8] =	dma.local @!p0 [hbm:s6], $0xF7A  }
0x23: {  	s9 =	sor.u32 $0xD0000000, s2;
	s6 =	simm.s32 $0x108;
	_ =	swait.ge @!p0 [sflag:s8], $0x0  }
0x24: {  	s3 =	sadd.s32 $0x88, s3;
	s6 =	simm.s32 @!p1 $0x1082;
	[sflag:s4] =	ssyncset.s32 $0xFFFFF086  }
0x25: {  	[simem:s6], [sflag:s4] =	dma.local [hbm:s3], $0xF7A  }
0x26: {  	[smem:$0x3F93] =	sst s1;
	(tag) =	ssettag s2;
	_ =	strace s9  }
0x27: {  	s1 =	sld [smem:$0x3FA3]  }
0x28: {  	s2 =	sld [smem:$0x3FA4]  }
0x29: {  	s4 =	sld [smem:$0x3FA6]  }
0x2a: {  	p0 =	seq.s32 s5, $0x0;
	s5 =	sld [smem:$0x3FA7]  }
0x2b: {  	s6 =	sld [smem:$0x3FA8]  }
0x2c: {  	s7 =	sld [smem:$0x3FA9]  }
0x2d: {  	s3 =	simm.s32 $0x108;
	s8 =	sld [smem:$0x3FAA]  }
0x2e: {  	s3 =	simm.s32 @!p0 $0x1082;
	s9 =	sld [smem:$0x3FAB]  }
0x2f: {  	lr =	sadd.s32 s0, s3;
	s0 =	sld [smem:$0x3FA2]  }
0x30: {  	s3 =	sld [smem:$0x3FA5]  }
0x31: {  	[smem:$0x3FAE] =	sst s10  }
0x32: {  	s10 =	sld [smem:$0x3FAC];
	_ =	sdelay $0x3  }
0x33: {  	p0 =	seq.s32 s10, $0x1;
	s10 =	sld [smem:$0x3FAE];
	_ =	sdelay $0x3  }
0x34: {  	[smem:$0x3FAE] =	sst s10  }
0x35: {  	s10 =	sld [smem:$0x3FAD];
	_ =	sdelay $0x3  }
0x36: {  	p1 =	seq.s32 s10, $0x1;
	s10 =	sld [smem:$0x3FAE];
	_ =	sdelay $0x3  }
0x37: {  	[smem:$0x3FAE] =	sst s10  }
0x38: {  	s10 =	sld [smem:$0x3FAF]  }
0x39: {  	_ = 	snop;
	(pc) =	sbr.ind lr, $3  }
0x3a: {  	_ = 	snop  }
0x3b: {  	_ = 	snop  }
0x3c: {  	p2 =	seq.s32 s10, $0x1;
	s10 =	sld [smem:$0x3FAE]  }
0x3d: {  	_ =	shalt  }
0x3e: {  	_ =	shalt  }
0x3f: {  	_ =	shalt  }
0x40: {  	_ =	shalt  }
0x41: {  	_ =	shalt  }
0x42: {  	_ =	shalt  }
0x43: {  	_ =	shalt  }
0x44: {  	_ =	shalt  }
0x45: {  	_ =	shalt  }
0x46: {  	_ =	shalt  }
0x47: {  	_ =	shalt  }
0x48: {  	_ =	shalt  }
0x49: {  	_ =	shalt  }
0x4a: {  	_ =	shalt  }
0x4b: {  	_ =	shalt  }
0x4c: {  	_ =	shalt  }
0x4d: {  	_ =	shalt  }
0x4e: {  	_ =	shalt  }
0x4f: {  	_ =	shalt  }
0x50: {  	_ =	shalt  }
0x51: {  	_ =	shalt  }
0x52: {  	_ =	shalt  }
0x53: {  	_ =	shalt  }
0x54: {  	_ =	shalt  }
0x55: {  	_ =	shalt  }
0x56: {  	_ =	shalt  }
0x57: {  	_ =	shalt  }
0x58: {  	_ =	shalt  }
0x59: {  	_ =	shalt  }
0x5a: {  	_ =	shalt  }
0x5b: {  	_ =	shalt  }
0x5c: {  	_ =	shalt  }
0x5d: {  	_ =	shalt  }
0x5e: {  	_ =	shalt  }
0x5f: {  	_ =	shalt  }
0x60: {  	_ =	shalt  }
0x61: {  	_ =	shalt  }
0x62: {  	_ =	shalt  }
0x63: {  	_ =	shalt  }
0x64: {  	_ =	shalt  }
0x65: {  	_ =	shalt  }
0x66: {  	_ =	shalt  }
0x67: {  	_ =	shalt  }
0x68: {  	_ =	shalt  }
0x69: {  	_ =	shalt  }
0x6a: {  	_ =	shalt  }
0x6b: {  	_ =	shalt  }
0x6c: {  	_ =	shalt  }
0x6d: {  	_ =	shalt  }
0x6e: {  	_ =	shalt  }
0x6f: {  	_ =	shalt  }
0x70: {  	_ =	shalt  }
0x71: {  	_ =	shalt  }
0x72: {  	_ =	shalt  }
0x73: {  	_ =	shalt  }
0x74: {  	_ =	shalt  }
0x75: {  	_ =	shalt  }
0x76: {  	_ =	shalt  }
0x77: {  	_ =	shalt  }
0x78: {  	_ =	shalt  }
0x79: {  	_ =	shalt  }
0x7a: {  	_ =	shalt  }
0x7b: {  	_ =	shalt  }
0x7c: {  	_ =	shalt  }
0x7d: {  	_ =	shalt  }
0x7e: {  	_ =	shalt  }
0x7f: {  	_ =	shalt  }
0x80: {  	_ =	shalt  }
0x81: {  	_ =	shalt  }
0x82: {  	_ =	shalt  }
0x83: {  	_ =	shalt  }
0x84: {  	_ =	shalt  }
0x85: {  	_ =	shalt  }
0x86: {  	_ =	shalt  }
0x87: {  	_ =	shalt  }
.Lfunc_end0:
.L_simem_size_0:
called_computation_lowered:
.L_overlay_start_0:
0x88: {  	s2 =	sld [smem:$0x3FD9]  }
0x89: {  	s3 =	sld [smem:$0x3FFE];
	_ =	sdelay $0x1  }
0x8a: {  	s1 =	srdreg.scid  }
0x8b: {  	s0 =	sand.u32 $0x1, s1  }
0x8c: {  	s17 =	sshll.u32 s0, $0xA;
	s2 =	sadd.s32 s3, s2  }
0x8d: {  	s2 =	sadd.s32 s2, s17  }
0x8e: {  	[smem:$0x3FBA] =	sst s2  }
0x8f: {  	_ = 	snop  }
0x90: {  	s2 =	sld [smem:$0x3FC3]  }
0x91: {  	s18 =	sld [smem:$0x3FC2]  }
0x92: {  	s4 =	sld [smem:$0x3FC1]  }
0x93: {  	s5 =	sld [smem:$0x3FC0]  }
0x94: {  	s6 =	sld [smem:$0x3FBF]  }
0x95: {  	s7 =	sld [smem:$0x3FD0];
	(tm) =	ssettm $0x1  }
0x96: {  	s8 =	sld [smem:$0x3FFB];
	_ =	sdelay $0x3  }
0x97: {  	_ =	strace s8  }
0x98: {  	s8 =	sld [smem:$0x3FFC];
	_ =	sdelay $0x3  }
0x99: {  	_ =	strace s8  }
0x9a: {  	s8 =	sld [smem:$0x3FFD];
	_ =	sdelay $0x3  }
0x9b: {  	_ =	strace s8  }
0x9c: {  	_ =	strace $0x8FFFFFFF  }
0x9d: {  	s19 =	sld [smem:$0x3FDB];
	_ =	sdelay $0x1  }
0x9e: {  	s9 =	simm.s32 $_scs_section_size  }
0x9f: {  	s10 =	simm.s32 $_size__tile_overlayer_lowered;
	s11 =	simm.s32 $_tile_overlayer_lowered  }
0xa0: {  	s22 =	simm.s32 $0x1BFF;
	s21 =	sshll.u32 s11, $0x1;
	s8 =	sadd.s32 s9, s19  }
0xa1: {  	s12 =	simm.s32 $0x0;
	s20 =	sshll.u32 s10, $0x1;
	s10 =	sadd.s32 s21, s8  }
0xa2: {  	[timem:s12], [sflag:s22] =	dma.local [hbm:s10], s20  }
0xa3: {  	_ =	swait.ge [sflag:s22], s20  }
0xa4: {  	s9 =	ssub.s32 $0x0, s20;
	[sflag:s22] =	ssyncset.done $0x0  }
0xa5: {  	[sflag:s22] =	ssyncadd.s32 s9;
	_ =	sdelay $0x1  }
0xa6: {  	s23 =	simm.s32 $0x1B8B  }
0xa7: {  	_ =	swait.ge [sflag:s23], $0x1  }
0xa8: {  	[sflag:s23] =	ssyncset.done $0x0  }
0xa9: {  	s25 =	simm.s32 $0x1B8E;
	s24 =	sld [smem:$0x3FFE];
	[sflag:s23] =	ssyncadd.s32 $0xFFFFFFFF  }
0xaa: {  	s26 =	simm.s32 $execute0_lowered;
	[smem:$0x3FD2] =	sst s25  }
0xab: {  	s10 =	sshll.u32 s26, $0x1;
	_ =	strace $0x80000046;
	[dreg:$0x1] =	wrdreg $0xFFFFFFFF  }
0xac: {  	s28 =	simm.s32 $_size_execute0_lowered;
	s8 =	sadd.s32 s8, s10;
	[dreg:$0x0] =	wrdreg $0x0  }
0xad: {  	s10 =	sshll.u32 s28, $0x1;
	[dreg:$0x2] =	wrdreg s8  }
0xae: {  	[dreg:$0x3] =	wrdreg s10  }
0xaf: {  	[dreg:$0x4] =	wrdreg $0xC0  }
0xb0: {  	_ =	task [dreg:s12], $0x5FFFF  }
0xb1: {  	[dreg:$0x1] =	wrdreg $0xFFFFFFFF  }
0xb2: {  	[dreg:$0x0] =	wrdreg $0x60  }
0xb3: {  	[dreg:$0x2] =	wrdreg s24  }
0xb4: {  	[dreg:$0x3] =	wrdreg s2  }
0xb5: {  	[dreg:$0x4] =	wrdreg s18  }
0xb6: {  	[dreg:$0x5] =	wrdreg s4  }
0xb7: {  	[dreg:$0x6] =	wrdreg s6  }
0xb8: {  	[dreg:$0x7] =	wrdreg s5  }
0xb9: {  	[dreg:$0x8] =	wrdreg s7  }
0xba: {  	[dreg:$0x9] =	wrdreg $0x144000  }
0xbb: {  	[dreg:$0xa] =	wrdreg $0x163400  }
0xbc: {  	[dreg:$0xb] =	wrdreg $0x182800  }
0xbd: {  	[dreg:$0xc] =	wrdreg $0x1A1C00  }
0xbe: {  	[dreg:$0xd] =	wrdreg $0x1C1000  }
0xbf: {  	[dreg:$0xe] =	wrdreg $0x9  }
0xc0: {  	_ =	task.clear_ibuf [dreg:s12], $0xFFFFF;
	_ =	strace $0x90000046  }
0xc1: {  	s29 =	simm.s32 $0x9;
	_ =	strace $0x80000048  }
0xc2: {  	_ =	swait.ge [sflag:s29], $0x1  }
0xc3: {  	[sflag:s29] =	ssyncadd.s32 $0xFFFFFFFF  }
0xc4: {  	_ =	strace $0x90000048  }
0xc5: {  	_ =	sfence  }
0xc6: {  	s30 =	sld [smem:$0x0];
	_ =	sdelay $0x2  }
0xc7: {  	s31 =	sshll.u32 s1, $0xD;
	s1 =	sshrl.u32 s1, $0x2  }
0xc8: {  	s3 =	sand.u32 $0x4000, s31;
	s1 =	sadd.s32 s1, s30  }
0xc9: {  	s0 =	sor.u32 s3, s0;
	s1 =	sshll.u32 s1, $0x11  }
0xca: {  	s0 =	sor.u32 s1, s0  }
0xcb: {  	s0 =	sadd.s32 $0x8F2B, s0  }
0xcc: {  	[sflag:s0] =	ssyncadd.remote.s32 $0x1  }
0xcd: {  	_ =	sfence.sel $0xFFFF  }
0xce: {  	[dreg:$0x0] =	wrdreg $0xFFFFFFFF;
	(pc) =	sbr.abs _section_cstart, $3  }
0xcf: {  	[dreg:$0x1] =	wrdreg $0xFFFFFFFF  }
0xd0: {  	_ =	task.clear_ibuf [dreg:s12], $0x2FFFF;
	_ =	strace $0x9FFFFFFF  }
0xd1: {  	(tm) =	ssettm $0x7FFFFFFF  }
tec
execute0_lowered:
.L_overlay_start_1:
0x0: {  	(tag) =	ssettag $0x1  }
0x1: {  	s0 =	rddreg [dreg:$0x0]  }
0x2: {  	s1 =	rddreg [dreg:$0x6]  }
0x3: {  	s6 =	rddreg [dreg:$0x7]  }
0x4: {  	s7 =	rddreg [dreg:$0x8]  }
0x5: {  	s8 =	rddreg [dreg:$0x9]  }
0x6: {  	s9 =	rddreg [dreg:$0xa]  }
0x7: {  	s11 =	rddreg [dreg:$0xb]  }
0x8: {  	s2 =	srdreg.scid;
	s12 =	simm.s32 $0x0;
	s5 =	stileid.u32  }
0x9: {  	s28 =	simm.s32 $0x280;
	s29 =	simm.s32 $0x300;
	s30 =	simm.s32 $0x380  }
0xa: {  	s31 =	simm.s32 $0x1;
	s10 =	simm.s32 $0x400;
	s13 =	simm.s32 $0x0  }
0xb: {  	s17 =	simm.s32 $0x80;
	s18 =	simm.s32 $0x100;
	s2 =	sand.u32 $0x1, s2  }
0xc: {  	s3 =	sshll.u32 s5, $0x8;
	[smem:$0x7FF] =	sst s12;
	p4 =	sgt.s32 s5, $0x1  }
0xd: {  	s4 =	sshll.u32 s2, $0x7;
	s2 =	ssub.s32 $0x2, s2;
	_ =	strace $0x80000047  }
0xe: {  	p2 =	seq.s32 @p4 s5, $0x2;
	p5 =	seq.s32 @!p4 s5, $0x0;
	s3 =	sor.u32 s4, s3  }
0xf: {  	s19 =	sshrl.u32 s2, $0x1;
	p0 =	por p2, !p4;
	s0 =	sadd.s32 s3, s0  }
0x10: {  	p6 =	por p5, p4;
	s4 =	simm.s32 $0xA400;
	s20 =	sadd.s32 $0x1200, s0  }
0x11: {  	s2 =	ssub.s32 s2, s19;
	s21 =	sadd.s32 $0x1210, s0;
	[dreg:$0xd] =	wrdreg s20  }
0x12: {  	s3 =	sshll.u32 s3, $0x4;
	s22 =	sadd.s32 $0x1220, s0;
	[dreg:$0xe] =	wrdreg s21  }
0x13: {  	p1 =	seq.s32 @!p0 s5, $0x3;
	s23 =	sadd.s32 $0x1230, s0;
	[dreg:$0xf] =	wrdreg s22  }
0x14: {  	p6 =	seq.s32 @!p6 s5, $0x1;
	s24 =	sadd.s32 $0x1240, s0;
	[dreg:$0x10] =	wrdreg s23  }
0x15: {  	s19 =	simm.s32 $0x180;
	s25 =	sadd.s32 $0x1250, s0;
	[dreg:$0x11] =	wrdreg s24  }
0x16: {  	s26 =	sadd.s32 $0x1260, s0;
	p3 =	por @p4 p1, p2;
	[dreg:$0x12] =	wrdreg s25  }
0x17: {  	p6 =	por @!p4 !p6, p5;
	[dreg:$0x13] =	wrdreg s26;
	s20 =	sadd.s32 $0x1270, s0  }
0x18: {  	s21 =	sadd.s32 s1, s3;
	s22 =	smax.u32 s2, $0x1;
	p3 =	por p3, !p4  }
0x19: {  	s26 =	simm.s32 $0x200;
	s0 =	simm.s32 $0x2400;
	s1 =	simm.s32 $0x4400  }
0x1a: {  	s2 =	simm.s32 $0x6400;
	s3 =	simm.s32 $0x8400;
	s23 =	simm.s32 $0xC400  }
0x1b: {  	s24 =	simm.s32 $0xE400;
	s25 =	simm.s32 $0x2;
	p3 =	seq.s32 @!p3 s5, $0x4  }
0x1c: {  	s5 =	simm.s32 $0x40;
	p3 =	por @!p0 !p3, p1;
	p1 =	por @p4 !p1, p2  }
0x1d: {  	p0 =	por !p2, !p4;
	p1 =	por p1, !p4;
	p2 =	por @p4 p3, p2  }
0x1e: {  	p3 =	por !p5, p4;
	p2 =	por p2, !p4;
	p4 =	por p6, p4  }
.LBB2_1:
0x1f: {  	s14 =	rddreg [dreg:$0xd]  }
0x20: {  	[tilespmem:s12], [sflag:$0x1] =	stream.linear.gather [hbm4b:s14+s12], $0x80, $0x38;
	[tilespmem:$0x1C110] =	vst v63  }
0x21: {  	s15 =	rddreg [dreg:$0xe]  }
0x22: {  	[tilespmem:s17], [sflag:$0x1] =	stream.linear.gather [hbm4b:s15+s12], $0x80, $0x38;
	[tilespmem:$0x1C110] =	vst v63  }
0x23: {  	s16 =	rddreg [dreg:$0xf]  }
0x24: {  	[tilespmem:s18], [sflag:$0x1] =	stream.linear.gather [hbm4b:s16+s12], $0x80, $0x38;
	[tilespmem:$0x1C110] =	vst v63  }
0x25: {  	s15 =	rddreg [dreg:$0x10]  }
0x26: {  	[tilespmem:s19], [sflag:$0x1] =	stream.linear.gather [hbm4b:s15+s12], $0x80, $0x38;
	[tilespmem:$0x1C110] =	vst v63  }
0x27: {  	s16 =	rddreg [dreg:$0x11]  }
0x28: {  	[tilespmem:s26], [sflag:$0x1] =	stream.linear.gather [hbm4b:s16+s12], $0x80, $0x38;
	[tilespmem:$0x1C110] =	vst v63  }
0x29: {  	s15 =	rddreg [dreg:$0x12]  }
0x2a: {  	[tilespmem:s28], [sflag:$0x1] =	stream.linear.gather [hbm4b:s15+s12], $0x80, $0x38;
	[tilespmem:$0x1C110] =	vst v63  }
0x2b: {  	s16 =	rddreg [dreg:$0x13]  }
0x2c: {  	[tilespmem:s29], [sflag:$0x1] =	stream.linear.gather [hbm4b:s16+s12], $0x80, $0x38;
	[tilespmem:$0x1C110] =	vst v63  }
0x2d: {  	s14 =	sshrl.u32 @!p0 s8, $0x3;
	s15 =	simm.s32 @!p0 $0x1C82;
	s16 =	rddreg [dreg:$0x3]  }
0x2e: {  	[tilespmem:s30], [sflag:$0x1] =	stream.linear.gather [hbm4b:s20+s12], $0x80, $0x38;
	[tilespmem:$0x1C110] =	vst v63  }
0x2f: {  	[spmem:s14], [sflag:s15] =	dma.local @!p0 [hbm:s16], $0x3E80  }
0x30: {  	s14 =	simm.s32 @!p0 $0x2  }
0x31: {  	_ =	swait.ge @!p0 [sflag:s14], $0x3E80  }
0x32: {  	[sflag:s14] =	ssyncset.done @!p0 $0x0  }
0x33: {  	[sflag:s14] =	ssyncadd.s32 @!p0 $0xFFFFC180  }
0x34: {  	s15 =	simm.s32 @!p1 $0x1CC2;
	s14 =	sshrl.u32 @!p1 s11, $0x3;
	s16 =	rddreg [dreg:$0x4]  }
0x35: {  	[spmem:s14], [sflag:s15] =	dma.local @!p1 [hbm:s16], $0x20  }
0x36: {  	s14 =	simm.s32 @!p1 $0x2  }
0x37: {  	_ =	swait.ge @!p1 [sflag:s14], $0x20  }
0x38: {  	[sflag:s14] =	ssyncset.done @!p1 $0x0  }
0x39: {  	[sflag:s14] =	ssyncadd.s32 @!p1 $0xFFFFFFE0  }
0x3a: {  	s15 =	simm.s32 @!p2 $0x1D02;
	s14 =	sshrl.u32 @!p2 s9, $0x3;
	s16 =	rddreg [dreg:$0x5]  }
0x3b: {  	[spmem:s14], [sflag:s15] =	dma.local @!p2 [hbm:s16], $0x3E80  }
0x3c: {  	s14 =	simm.s32 @!p2 $0x2  }
0x3d: {  	_ =	swait.ge @!p2 [sflag:s14], $0x3E80  }
0x3e: {  	[sflag:s14] =	ssyncset.done @!p2 $0x0  }
0x3f: {  	[sflag:s14] =	ssyncadd.s32 @!p2 $0xFFFFC180  }
0x40: {  	s15 =	simm.s32 @!p3 $0x1C02;
	s14 =	sshrl.u32 @!p3 s6, $0x3;
	s16 =	rddreg [dreg:$0x1]  }
0x41: {  	[spmem:s14], [sflag:s15] =	dma.local @!p3 [hbm:s16], $0x3E80  }
0x42: {  	s14 =	simm.s32 @!p3 $0x2  }
0x43: {  	_ =	swait.ge @!p3 [sflag:s14], $0x3E80  }
0x44: {  	[sflag:s14] =	ssyncset.done @!p3 $0x0  }
0x45: {  	[sflag:s14] =	ssyncadd.s32 @!p3 $0xFFFFC180  }
0x46: {  	s15 =	simm.s32 @!p4 $0x1C42;
	s14 =	sshrl.u32 @!p4 s7, $0x3;
	s16 =	rddreg [dreg:$0x2]  }
0x47: {  	[spmem:s14], [sflag:s15] =	dma.local @!p4 [hbm:s16], $0x3E80  }
0x48: {  	s14 =	simm.s32 @!p4 $0x2  }
0x49: {  	_ =	swait.ge @!p4 [sflag:s14], $0x3E80  }
0x4a: {  	[sflag:s14] =	ssyncset.done @!p4 $0x0  }
0x4b: {  	[sflag:s14] =	ssyncadd.s32 @!p4 $0xFFFFC180  }
0x4c: {  	_ =	swait.ge [sflag:s31], $0x80  }
0x4d: {  	[sflag:s31] =	ssyncset.done $0x0  }
0x4e: {  	[sflag:s31] =	ssyncadd.s32 $0xFFFFFF80  }
0x4f: {  	_ =	swait.ge [sflag:s31], $0x80  }
0x50: {  	[sflag:s31] =	ssyncset.done $0x0  }
0x51: {  	[sflag:s31] =	ssyncadd.s32 $0xFFFFFF80  }
0x52: {  	_ =	swait.ge [sflag:s31], $0x80  }
0x53: {  	[sflag:s31] =	ssyncset.done $0x0  }
0x54: {  	[sflag:s31] =	ssyncadd.s32 $0xFFFFFF80  }
0x55: {  	_ =	swait.ge [sflag:s31], $0x80  }
0x56: {  	[sflag:s31] =	ssyncset.done $0x0  }
0x57: {  	[sflag:s31] =	ssyncadd.s32 $0xFFFFFF80  }
0x58: {  	_ =	swait.ge [sflag:s31], $0x80  }
0x59: {  	[sflag:s31] =	ssyncset.done $0x0  }
0x5a: {  	[sflag:s31] =	ssyncadd.s32 $0xFFFFFF80  }
0x5b: {  	_ =	swait.ge [sflag:s31], $0x80  }
0x5c: {  	[sflag:s31] =	ssyncset.done $0x0  }
0x5d: {  	[sflag:s31] =	ssyncadd.s32 $0xFFFFFF80  }
0x5e: {  	_ =	swait.ge [sflag:s31], $0x80  }
0x5f: {  	[sflag:s31] =	ssyncset.done $0x0  }
0x60: {  	[sflag:s31] =	ssyncadd.s32 $0xFFFFFF80  }
0x61: {  	_ =	swait.ge [sflag:s31], $0x80  }
0x62: {  	[sflag:s31] =	ssyncset.done $0x0  }
0x63: {  	[sflag:s31] =	ssyncadd.s32 $0xFFFFFF80  }
0x64: {  	[bflag:$0x0] =	sbarrier.arrive $0xFFFF  }
0x65: {  	[tilespmem:s10], [sflag:$0x1] =	stream.indirect.gather [spmem:s6], $0x80, s12, s5, $0xb8;
	[tilespmem:$0x1C110] =	vst v63  }
0x66: {  	_ = 	snop  }
0x67: {  	[tilespmem:s0], [sflag:$0x1] =	stream.indirect.gather [spmem:s7], $0x80, s17, s5, $0xb8;
	[tilespmem:$0x1C110] =	vst v63  }
0x68: {  	_ = 	snop  }
0x69: {  	[tilespmem:s1], [sflag:$0x1] =	stream.indirect.gather [spmem:s8], $0x80, s18, s5, $0xb8;
	[tilespmem:$0x1C110] =	vst v63  }
0x6a: {  	_ = 	snop  }
0x6b: {  	[tilespmem:s2], [sflag:$0x1] =	stream.indirect.gather [spmem:s11], $0x80, s19, s5, $0xb8;
	[tilespmem:$0x1C110] =	vst v63  }
0x6c: {  	_ = 	snop  }
0x6d: {  	[tilespmem:s3], [sflag:$0x1] =	stream.indirect.gather [spmem:s9], $0x80, s26, s5, $0xb8;
	[tilespmem:$0x1C110] =	vst v63  }
0x6e: {  	_ = 	snop  }
0x6f: {  	[tilespmem:s4], [sflag:$0x1] =	stream.indirect.gather [spmem:s9], $0x80, s28, s5, $0xb8;
	[tilespmem:$0x1C110] =	vst v63  }
0x70: {  	_ = 	snop  }
0x71: {  	[tilespmem:s23], [sflag:$0x1] =	stream.indirect.gather [spmem:s9], $0x80, s29, s5, $0xb8;
	[tilespmem:$0x1C110] =	vst v63  }
0x72: {  	_ = 	snop  }
0x73: {  	[tilespmem:s24], [sflag:$0x1] =	stream.indirect.gather [spmem:s9], $0x80, s30, s5, $0xb8;
	[tilespmem:$0x1C110] =	vst v63  }
0x74: {  	_ =	swait.ge [sflag:s31], $0x2000  }
0x75: {  	[sflag:s31] =	ssyncset.done $0x0  }
0x76: {  	[sflag:s31] =	ssyncadd.s32 $0xFFFFE000  }
0x77: {  	_ =	swait.ge [sflag:s31], $0x2000  }
0x78: {  	[sflag:s31] =	ssyncset.done $0x0  }
0x79: {  	[sflag:s31] =	ssyncadd.s32 $0xFFFFE000  }
0x7a: {  	_ =	swait.ge [sflag:s31], $0x2000  }
0x7b: {  	[sflag:s31] =	ssyncset.done $0x0  }
0x7c: {  	[sflag:s31] =	ssyncadd.s32 $0xFFFFE000  }
0x7d: {  	_ =	swait.ge [sflag:s31], $0x2000  }
0x7e: {  	[sflag:s31] =	ssyncset.done $0x0  }
0x7f: {  	[sflag:s31] =	ssyncadd.s32 $0xFFFFE000  }
0x80: {  	_ =	swait.ge [sflag:s31], $0x2000  }
0x81: {  	[sflag:s31] =	ssyncset.done $0x0  }
0x82: {  	[sflag:s31] =	ssyncadd.s32 $0xFFFFE000  }
0x83: {  	_ =	swait.ge [sflag:s31], $0x2000  }
0x84: {  	[sflag:s31] =	ssyncset.done $0x0  }
0x85: {  	[sflag:s31] =	ssyncadd.s32 $0xFFFFE000  }
0x86: {  	_ =	swait.ge [sflag:s31], $0x2000  }
0x87: {  	[sflag:s31] =	ssyncset.done $0x0  }
0x88: {  	[sflag:s31] =	ssyncadd.s32 $0xFFFFE000  }
0x89: {  	_ =	swait.ge [sflag:s31], $0x2000  }
0x8a: {  	[sflag:s31] =	ssyncset.done $0x0  }
0x8b: {  	s14 =	simm.s32 $0x0;
	[sflag:s31] =	ssyncadd.s32 $0xFFFFE000  }
0x8c: {  	v0 =	vld [tilespmem:s14+$0xC470]  }
0x8d: {  	v1 =	vld [tilespmem:s14+$0x8470]  }
0x8e: {  	v2 =	vld [tilespmem:s14+$0xA470]  }
0x8f: {  	v3 =	vld [tilespmem:s14+$0x470]  }
0x90: {  	v4 =	vld [tilespmem:s14+$0x2470]  }
0x91: {  	v5 =	vld [tilespmem:s14+$0xE470]  }
0x92: {  	v6 =	vld [tilespmem:s14+$0x4470]  }
0x93: {  	v7 =	vld [tilespmem:s14+$0x8400]  }
0x94: {  	v8 =	vld [tilespmem:s14+$0xA400]  }
0x95: {  	v9 =	vld [tilespmem:s14+$0x8430]  }
0x96: {  	v10 =	vld [tilespmem:s14+$0x8440]  }
0x97: {  	v11 =	vld [tilespmem:s14+$0x8450]  }
0x98: {  	v12 =	vld [tilespmem:s14+$0x8460]  }
0x99: {  	v13 =	vld [tilespmem:s14+$0xA460]  }
0x9a: {  	v14 =	vld [tilespmem:s14+$0xC400]  }
0x9b: {  	v15 =	vld [tilespmem:s14+$0x400]  }
0x9c: {  	v16 =	vld [tilespmem:s14+$0x2400]  }
0x9d: {  	v17 =	vld [tilespmem:s14+$0xC410]  }
0x9e: {  	v18 =	vld [tilespmem:s14+$0x410]  }
0x9f: {  	v19 =	vld [tilespmem:s14+$0x2410]  }
0xa0: {  	v20 =	vld [tilespmem:s14+$0xC420]  }
0xa1: {  	v21 =	vld [tilespmem:s14+$0x420]  }
0xa2: {  	v22 =	vld [tilespmem:s14+$0x2420]  }
0xa3: {  	v23 =	vld [tilespmem:s14+$0xC430]  }
0xa4: {  	v24 =	vld [tilespmem:s14+$0x430]  }
0xa5: {  	v25 =	vld [tilespmem:s14+$0x2430]  }
0xa6: {  	v26 =	vld [tilespmem:s14+$0xC440]  }
0xa7: {  	v27 =	vld [tilespmem:s14+$0x440]  }
0xa8: {  	v28 =	vld [tilespmem:s14+$0x2440];
	v1 =	vadd.f32 v2, v1  }
0xa9: {  	v2 =	vld [tilespmem:s14+$0x6470]  }
0xaa: {  	v0 =	vadd.f32 v0, v1;
	v1 =	vmax.f32 v3, $0.0e+00;
	v3 =	vmax.f32 v4, $0.0e+00;
	v4 =	vld [tilespmem:s14+$0x8410]  }
0xab: {  	v1 =	vadd.f32 v3, v1;
	v3 =	vld [tilespmem:s14+$0xA410]  }
0xac: {  	v0 =	vadd.f32 v5, v0;
	v5 =	vmax.f32 v6, $0.0e+00;
	v6 =	vld [tilespmem:s14+$0x8420]  }
0xad: {  	v1 =	vadd.f32 v5, v1;
	v5 =	vld [tilespmem:s14+$0xA420]  }
0xae: {  	v62 =	vld [tilespmem:s14+$0xE420];
	v2 =	vmax.f32 v2, $0.0e+00;
	v0 =	vmul.f32 $2.500000000e-01, v0  }
0xaf: {  	v7 =	vadd.f32 v8, v7;
	v8 =	vld [tilespmem:s14+$0xC450];
	v1 =	vadd.f32 v2, v1  }
0xb0: {  	v2 =	vld [tilespmem:s14+$0xA430];
	v0 =	vmax.f32 v0, $0.0e+00  }
0xb1: {  	v0 =	vadd.f32 v1, v0;
	v1 =	vld [tilespmem:s14+$0xA440]  }
0xb2: {  	v3 =	vadd.f32 v3, v4;
	v4 =	vadd.f32 v5, v6;
	v5 =	vld [tilespmem:s14+$0x450]  }
0xb3: {  	v7 =	vadd.f32 v14, v7;
	v6 =	vld [tilespmem:s14+$0x2450]  }
0xb4: {  	v14 =	vmax.f32 v19, $0.0e+00;
	v19 =	vmax.f32 v25, $0.0e+00;
	v3 =	vadd.f32 v17, v3;
	[tilespmem:s14+$0x10470] =	vst v0;
	v0 =	vld [tilespmem:s14+$0xA450]  }
0xb5: {  	v17 =	vmax.f32 v22, $0.0e+00;
	v2 =	vadd.f32 v2, v9;
	v9 =	vadd.f32 v13, v12;
	v13 =	vld [tilespmem:s14+$0x460]  }
0xb6: {  	v12 =	vmax.f32 v16, $0.0e+00;
	v4 =	vadd.f32 v20, v4;
	v16 =	vmax.f32 v21, $0.0e+00;
	v20 =	vld [tilespmem:s14+$0xE410]  }
0xb7: {  	v16 =	vadd.f32 v17, v16;
	v17 =	vmax.f32 v24, $0.0e+00;
	v1 =	vadd.f32 v1, v10;
	v10 =	vld [tilespmem:s14+$0xC460]  }
0xb8: {  	v17 =	vadd.f32 v19, v17;
	v19 =	vld [tilespmem:s14+$0x4410]  }
0xb9: {  	v61 =	vmax.f32 v28, $0.0e+00;
	v0 =	vadd.f32 v0, v11;
	v11 =	vmax.f32 v15, $0.0e+00;
	v15 =	vld [tilespmem:s14+$0x2460]  }
0xba: {  	v4 =	vadd.f32 v62, v4;
	v11 =	vadd.f32 v12, v11;
	v12 =	vmax.f32 v18, $0.0e+00;
	v18 =	vld [tilespmem:s14+$0x4400]  }
0xbb: {  	v60 =	vadd.f32 v26, v1;
	v1 =	vmax.f32 v27, $0.0e+00;
	v12 =	vadd.f32 v14, v12;
	v14 =	vld [tilespmem:s14+$0xE400]  }
0xbc: {  	v22 =	vadd.f32 v61, v1;
	v1 =	vmax.f32 v5, $0.0e+00;
	v5 =	vmax.f32 v6, $0.0e+00;
	v6 =	vld [tilespmem:s14+$0x4420]  }
0xbd: {  	v8 =	vadd.f32 v8, v0;
	v5 =	vadd.f32 v5, v1;
	v0 =	vld [tilespmem:s14+$0xE430]  }
0xbe: {  	v1 =	vmax.f32 v13, $0.0e+00;
	v13 =	vld [tilespmem:s14+$0x4430];
	v9 =	vadd.f32 v10, v9;
	v10 =	vmax.f32 v15, $0.0e+00  }
0xbf: {  	v15 =	vmax.f32 v19, $0.0e+00;
	v10 =	vadd.f32 v10, v1;
	v1 =	vmax.f32 v18, $0.0e+00;
	v18 =	vld [tilespmem:s14+$0xE450]  }
0xc0: {  	v15 =	vadd.f32 v15, v12;
	v12 =	vld [tilespmem:s14+$0x4450];
	v7 =	vadd.f32 v14, v7  }
0xc1: {  	v14 =	vld [tilespmem:s14+$0xE440];
	v11 =	vadd.f32 v1, v11;
	v1 =	vadd.f32 v20, v3  }
0xc2: {  	v2 =	vadd.f32 v23, v2;
	v3 =	vld [tilespmem:s14+$0x4440];
	v7 =	vmul.f32 $2.500000000e-01, v7  }
0xc3: {  	v4 =	vmul.f32 $2.500000000e-01, v4;
	v20 =	vld [tilespmem:s14+$0x4460];
	v1 =	vmul.f32 $2.500000000e-01, v1  }
0xc4: {  	v6 =	vmax.f32 v6, $0.0e+00;
	v2 =	vadd.f32 v0, v2;
	v19 =	vmax.f32 v7, $0.0e+00;
	v7 =	vld [tilespmem:s14+$0xE460]  }
0xc5: {  	v16 =	vadd.f32 v6, v16;
	v0 =	vmax.f32 v1, $0.0e+00;
	v8 =	vadd.f32 v18, v8;
	v18 =	vld [tilespmem:s14+$0x6420]  }
0xc6: {  	v1 =	vmax.f32 v13, $0.0e+00;
	v13 =	vmul.f32 $2.500000000e-01, v2;
	v6 =	vadd.f32 v14, v60;
	v14 =	vld [tilespmem:s14+$0x6400]  }
0xc7: {  	v2 =	vmax.f32 v4, $0.0e+00;
	v1 =	vadd.f32 v1, v17;
	v3 =	vmax.f32 v3, $0.0e+00;
	v17 =	vld [tilespmem:s14+$0x6410]  }
0xc8: {  	v63 =	vld [tilespmem:s14+$0x6430];
	v3 =	vadd.f32 v3, v22;
	v21 =	vmul.f32 $2.500000000e-01, v6;
	v6 =	vmax.f32 v12, $0.0e+00  }
0xc9: {  	v4 =	vmax.f32 v13, $0.0e+00;
	v6 =	vadd.f32 v6, v5;
	v5 =	vadd.f32 v7, v9  }
0xca: {  	v13 =	vld [tilespmem:s14+$0x6440];
	v9 =	vmul.f32 $2.500000000e-01, v8;
	v7 =	vmax.f32 v21, $0.0e+00;
	v8 =	vmax.f32 v20, $0.0e+00  }
0xcb: {  	v12 =	vld [tilespmem:s14+$0x6450];
	v18 =	vmax.f32 v18, $0.0e+00;
	v14 =	vmax.f32 v14, $0.0e+00;
	v8 =	vadd.f32 v8, v10  }
0xcc: {  	s15 =	simm.s32 $0x80;
	v10 =	vmul.f32 $2.500000000e-01, v5;
	v20 =	vadd.f32 v14, v11;
	v11 =	vmax.f32 v17, $0.0e+00;
	v14 =	vld [tilespmem:s14+$0x6460]  }
0xcd: {  	v16 =	vadd.f32 v18, v16;
	v18 =	vmax.f32 v63, $0.0e+00;
	v5 =	vld [tilespmem:s15+$0xC470];
	v15 =	vadd.f32 v11, v15  }
0xce: {  	s16 =	simm.s32 $0x400;
	v9 =	vmax.f32 v9, $0.0e+00;
	v11 =	vld [tilespmem:s15+$0x8470];
	v10 =	vmax.f32 v10, $0.0e+00;
	v17 =	vadd.f32 v20, v19  }
.LBB2_2:
0xcf: {  	p5 =	sne.s32 s16, $0x7E00;
	v19 =	vld [tilespmem:s15+$0xA470];
	v0 =	vadd.f32 v15, v0;
	v1 =	vadd.f32 v18, v1;
	v13 =	vmax.f32 v13, $0.0e+00  }
0xd0: {  	v15 =	vld [tilespmem:s15+$0x470];
	[tilespmem:s14+$0x10400] =	vst v17;
	v2 =	vadd.f32 v16, v2;
	v3 =	vadd.f32 v13, v3;
	v12 =	vmax.f32 v12, $0.0e+00  }
0xd1: {  	v13 =	vld [tilespmem:s15+$0x2470];
	[tilespmem:s14+$0x10410] =	vst v0;
	v0 =	vadd.f32 v1, v4;
	v1 =	vadd.f32 v12, v6;
	v4 =	vmax.f32 v14, $0.0e+00  }
0xd2: {  	v6 =	vld [tilespmem:s15+$0xE470];
	[tilespmem:s14+$0x10420] =	vst v2;
	v2 =	vadd.f32 v3, v7;
	v3 =	vadd.f32 v4, v8  }
0xd3: {  	v4 =	vld [tilespmem:s15+$0x4470];
	[tilespmem:s14+$0x10430] =	vst v0;
	v0 =	vadd.f32 v1, v9  }
0xd4: {  	v1 =	vld [tilespmem:s15+$0x8400];
	v7 =	vadd.f32 v19, v11;
	[tilespmem:s14+$0x10440] =	vst v2;
	v2 =	vadd.f32 v3, v10  }
0xd5: {  	v3 =	vld [tilespmem:s15+$0x6470];
	[tilespmem:s14+$0x10450] =	vst v0  }
0xd6: {  	v0 =	vld [tilespmem:s15+$0xA400];
	v5 =	vadd.f32 v5, v7;
	v7 =	vmax.f32 v15, $0.0e+00;
	v8 =	vmax.f32 v13, $0.0e+00;
	[tilespmem:s14+$0x10460] =	vst v2;
	s14 =	smov.u32 s15  }
0xd7: {  	v2 =	vld [tilespmem:s14+$0x8410];
	v7 =	vadd.f32 v8, v7  }
0xd8: {  	v8 =	vld [tilespmem:s14+$0xA410];
	v5 =	vadd.f32 v6, v5;
	v4 =	vmax.f32 v4, $0.0e+00  }
0xd9: {  	v6 =	vld [tilespmem:s14+$0x8420];
	v4 =	vadd.f32 v4, v7  }
0xda: {  	v7 =	vld [tilespmem:s14+$0xA420];
	v3 =	vmax.f32 v3, $0.0e+00;
	v5 =	vmul.f32 $2.500000000e-01, v5  }
0xdb: {  	v0 =	vadd.f32 v0, v1;
	v1 =	vld [tilespmem:s14+$0x8430];
	v3 =	vadd.f32 v3, v4  }
0xdc: {  	v4 =	vld [tilespmem:s14+$0xA430];
	v5 =	vmax.f32 v5, $0.0e+00  }
0xdd: {  	v2 =	vadd.f32 v8, v2;
	v8 =	vld [tilespmem:s14+$0x8440];
	v3 =	vadd.f32 v3, v5  }
0xde: {  	v5 =	vld [tilespmem:s14+$0xA440]  }
0xdf: {  	v6 =	vadd.f32 v7, v6;
	v7 =	vld [tilespmem:s14+$0x8450];
	[tilespmem:s14+$0x10470] =	vst v3  }
0xe0: {  	v3 =	vld [tilespmem:s14+$0xA450]  }
0xe1: {  	v1 =	vadd.f32 v4, v1;
	v4 =	vld [tilespmem:s14+$0x8460]  }
0xe2: {  	v9 =	vld [tilespmem:s14+$0xA460]  }
0xe3: {  	v10 =	vld [tilespmem:s14+$0xC400];
	v5 =	vadd.f32 v5, v8  }
0xe4: {  	v8 =	vld [tilespmem:s14+$0x400]  }
0xe5: {  	v11 =	vld [tilespmem:s14+$0x2400];
	v3 =	vadd.f32 v3, v7  }
0xe6: {  	v7 =	vld [tilespmem:s14+$0xC410]  }
0xe7: {  	v12 =	vld [tilespmem:s14+$0x410];
	v4 =	vadd.f32 v9, v4  }
0xe8: {  	v0 =	vadd.f32 v10, v0;
	v9 =	vld [tilespmem:s14+$0x2410]  }
0xe9: {  	v8 =	vmax.f32 v8, $0.0e+00;
	v10 =	vld [tilespmem:s14+$0xC420]  }
0xea: {  	v11 =	vmax.f32 v11, $0.0e+00;
	v13 =	vld [tilespmem:s14+$0x420]  }
0xeb: {  	v8 =	vadd.f32 v11, v8;
	v2 =	vadd.f32 v7, v2;
	v7 =	vld [tilespmem:s14+$0x2420]  }
0xec: {  	v11 =	vmax.f32 v12, $0.0e+00;
	v12 =	vld [tilespmem:s14+$0xC430]  }
0xed: {  	v9 =	vmax.f32 v9, $0.0e+00;
	v14 =	vld [tilespmem:s14+$0x430]  }
0xee: {  	v9 =	vadd.f32 v9, v11;
	v6 =	vadd.f32 v10, v6;
	v10 =	vld [tilespmem:s14+$0x2430]  }
0xef: {  	v11 =	vmax.f32 v13, $0.0e+00;
	v13 =	vld [tilespmem:s14+$0xC440]  }
0xf0: {  	v7 =	vmax.f32 v7, $0.0e+00;
	v15 =	vld [tilespmem:s14+$0x440]  }
0xf1: {  	v7 =	vadd.f32 v7, v11;
	v1 =	vadd.f32 v12, v1;
	v11 =	vld [tilespmem:s14+$0x2440]  }
0xf2: {  	v12 =	vmax.f32 v14, $0.0e+00;
	v14 =	vld [tilespmem:s14+$0xC450]  }
0xf3: {  	v10 =	vmax.f32 v10, $0.0e+00;
	v16 =	vld [tilespmem:s14+$0x450]  }
0xf4: {  	v10 =	vadd.f32 v10, v12;
	v5 =	vadd.f32 v13, v5;
	v12 =	vld [tilespmem:s14+$0x2450]  }
0xf5: {  	v13 =	vmax.f32 v15, $0.0e+00;
	v15 =	vld [tilespmem:s14+$0xC460]  }
0xf6: {  	v11 =	vmax.f32 v11, $0.0e+00;
	v17 =	vld [tilespmem:s14+$0x460]  }
0xf7: {  	v11 =	vadd.f32 v11, v13;
	v13 =	vadd.f32 v14, v3;
	v3 =	vld [tilespmem:s14+$0x2460]  }
0xf8: {  	v14 =	vld [tilespmem:s14+$0xE400];
	v16 =	vmax.f32 v16, $0.0e+00  }
0xf9: {  	v18 =	vld [tilespmem:s14+$0x4400];
	v12 =	vmax.f32 v12, $0.0e+00  }
0xfa: {  	v19 =	vld [tilespmem:s14+$0xE410];
	v12 =	vadd.f32 v12, v16;
	v15 =	vadd.f32 v15, v4  }
0xfb: {  	v4 =	vld [tilespmem:s14+$0x4410];
	v16 =	vmax.f32 v17, $0.0e+00  }
0xfc: {  	v17 =	vld [tilespmem:s14+$0xE420];
	v3 =	vmax.f32 v3, $0.0e+00  }
0xfd: {  	v0 =	vadd.f32 v14, v0;
	v14 =	vld [tilespmem:s14+$0x4420];
	v16 =	vadd.f32 v3, v16  }
0xfe: {  	v3 =	vmax.f32 v18, $0.0e+00;
	v18 =	vld [tilespmem:s14+$0xE430]  }
0xff: {  	v20 =	vadd.f32 v3, v8;
	v0 =	vmul.f32 $2.500000000e-01, v0;
	v2 =	vadd.f32 v19, v2;
	v3 =	vld [tilespmem:s14+$0x4430]  }
0x100: {  	v4 =	vmax.f32 v4, $0.0e+00;
	v8 =	vld [tilespmem:s14+$0xE440]  }
0x101: {  	v19 =	vadd.f32 v4, v9;
	v2 =	vmul.f32 $2.500000000e-01, v2;
	v4 =	vadd.f32 v17, v6;
	v6 =	vld [tilespmem:s14+$0x4440]  }
0x102: {  	v17 =	vmax.f32 v0, $0.0e+00;
	v0 =	vmax.f32 v14, $0.0e+00;
	v9 =	vld [tilespmem:s14+$0xE450]  }
0x103: {  	v21 =	vadd.f32 v0, v7;
	v4 =	vmul.f32 $2.500000000e-01, v4;
	v7 =	vadd.f32 v18, v1;
	v14 =	vld [tilespmem:s14+$0x4450]  }
0x104: {  	v0 =	vmax.f32 v2, $0.0e+00;
	v1 =	vmax.f32 v3, $0.0e+00;
	v18 =	vld [tilespmem:s14+$0xE460]  }
0x105: {  	v1 =	vadd.f32 v1, v10;
	v7 =	vmul.f32 $2.500000000e-01, v7;
	v5 =	vadd.f32 v8, v5;
	v8 =	vld [tilespmem:s14+$0x4460]  }
0x106: {  	v2 =	vmax.f32 v4, $0.0e+00;
	v10 =	vld [tilespmem:s14+$0x6400];
	v3 =	vmax.f32 v6, $0.0e+00  }
0x107: {  	v22 =	vld [tilespmem:s14+$0x6410];
	v3 =	vadd.f32 v3, v11;
	v5 =	vmul.f32 $2.500000000e-01, v5;
	v9 =	vadd.f32 v9, v13  }
0x108: {  	v4 =	vmax.f32 v7, $0.0e+00;
	v11 =	vld [tilespmem:s14+$0x6420];
	v6 =	vmax.f32 v14, $0.0e+00  }
0x109: {  	v23 =	vld [tilespmem:s14+$0x6430];
	v6 =	vadd.f32 v6, v12;
	v9 =	vmul.f32 $2.500000000e-01, v9;
	v14 =	vadd.f32 v18, v15  }
.Ltmp0:
0x10a: {  	v7 =	vmax.f32 v5, $0.0e+00;
	v13 =	vld [tilespmem:s14+$0x6440];
	v5 =	vmax.f32 v8, $0.0e+00;
	(pc) =	sbr.rel @p5 .LBB2_2-.Ltmp0, $4  }
0x10b: {  	v10 =	vmax.f32 v10, $0.0e+00;
	v12 =	vld [tilespmem:s14+$0x6450];
	v8 =	vadd.f32 v5, v16;
	v16 =	vmul.f32 $2.500000000e-01, v14  }
0x10c: {  	s15 =	sshra.s32 s16, $0x2;
	v9 =	vmax.f32 v9, $0.0e+00;
	v18 =	vadd.f32 v10, v20;
	v10 =	vmax.f32 v22, $0.0e+00;
	v14 =	vld [tilespmem:s14+$0x6460]  }
0x10d: {  	v5 =	vld [tilespmem:s15+$0xC470];
	v15 =	vadd.f32 v10, v19;
	v19 =	vmax.f32 v11, $0.0e+00;
	v10 =	vmax.f32 v16, $0.0e+00  }
0x10e: {  	s16 =	sadd.s32 $0x200, s16;
	v11 =	vld [tilespmem:s15+$0x8470];
	v17 =	vadd.f32 v18, v17;
	v16 =	vadd.f32 v19, v21;
	v18 =	vmax.f32 v23, $0.0e+00  }
0x10f: {  	v19 =	vld [tilespmem:s15+$0xA470];
	v0 =	vadd.f32 v15, v0;
	v1 =	vadd.f32 v18, v1  }
0x110: {  	v20 =	vld [tilespmem:s15+$0x470];
	[tilespmem:s14+$0x10400] =	vst v17;
	v2 =	vadd.f32 v16, v2  }
0x111: {  	v15 =	vld [tilespmem:s15+$0x2470];
	[tilespmem:s14+$0x10410] =	vst v0;
	v0 =	vmax.f32 v13, $0.0e+00;
	v1 =	vadd.f32 v1, v4  }
0x112: {  	v13 =	vld [tilespmem:s15+$0xE470];
	v0 =	vadd.f32 v0, v3;
	[tilespmem:s14+$0x10420] =	vst v2;
	v2 =	vmax.f32 v12, $0.0e+00  }
0x113: {  	v3 =	vld [tilespmem:s15+$0x4470];
	v2 =	vadd.f32 v2, v6;
	[tilespmem:s14+$0x10430] =	vst v1;
	v1 =	vmax.f32 v14, $0.0e+00  }
0x114: {  	v0 =	vadd.f32 v0, v7;
	v1 =	vadd.f32 v1, v8  }
0x115: {  	v2 =	vadd.f32 v2, v9  }
0x116: {  	v4 =	vld [tilespmem:s15+$0x8400];
	[tilespmem:s14+$0x10440] =	vst v0;
	v1 =	vadd.f32 v1, v10  }
0x117: {  	v0 =	vld [tilespmem:s15+$0x6470];
	[tilespmem:s14+$0x10450] =	vst v2  }
0x118: {  	v6 =	vld [tilespmem:s15+$0xA400];
	[tilespmem:s14+$0x10460] =	vst v1  }
0x119: {  	v7 =	vld [tilespmem:s15+$0x8410]  }
0x11a: {  	v8 =	vld [tilespmem:s15+$0x8420]  }
0x11b: {  	v9 =	vld [tilespmem:s15+$0x8430]  }
0x11c: {  	v10 =	vld [tilespmem:s15+$0x8440]  }
0x11d: {  	v2 =	vadd.f32 v19, v11;
	v11 =	vld [tilespmem:s15+$0x8450]  }
0x11e: {  	v12 =	vld [tilespmem:s15+$0x8460]  }
0x11f: {  	v14 =	vld [tilespmem:s15+$0xC400]  }
0x120: {  	v1 =	vadd.f32 v5, v2;
	v5 =	vmax.f32 v15, $0.0e+00;
	v15 =	vld [tilespmem:s15+$0x400]  }
0x121: {  	v16 =	vld [tilespmem:s15+$0x2400]  }
0x122: {  	v17 =	vld [tilespmem:s15+$0xC410]  }
0x123: {  	v18 =	vld [tilespmem:s15+$0x410]  }
0x124: {  	v19 =	vld [tilespmem:s15+$0x2410]  }
0x125: {  	v2 =	vmax.f32 v20, $0.0e+00;
	v20 =	vld [tilespmem:s15+$0xC420]  }
0x126: {  	v21 =	vld [tilespmem:s15+$0x420]  }
0x127: {  	v22 =	vld [tilespmem:s15+$0x2420]  }
0x128: {  	v23 =	vld [tilespmem:s15+$0xC430]  }
0x129: {  	v24 =	vld [tilespmem:s15+$0x430]  }
0x12a: {  	v25 =	vld [tilespmem:s15+$0x2430]  }
0x12b: {  	v26 =	vld [tilespmem:s15+$0xC440]  }
0x12c: {  	v27 =	vld [tilespmem:s15+$0x440]  }
0x12d: {  	v28 =	vld [tilespmem:s15+$0x2440]  }
0x12e: {  	v29 =	vld [tilespmem:s15+$0xC450]  }
0x12f: {  	v49 =	vld [tilespmem:s15+$0xE420]  }
0x130: {  	v50 =	vld [tilespmem:s15+$0x4420]  }
0x131: {  	v51 =	vld [tilespmem:s15+$0xE430]  }
0x132: {  	v2 =	vadd.f32 v5, v2;
	v5 =	vld [tilespmem:s15+$0xA410]  }
0x133: {  	v3 =	vmax.f32 v3, $0.0e+00;
	v1 =	vadd.f32 v13, v1;
	v13 =	vld [tilespmem:s15+$0xA460]  }
0x134: {  	v2 =	vadd.f32 v3, v2;
	v3 =	vld [tilespmem:s15+$0xA420]  }
0x135: {  	v0 =	vmax.f32 v0, $0.0e+00;
	v1 =	vmul.f32 $2.500000000e-01, v1;
	v4 =	vadd.f32 v6, v4;
	v6 =	vld [tilespmem:s15+$0x450]  }
0x136: {  	v0 =	vadd.f32 v0, v2;
	v2 =	vld [tilespmem:s15+$0xA430]  }
0x137: {  	v1 =	vmax.f32 v1, $0.0e+00;
	v5 =	vadd.f32 v5, v7;
	v7 =	vld [tilespmem:s15+$0x2450]  }
0x138: {  	v0 =	vadd.f32 v0, v1;
	v1 =	vld [tilespmem:s15+$0xA440]  }
0x139: {  	v48 =	vmax.f32 v28, $0.0e+00;
	v3 =	vadd.f32 v3, v8;
	v8 =	vld [tilespmem:s15+$0xC460]  }
0x13a: {  	v4 =	vadd.f32 v14, v4;
	v14 =	vmax.f32 v19, $0.0e+00;
	v19 =	vmax.f32 v25, $0.0e+00;
	[tilespmem:s15+$0x10470] =	vst v0;
	v0 =	vld [tilespmem:s15+$0xA450]  }
0x13b: {  	v5 =	vadd.f32 v17, v5;
	v17 =	vld [tilespmem:s15+$0x4400];
	v6 =	vmax.f32 v6, $0.0e+00;
	v2 =	vadd.f32 v2, v9  }
0x13c: {  	v9 =	vadd.f32 v13, v12;
	v12 =	vld [tilespmem:s15+$0x460];
	v13 =	vmax.f32 v18, $0.0e+00;
	v3 =	vadd.f32 v20, v3  }
0x13d: {  	v18 =	vmax.f32 v24, $0.0e+00;
	v20 =	vld [tilespmem:s15+$0x4410];
	v13 =	vadd.f32 v14, v13;
	v7 =	vmax.f32 v7, $0.0e+00  }
0x13e: {  	v1 =	vadd.f32 v1, v10;
	v10 =	vmax.f32 v15, $0.0e+00;
	v15 =	vld [tilespmem:s15+$0xE400];
	v6 =	vadd.f32 v7, v6  }
0x13f: {  	v7 =	vadd.f32 v8, v9;
	v8 =	vld [tilespmem:s15+$0x4430];
	v0 =	vadd.f32 v0, v11;
	v11 =	vmax.f32 v16, $0.0e+00  }
0x140: {  	v14 =	vmax.f32 v21, $0.0e+00;
	v16 =	vmax.f32 v22, $0.0e+00;
	v10 =	vadd.f32 v11, v10;
	v11 =	vld [tilespmem:s15+$0x2460]  }
0x141: {  	v18 =	vadd.f32 v19, v18;
	v19 =	vmax.f32 v27, $0.0e+00;
	v14 =	vadd.f32 v16, v14;
	v16 =	vld [tilespmem:s15+$0xE410]  }
0x142: {  	v2 =	vadd.f32 v23, v2;
	v19 =	vadd.f32 v48, v19;
	v9 =	vmax.f32 v12, $0.0e+00;
	v12 =	vld [tilespmem:s15+$0xE440]  }
0x143: {  	v3 =	vadd.f32 v49, v3;
	v4 =	vadd.f32 v15, v4;
	v15 =	vmax.f32 v17, $0.0e+00;
	v17 =	vld [tilespmem:s15+$0xE450]  }
0x144: {  	v1 =	vadd.f32 v26, v1;
	v10 =	vadd.f32 v15, v10;
	v15 =	vld [tilespmem:s15+$0x4450];
	v8 =	vmax.f32 v8, $0.0e+00  }
0x145: {  	v2 =	vadd.f32 v51, v2;
	v3 =	vmul.f32 $2.500000000e-01, v3;
	v8 =	vadd.f32 v8, v18;
	v18 =	vld [tilespmem:s15+$0x6400]  }
0x146: {  	v0 =	vadd.f32 v29, v0;
	v5 =	vadd.f32 v16, v5;
	v16 =	vmax.f32 v20, $0.0e+00;
	v20 =	vld [tilespmem:s15+$0xE460]  }
0x147: {  	v4 =	vmul.f32 $2.500000000e-01, v4;
	v11 =	vmax.f32 v11, $0.0e+00;
	v1 =	vadd.f32 v12, v1;
	v12 =	vld [tilespmem:s15+$0x6410]  }
0x148: {  	v9 =	vadd.f32 v11, v9;
	v11 =	vld [tilespmem:s15+$0x4440];
	v13 =	vadd.f32 v16, v13;
	v16 =	vmax.f32 v50, $0.0e+00  }
0x149: {  	v2 =	vmul.f32 $2.500000000e-01, v2;
	v5 =	vmul.f32 $2.500000000e-01, v5;
	v14 =	vadd.f32 v16, v14;
	v16 =	vld [tilespmem:s15+$0x4460]  }
0x14a: {  	v3 =	vmax.f32 v3, $0.0e+00;
	v4 =	vmax.f32 v4, $0.0e+00;
	v0 =	vadd.f32 v17, v0;
	v17 =	vld [tilespmem:s15+$0x6420]  }
0x14b: {  	v1 =	vmul.f32 $2.500000000e-01, v1;
	v15 =	vmax.f32 v15, $0.0e+00;
	v5 =	vmax.f32 v5, $0.0e+00  }
0x14c: {  	v6 =	vadd.f32 v15, v6;
	v0 =	vmul.f32 $2.500000000e-01, v0;
	v15 =	vld [tilespmem:s15+$0x6440];
	v18 =	vmax.f32 v18, $0.0e+00  }
0x14d: {  	v7 =	vadd.f32 v20, v7;
	v20 =	vld [tilespmem:s15+$0x6450];
	v10 =	vadd.f32 v18, v10;
	v11 =	vmax.f32 v11, $0.0e+00  }
0x14e: {  	v12 =	vmax.f32 v12, $0.0e+00;
	v11 =	vadd.f32 v11, v19;
	v19 =	vld [tilespmem:s15+$0x6430];
	v16 =	vmax.f32 v16, $0.0e+00  }
0x14f: {  	v12 =	vadd.f32 v12, v13;
	v13 =	vmax.f32 v17, $0.0e+00;
	v9 =	vadd.f32 v16, v9;
	v16 =	vld [tilespmem:s15+$0x6460]  }
0x150: {  	v1 =	vmax.f32 v1, $0.0e+00;
	v4 =	vadd.f32 v10, v4;
	v10 =	vadd.f32 v13, v14  }
0x151: {  	v0 =	vmax.f32 v0, $0.0e+00;
	v5 =	vadd.f32 v12, v5;
	v12 =	vmax.f32 v15, $0.0e+00  }
0x152: {  	[tilespmem:s15+$0x10400] =	vst v4;
	v3 =	vadd.f32 v10, v3;
	v4 =	vadd.f32 v12, v11;
	v10 =	vmax.f32 v20, $0.0e+00  }
0x153: {  	v7 =	vmul.f32 $2.500000000e-01, v7;
	[tilespmem:s15+$0x10410] =	vst v5;
	v5 =	vadd.f32 v10, v6;
	v13 =	vmax.f32 v19, $0.0e+00  }
0x154: {  	v1 =	vadd.f32 v4, v1;
	v8 =	vadd.f32 v13, v8;
	v6 =	vmax.f32 v16, $0.0e+00  }
0x155: {  	v2 =	vmax.f32 v2, $0.0e+00;
	[tilespmem:s15+$0x10420] =	vst v3;
	v0 =	vadd.f32 v5, v0;
	v3 =	vadd.f32 v6, v9  }
0x156: {  	v4 =	vmax.f32 v7, $0.0e+00;
	[tilespmem:s15+$0x10440] =	vst v1;
	v2 =	vadd.f32 v8, v2  }
0x157: {  	[tilespmem:s15+$0x10450] =	vst v0;
	v1 =	vadd.f32 v3, v4  }
0x158: {  	[tilespmem:s15+$0x10430] =	vst v2  }
0x159: {  	[tilespmem:s15+$0x10460] =	vst v1  }
0x15a: {  	[tilespmem:s10], [sflag:$0x1] =	stream.indirect.gather [spmem:s6], $0x80, s5, s5, $0xb8;
	[tilespmem:$0x1C110] =	vst v63  }
0x15b: {  	s16 =	simm.s32 $0xC0  }
0x15c: {  	[tilespmem:s0], [sflag:$0x1] =	stream.indirect.gather [spmem:s7], $0x80, s16, s5, $0xb8;
	[tilespmem:$0x1C110] =	vst v63  }
0x15d: {  	s15 =	simm.s32 $0x140  }
0x15e: {  	[tilespmem:s1], [sflag:$0x1] =	stream.indirect.gather [spmem:s8], $0x80, s15, s5, $0xb8;
	[tilespmem:$0x1C110] =	vst v63  }
0x15f: {  	s16 =	simm.s32 $0x1C0  }
0x160: {  	[tilespmem:s2], [sflag:$0x1] =	stream.indirect.gather [spmem:s11], $0x80, s16, s5, $0xb8;
	[tilespmem:$0x1C110] =	vst v63  }
0x161: {  	s15 =	simm.s32 $0x240  }
0x162: {  	[tilespmem:s3], [sflag:$0x1] =	stream.indirect.gather [spmem:s9], $0x80, s15, s5, $0xb8;
	[tilespmem:$0x1C110] =	vst v63  }
0x163: {  	s16 =	simm.s32 $0x2C0  }
0x164: {  	[tilespmem:s4], [sflag:$0x1] =	stream.indirect.gather [spmem:s9], $0x80, s16, s5, $0xb8;
	[tilespmem:$0x1C110] =	vst v63  }
0x165: {  	s15 =	simm.s32 $0x340  }
0x166: {  	[tilespmem:s23], [sflag:$0x1] =	stream.indirect.gather [spmem:s9], $0x80, s15, s5, $0xb8;
	[tilespmem:$0x1C110] =	vst v63  }
0x167: {  	s16 =	simm.s32 $0x3C0  }
0x168: {  	[tilespmem:s24], [sflag:$0x1] =	stream.indirect.gather [spmem:s9], $0x80, s16, s5, $0xb8;
	[tilespmem:$0x1C110] =	vst v63  }
0x169: {  	_ =	swait.ge [sflag:s31], $0x2000  }
0x16a: {  	[sflag:s31] =	ssyncset.done $0x0  }
0x16b: {  	[sflag:s31] =	ssyncadd.s32 $0xFFFFE000  }
0x16c: {  	_ =	swait.ge [sflag:s31], $0x2000  }
0x16d: {  	[sflag:s31] =	ssyncset.done $0x0  }
0x16e: {  	[sflag:s31] =	ssyncadd.s32 $0xFFFFE000  }
0x16f: {  	_ =	swait.ge [sflag:s31], $0x2000  }
0x170: {  	[sflag:s31] =	ssyncset.done $0x0  }
0x171: {  	[sflag:s31] =	ssyncadd.s32 $0xFFFFE000  }
0x172: {  	_ =	swait.ge [sflag:s31], $0x2000  }
0x173: {  	[sflag:s31] =	ssyncset.done $0x0  }
0x174: {  	[sflag:s31] =	ssyncadd.s32 $0xFFFFE000  }
0x175: {  	_ =	swait.ge [sflag:s31], $0x2000  }
0x176: {  	[sflag:s31] =	ssyncset.done $0x0  }
0x177: {  	[sflag:s31] =	ssyncadd.s32 $0xFFFFE000  }
0x178: {  	_ =	swait.ge [sflag:s31], $0x2000  }
0x179: {  	[sflag:s31] =	ssyncset.done $0x0  }
0x17a: {  	[sflag:s31] =	ssyncadd.s32 $0xFFFFE000  }
0x17b: {  	_ =	swait.ge [sflag:s31], $0x2000  }
0x17c: {  	[sflag:s31] =	ssyncset.done $0x0  }
0x17d: {  	[sflag:s31] =	ssyncadd.s32 $0xFFFFE000  }
0x17e: {  	_ =	swait.ge [sflag:s31], $0x2000  }
0x17f: {  	[sflag:s31] =	ssyncset.done $0x0  }
0x180: {  	s14 =	simm.s32 $0x0;
	[sflag:s31] =	ssyncadd.s32 $0xFFFFE000  }
0x181: {  	v0 =	vld [tilespmem:s14+$0xC470]  }
0x182: {  	v1 =	vld [tilespmem:s14+$0x8470]  }
0x183: {  	v2 =	vld [tilespmem:s14+$0xA470]  }
0x184: {  	v3 =	vld [tilespmem:s14+$0x470]  }
0x185: {  	v4 =	vld [tilespmem:s14+$0x2470]  }
0x186: {  	v5 =	vld [tilespmem:s14+$0xE470]  }
0x187: {  	v6 =	vld [tilespmem:s14+$0x4470]  }
0x188: {  	v7 =	vld [tilespmem:s14+$0x8400]  }
0x189: {  	v8 =	vld [tilespmem:s14+$0xA400]  }
0x18a: {  	v9 =	vld [tilespmem:s14+$0x8430]  }
0x18b: {  	v10 =	vld [tilespmem:s14+$0x8440]  }
0x18c: {  	v11 =	vld [tilespmem:s14+$0x8450]  }
0x18d: {  	v12 =	vld [tilespmem:s14+$0x8460]  }
0x18e: {  	v13 =	vld [tilespmem:s14+$0xA460]  }
0x18f: {  	v14 =	vld [tilespmem:s14+$0xC400]  }
0x190: {  	v15 =	vld [tilespmem:s14+$0x400]  }
0x191: {  	v16 =	vld [tilespmem:s14+$0x2400]  }
0x192: {  	v17 =	vld [tilespmem:s14+$0xC410]  }
0x193: {  	v18 =	vld [tilespmem:s14+$0x410]  }
0x194: {  	v19 =	vld [tilespmem:s14+$0x2410]  }
0x195: {  	v20 =	vld [tilespmem:s14+$0xC420]  }
0x196: {  	v52 =	vld [tilespmem:s14+$0x420]  }
0x197: {  	v53 =	vld [tilespmem:s14+$0x2420]  }
0x198: {  	v54 =	vld [tilespmem:s14+$0xC430]  }
0x199: {  	v55 =	vld [tilespmem:s14+$0x430]  }
0x19a: {  	v56 =	vld [tilespmem:s14+$0x2430]  }
0x19b: {  	v57 =	vld [tilespmem:s14+$0xC440]  }
0x19c: {  	v58 =	vld [tilespmem:s14+$0x440]  }
0x19d: {  	v59 =	vld [tilespmem:s14+$0x2440];
	v1 =	vadd.f32 v2, v1  }
0x19e: {  	v2 =	vld [tilespmem:s14+$0x6470]  }
0x19f: {  	v0 =	vadd.f32 v0, v1;
	v1 =	vmax.f32 v3, $0.0e+00;
	v3 =	vmax.f32 v4, $0.0e+00;
	v4 =	vld [tilespmem:s14+$0x8410]  }
0x1a0: {  	v1 =	vadd.f32 v3, v1;
	v3 =	vld [tilespmem:s14+$0xA410]  }
0x1a1: {  	v0 =	vadd.f32 v5, v0;
	v5 =	vmax.f32 v6, $0.0e+00;
	v6 =	vld [tilespmem:s14+$0x8420]  }
0x1a2: {  	v1 =	vadd.f32 v5, v1;
	v5 =	vld [tilespmem:s14+$0xA420]  }
0x1a3: {  	v62 =	vld [tilespmem:s14+$0xE420];
	v2 =	vmax.f32 v2, $0.0e+00;
	v0 =	vmul.f32 $2.500000000e-01, v0  }
0x1a4: {  	v7 =	vadd.f32 v8, v7;
	v8 =	vld [tilespmem:s14+$0xC450];
	v1 =	vadd.f32 v2, v1  }
0x1a5: {  	v2 =	vld [tilespmem:s14+$0xA430];
	v0 =	vmax.f32 v0, $0.0e+00  }
0x1a6: {  	v0 =	vadd.f32 v1, v0;
	v1 =	vld [tilespmem:s14+$0xA440]  }
0x1a7: {  	v3 =	vadd.f32 v3, v4;
	v4 =	vadd.f32 v5, v6;
	v5 =	vld [tilespmem:s14+$0x450]  }
0x1a8: {  	v7 =	vadd.f32 v14, v7;
	v6 =	vld [tilespmem:s14+$0x2450]  }
0x1a9: {  	v14 =	vmax.f32 v19, $0.0e+00;
	v19 =	vmax.f32 v56, $0.0e+00;
	v3 =	vadd.f32 v17, v3;
	[tilespmem:s14+$0x12470] =	vst v0;
	v0 =	vld [tilespmem:s14+$0xA450]  }
0x1aa: {  	v17 =	vmax.f32 v53, $0.0e+00;
	v2 =	vadd.f32 v2, v9;
	v9 =	vadd.f32 v13, v12;
	v13 =	vld [tilespmem:s14+$0x460]  }
0x1ab: {  	v12 =	vmax.f32 v16, $0.0e+00;
	v4 =	vadd.f32 v20, v4;
	v16 =	vmax.f32 v52, $0.0e+00;
	v20 =	vld [tilespmem:s14+$0xE410]  }
0x1ac: {  	v16 =	vadd.f32 v17, v16;
	v17 =	vmax.f32 v55, $0.0e+00;
	v1 =	vadd.f32 v1, v10;
	v10 =	vld [tilespmem:s14+$0xC460]  }
0x1ad: {  	v17 =	vadd.f32 v19, v17;
	v19 =	vld [tilespmem:s14+$0x4410]  }
0x1ae: {  	v61 =	vmax.f32 v59, $0.0e+00;
	v0 =	vadd.f32 v0, v11;
	v11 =	vmax.f32 v15, $0.0e+00;
	v15 =	vld [tilespmem:s14+$0x2460]  }
0x1af: {  	v4 =	vadd.f32 v62, v4;
	v11 =	vadd.f32 v12, v11;
	v12 =	vmax.f32 v18, $0.0e+00;
	v18 =	vld [tilespmem:s14+$0x4400]  }
0x1b0: {  	v60 =	vadd.f32 v57, v1;
	v1 =	vmax.f32 v58, $0.0e+00;
	v12 =	vadd.f32 v14, v12;
	v14 =	vld [tilespmem:s14+$0xE400]  }
0x1b1: {  	v22 =	vadd.f32 v61, v1;
	v1 =	vmax.f32 v5, $0.0e+00;
	v5 =	vmax.f32 v6, $0.0e+00;
	v6 =	vld [tilespmem:s14+$0x4420]  }
0x1b2: {  	v8 =	vadd.f32 v8, v0;
	v5 =	vadd.f32 v5, v1;
	v0 =	vld [tilespmem:s14+$0xE430]  }
0x1b3: {  	v1 =	vmax.f32 v13, $0.0e+00;
	v13 =	vld [tilespmem:s14+$0x4430];
	v9 =	vadd.f32 v10, v9;
	v10 =	vmax.f32 v15, $0.0e+00  }
0x1b4: {  	v15 =	vmax.f32 v19, $0.0e+00;
	v10 =	vadd.f32 v10, v1;
	v1 =	vmax.f32 v18, $0.0e+00;
	v18 =	vld [tilespmem:s14+$0xE450]  }
0x1b5: {  	v15 =	vadd.f32 v15, v12;
	v12 =	vld [tilespmem:s14+$0x4450];
	v7 =	vadd.f32 v14, v7  }
0x1b6: {  	v14 =	vld [tilespmem:s14+$0xE440];
	v11 =	vadd.f32 v1, v11;
	v1 =	vadd.f32 v20, v3  }
0x1b7: {  	v2 =	vadd.f32 v54, v2;
	v3 =	vld [tilespmem:s14+$0x4440];
	v7 =	vmul.f32 $2.500000000e-01, v7  }
0x1b8: {  	v4 =	vmul.f32 $2.500000000e-01, v4;
	v20 =	vld [tilespmem:s14+$0x4460];
	v1 =	vmul.f32 $2.500000000e-01, v1  }
0x1b9: {  	v6 =	vmax.f32 v6, $0.0e+00;
	v2 =	vadd.f32 v0, v2;
	v19 =	vmax.f32 v7, $0.0e+00;
	v7 =	vld [tilespmem:s14+$0xE460]  }
0x1ba: {  	v16 =	vadd.f32 v6, v16;
	v0 =	vmax.f32 v1, $0.0e+00;
	v8 =	vadd.f32 v18, v8;
	v18 =	vld [tilespmem:s14+$0x6420]  }
0x1bb: {  	v1 =	vmax.f32 v13, $0.0e+00;
	v13 =	vmul.f32 $2.500000000e-01, v2;
	v6 =	vadd.f32 v14, v60;
	v14 =	vld [tilespmem:s14+$0x6400]  }
0x1bc: {  	v2 =	vmax.f32 v4, $0.0e+00;
	v1 =	vadd.f32 v1, v17;
	v3 =	vmax.f32 v3, $0.0e+00;
	v17 =	vld [tilespmem:s14+$0x6410]  }
0x1bd: {  	v63 =	vld [tilespmem:s14+$0x6430];
	v3 =	vadd.f32 v3, v22;
	v21 =	vmul.f32 $2.500000000e-01, v6;
	v6 =	vmax.f32 v12, $0.0e+00  }
0x1be: {  	v4 =	vmax.f32 v13, $0.0e+00;
	v6 =	vadd.f32 v6, v5;
	v5 =	vadd.f32 v7, v9  }
0x1bf: {  	v13 =	vld [tilespmem:s14+$0x6440];
	v9 =	vmul.f32 $2.500000000e-01, v8;
	v7 =	vmax.f32 v21, $0.0e+00;
	v8 =	vmax.f32 v20, $0.0e+00  }
0x1c0: {  	v12 =	vld [tilespmem:s14+$0x6450];
	v18 =	vmax.f32 v18, $0.0e+00;
	v14 =	vmax.f32 v14, $0.0e+00;
	v8 =	vadd.f32 v8, v10  }
0x1c1: {  	s15 =	simm.s32 $0x80;
	v10 =	vmul.f32 $2.500000000e-01, v5;
	v20 =	vadd.f32 v14, v11;
	v11 =	vmax.f32 v17, $0.0e+00;
	v14 =	vld [tilespmem:s14+$0x6460]  }
0x1c2: {  	v16 =	vadd.f32 v18, v16;
	v18 =	vmax.f32 v63, $0.0e+00;
	v5 =	vld [tilespmem:s15+$0xC470];
	v15 =	vadd.f32 v11, v15  }
0x1c3: {  	s16 =	simm.s32 $0x400;
	v9 =	vmax.f32 v9, $0.0e+00;
	v11 =	vld [tilespmem:s15+$0x8470];
	v10 =	vmax.f32 v10, $0.0e+00;
	v17 =	vadd.f32 v20, v19  }
.LBB2_4:
0x1c4: {  	p5 =	sne.s32 s16, $0x7E00;
	v19 =	vld [tilespmem:s15+$0xA470];
	v0 =	vadd.f32 v15, v0;
	v1 =	vadd.f32 v18, v1;
	v13 =	vmax.f32 v13, $0.0e+00  }
0x1c5: {  	v15 =	vld [tilespmem:s15+$0x470];
	[tilespmem:s14+$0x12400] =	vst v17;
	v2 =	vadd.f32 v16, v2;
	v3 =	vadd.f32 v13, v3;
	v12 =	vmax.f32 v12, $0.0e+00  }
0x1c6: {  	v13 =	vld [tilespmem:s15+$0x2470];
	[tilespmem:s14+$0x12410] =	vst v0;
	v0 =	vadd.f32 v1, v4;
	v1 =	vadd.f32 v12, v6;
	v4 =	vmax.f32 v14, $0.0e+00  }
0x1c7: {  	v6 =	vld [tilespmem:s15+$0xE470];
	[tilespmem:s14+$0x12420] =	vst v2;
	v2 =	vadd.f32 v3, v7;
	v3 =	vadd.f32 v4, v8  }
0x1c8: {  	v4 =	vld [tilespmem:s15+$0x4470];
	[tilespmem:s14+$0x12430] =	vst v0;
	v0 =	vadd.f32 v1, v9  }
0x1c9: {  	v1 =	vld [tilespmem:s15+$0x8400];
	v7 =	vadd.f32 v19, v11;
	[tilespmem:s14+$0x12440] =	vst v2;
	v2 =	vadd.f32 v3, v10  }
0x1ca: {  	v3 =	vld [tilespmem:s15+$0x6470];
	[tilespmem:s14+$0x12450] =	vst v0  }
0x1cb: {  	v0 =	vld [tilespmem:s15+$0xA400];
	v5 =	vadd.f32 v5, v7;
	v7 =	vmax.f32 v15, $0.0e+00;
	v8 =	vmax.f32 v13, $0.0e+00;
	[tilespmem:s14+$0x12460] =	vst v2;
	s14 =	smov.u32 s15  }
0x1cc: {  	v2 =	vld [tilespmem:s14+$0x8410];
	v7 =	vadd.f32 v8, v7  }
0x1cd: {  	v8 =	vld [tilespmem:s14+$0xA410];
	v5 =	vadd.f32 v6, v5;
	v4 =	vmax.f32 v4, $0.0e+00  }
0x1ce: {  	v6 =	vld [tilespmem:s14+$0x8420];
	v4 =	vadd.f32 v4, v7  }
0x1cf: {  	v7 =	vld [tilespmem:s14+$0xA420];
	v3 =	vmax.f32 v3, $0.0e+00;
	v5 =	vmul.f32 $2.500000000e-01, v5  }
0x1d0: {  	v0 =	vadd.f32 v0, v1;
	v1 =	vld [tilespmem:s14+$0x8430];
	v3 =	vadd.f32 v3, v4  }
0x1d1: {  	v4 =	vld [tilespmem:s14+$0xA430];
	v5 =	vmax.f32 v5, $0.0e+00  }
0x1d2: {  	v2 =	vadd.f32 v8, v2;
	v8 =	vld [tilespmem:s14+$0x8440];
	v3 =	vadd.f32 v3, v5  }
0x1d3: {  	v5 =	vld [tilespmem:s14+$0xA440]  }
0x1d4: {  	v6 =	vadd.f32 v7, v6;
	v7 =	vld [tilespmem:s14+$0x8450];
	[tilespmem:s14+$0x12470] =	vst v3  }
0x1d5: {  	v3 =	vld [tilespmem:s14+$0xA450]  }
0x1d6: {  	v1 =	vadd.f32 v4, v1;
	v4 =	vld [tilespmem:s14+$0x8460]  }
0x1d7: {  	v9 =	vld [tilespmem:s14+$0xA460]  }
0x1d8: {  	v10 =	vld [tilespmem:s14+$0xC400];
	v5 =	vadd.f32 v5, v8  }
0x1d9: {  	v8 =	vld [tilespmem:s14+$0x400]  }
0x1da: {  	v11 =	vld [tilespmem:s14+$0x2400];
	v3 =	vadd.f32 v3, v7  }
0x1db: {  	v7 =	vld [tilespmem:s14+$0xC410]  }
0x1dc: {  	v12 =	vld [tilespmem:s14+$0x410];
	v4 =	vadd.f32 v9, v4  }
0x1dd: {  	v0 =	vadd.f32 v10, v0;
	v9 =	vld [tilespmem:s14+$0x2410]  }
0x1de: {  	v8 =	vmax.f32 v8, $0.0e+00;
	v10 =	vld [tilespmem:s14+$0xC420]  }
0x1df: {  	v11 =	vmax.f32 v11, $0.0e+00;
	v13 =	vld [tilespmem:s14+$0x420]  }
0x1e0: {  	v8 =	vadd.f32 v11, v8;
	v2 =	vadd.f32 v7, v2;
	v7 =	vld [tilespmem:s14+$0x2420]  }
0x1e1: {  	v11 =	vmax.f32 v12, $0.0e+00;
	v12 =	vld [tilespmem:s14+$0xC430]  }
0x1e2: {  	v9 =	vmax.f32 v9, $0.0e+00;
	v14 =	vld [tilespmem:s14+$0x430]  }
0x1e3: {  	v9 =	vadd.f32 v9, v11;
	v6 =	vadd.f32 v10, v6;
	v10 =	vld [tilespmem:s14+$0x2430]  }
0x1e4: {  	v11 =	vmax.f32 v13, $0.0e+00;
	v13 =	vld [tilespmem:s14+$0xC440]  }
0x1e5: {  	v7 =	vmax.f32 v7, $0.0e+00;
	v15 =	vld [tilespmem:s14+$0x440]  }
0x1e6: {  	v7 =	vadd.f32 v7, v11;
	v1 =	vadd.f32 v12, v1;
	v11 =	vld [tilespmem:s14+$0x2440]  }
0x1e7: {  	v12 =	vmax.f32 v14, $0.0e+00;
	v14 =	vld [tilespmem:s14+$0xC450]  }
0x1e8: {  	v10 =	vmax.f32 v10, $0.0e+00;
	v16 =	vld [tilespmem:s14+$0x450]  }
0x1e9: {  	v10 =	vadd.f32 v10, v12;
	v5 =	vadd.f32 v13, v5;
	v12 =	vld [tilespmem:s14+$0x2450]  }
0x1ea: {  	v13 =	vmax.f32 v15, $0.0e+00;
	v15 =	vld [tilespmem:s14+$0xC460]  }
0x1eb: {  	v11 =	vmax.f32 v11, $0.0e+00;
	v17 =	vld [tilespmem:s14+$0x460]  }
0x1ec: {  	v11 =	vadd.f32 v11, v13;
	v13 =	vadd.f32 v14, v3;
	v3 =	vld [tilespmem:s14+$0x2460]  }
0x1ed: {  	v14 =	vld [tilespmem:s14+$0xE400];
	v16 =	vmax.f32 v16, $0.0e+00  }
0x1ee: {  	v18 =	vld [tilespmem:s14+$0x4400];
	v12 =	vmax.f32 v12, $0.0e+00  }
0x1ef: {  	v19 =	vld [tilespmem:s14+$0xE410];
	v12 =	vadd.f32 v12, v16;
	v15 =	vadd.f32 v15, v4  }
0x1f0: {  	v4 =	vld [tilespmem:s14+$0x4410];
	v16 =	vmax.f32 v17, $0.0e+00  }
0x1f1: {  	v17 =	vld [tilespmem:s14+$0xE420];
	v3 =	vmax.f32 v3, $0.0e+00  }
0x1f2: {  	v0 =	vadd.f32 v14, v0;
	v14 =	vld [tilespmem:s14+$0x4420];
	v16 =	vadd.f32 v3, v16  }
0x1f3: {  	v3 =	vmax.f32 v18, $0.0e+00;
	v18 =	vld [tilespmem:s14+$0xE430]  }
0x1f4: {  	v20 =	vadd.f32 v3, v8;
	v0 =	vmul.f32 $2.500000000e-01, v0;
	v2 =	vadd.f32 v19, v2;
	v3 =	vld [tilespmem:s14+$0x4430]  }
0x1f5: {  	v4 =	vmax.f32 v4, $0.0e+00;
	v8 =	vld [tilespmem:s14+$0xE440]  }
0x1f6: {  	v19 =	vadd.f32 v4, v9;
	v2 =	vmul.f32 $2.500000000e-01, v2;
	v4 =	vadd.f32 v17, v6;
	v6 =	vld [tilespmem:s14+$0x4440]  }
0x1f7: {  	v17 =	vmax.f32 v0, $0.0e+00;
	v0 =	vmax.f32 v14, $0.0e+00;
	v9 =	vld [tilespmem:s14+$0xE450]  }
0x1f8: {  	v21 =	vadd.f32 v0, v7;
	v4 =	vmul.f32 $2.500000000e-01, v4;
	v7 =	vadd.f32 v18, v1;
	v14 =	vld [tilespmem:s14+$0x4450]  }
0x1f9: {  	v0 =	vmax.f32 v2, $0.0e+00;
	v1 =	vmax.f32 v3, $0.0e+00;
	v18 =	vld [tilespmem:s14+$0xE460]  }
0x1fa: {  	v1 =	vadd.f32 v1, v10;
	v7 =	vmul.f32 $2.500000000e-01, v7;
	v5 =	vadd.f32 v8, v5;
	v8 =	vld [tilespmem:s14+$0x4460]  }
0x1fb: {  	v2 =	vmax.f32 v4, $0.0e+00;
	v10 =	vld [tilespmem:s14+$0x6400];
	v3 =	vmax.f32 v6, $0.0e+00  }
0x1fc: {  	v22 =	vld [tilespmem:s14+$0x6410];
	v3 =	vadd.f32 v3, v11;
	v5 =	vmul.f32 $2.500000000e-01, v5;
	v9 =	vadd.f32 v9, v13  }
0x1fd: {  	v4 =	vmax.f32 v7, $0.0e+00;
	v11 =	vld [tilespmem:s14+$0x6420];
	v6 =	vmax.f32 v14, $0.0e+00  }
0x1fe: {  	v23 =	vld [tilespmem:s14+$0x6430];
	v6 =	vadd.f32 v6, v12;
	v9 =	vmul.f32 $2.500000000e-01, v9;
	v14 =	vadd.f32 v18, v15  }
.Ltmp1:
0x1ff: {  	v7 =	vmax.f32 v5, $0.0e+00;
	v13 =	vld [tilespmem:s14+$0x6440];
	v5 =	vmax.f32 v8, $0.0e+00;
	(pc) =	sbr.rel @p5 .LBB2_4-.Ltmp1, $4  }
0x200: {  	v10 =	vmax.f32 v10, $0.0e+00;
	v12 =	vld [tilespmem:s14+$0x6450];
	v8 =	vadd.f32 v5, v16;
	v16 =	vmul.f32 $2.500000000e-01, v14  }
0x201: {  	s15 =	sshra.s32 s16, $0x2;
	v9 =	vmax.f32 v9, $0.0e+00;
	v18 =	vadd.f32 v10, v20;
	v10 =	vmax.f32 v22, $0.0e+00;
	v14 =	vld [tilespmem:s14+$0x6460]  }
0x202: {  	v5 =	vld [tilespmem:s15+$0xC470];
	v15 =	vadd.f32 v10, v19;
	v19 =	vmax.f32 v11, $0.0e+00;
	v10 =	vmax.f32 v16, $0.0e+00  }
0x203: {  	s16 =	sadd.s32 $0x200, s16;
	v11 =	vld [tilespmem:s15+$0x8470];
	v17 =	vadd.f32 v18, v17;
	v16 =	vadd.f32 v19, v21;
	v18 =	vmax.f32 v23, $0.0e+00  }
0x204: {  	v19 =	vld [tilespmem:s15+$0xA470];
	v0 =	vadd.f32 v15, v0;
	v1 =	vadd.f32 v18, v1  }
0x205: {  	v20 =	vld [tilespmem:s15+$0x470];
	v50 =	vmax.f32 v13, $0.0e+00;
	[tilespmem:s14+$0x12400] =	vst v17;
	v2 =	vadd.f32 v16, v2  }
0x206: {  	v52 =	vmax.f32 v12, $0.0e+00;
	v49 =	vld [tilespmem:s15+$0x2470];
	[tilespmem:s14+$0x12410] =	vst v0;
	v0 =	vadd.f32 v50, v3;
	v1 =	vadd.f32 v1, v4  }
0x207: {  	v54 =	vmax.f32 v14, $0.0e+00;
	v51 =	vld [tilespmem:s15+$0xE470];
	[tilespmem:s14+$0x12420] =	vst v2;
	v2 =	vadd.f32 v52, v6  }
0x208: {  	v53 =	vld [tilespmem:s15+$0x4470];
	v0 =	vadd.f32 v0, v7;
	[tilespmem:s14+$0x12430] =	vst v1;
	v1 =	vadd.f32 v54, v8  }
0x209: {  	v2 =	vadd.f32 v2, v9  }
0x20a: {  	v55 =	vld [tilespmem:s15+$0x8400];
	[tilespmem:s14+$0x12440] =	vst v0;
	v1 =	vadd.f32 v1, v10  }
0x20b: {  	v0 =	vld [tilespmem:s15+$0x6470];
	[tilespmem:s14+$0x12450] =	vst v2  }
0x20c: {  	v57 =	vld [tilespmem:s15+$0xA400];
	[tilespmem:s14+$0x12460] =	vst v1  }
0x20d: {  	v61 =	vld [tilespmem:s15+$0x8410]  }
0x20e: {  	v62 =	vld [tilespmem:s15+$0xA410]  }
0x20f: {  	v63 =	vld [tilespmem:s15+$0x8420]  }
0x210: {  	v32 =	vld [tilespmem:s15+$0xA420]  }
0x211: {  	v33 =	vld [tilespmem:s15+$0x8430]  }
0x212: {  	v34 =	vld [tilespmem:s15+$0xA430]  }
0x213: {  	v35 =	vld [tilespmem:s15+$0x8440]  }
0x214: {  	v36 =	vld [tilespmem:s15+$0xA440]  }
0x215: {  	v37 =	vld [tilespmem:s15+$0x8450]  }
0x216: {  	v38 =	vld [tilespmem:s15+$0xA450]  }
0x217: {  	v39 =	vld [tilespmem:s15+$0x8460]  }
0x218: {  	v40 =	vld [tilespmem:s15+$0xA460]  }
0x219: {  	v41 =	vld [tilespmem:s15+$0xC400]  }
0x21a: {  	v42 =	vld [tilespmem:s15+$0x400]  }
0x21b: {  	v43 =	vld [tilespmem:s15+$0x2400]  }
0x21c: {  	v17 =	vld [tilespmem:s15+$0xC410]  }
0x21d: {  	v44 =	vld [tilespmem:s15+$0x410]  }
0x21e: {  	v45 =	vld [tilespmem:s15+$0x2410]  }
0x21f: {  	v46 =	vld [tilespmem:s15+$0xC420]  }
0x220: {  	v21 =	vld [tilespmem:s15+$0x420]  }
0x221: {  	v22 =	vld [tilespmem:s15+$0x2420]  }
0x222: {  	v23 =	vld [tilespmem:s15+$0xC430]  }
0x223: {  	v24 =	vld [tilespmem:s15+$0x430]  }
0x224: {  	v25 =	vld [tilespmem:s15+$0x2430]  }
0x225: {  	v26 =	vld [tilespmem:s15+$0xC440]  }
0x226: {  	v27 =	vld [tilespmem:s15+$0x440]  }
0x227: {  	v56 =	vadd.f32 v19, v11;
	v28 =	vld [tilespmem:s15+$0x2440]  }
0x228: {  	v29 =	vld [tilespmem:s15+$0xC450]  }
0x229: {  	v59 =	vmax.f32 v20, $0.0e+00;
	v58 =	vadd.f32 v5, v56;
	v60 =	vmax.f32 v49, $0.0e+00;
	v47 =	vld [tilespmem:s15+$0x450]  }
0x22a: {  	v2 =	vadd.f32 v60, v59;
	v48 =	vld [tilespmem:s15+$0x2450]  }
0x22b: {  	v1 =	vadd.f32 v51, v58;
	v3 =	vmax.f32 v53, $0.0e+00;
	v49 =	vld [tilespmem:s15+$0xC460]  }
0x22c: {  	v51 =	vld [tilespmem:s15+$0x460];
	v2 =	vadd.f32 v3, v2  }
0x22d: {  	v54 =	vld [tilespmem:s15+$0x2460];
	v1 =	vmul.f32 $2.500000000e-01, v1;
	v0 =	vmax.f32 v0, $0.0e+00  }
0x22e: {  	v58 =	vld [tilespmem:s15+$0x4400];
	v0 =	vadd.f32 v0, v2;
	v4 =	vadd.f32 v57, v55  }
0x22f: {  	v30 =	vld [tilespmem:s15+$0x4420];
	v1 =	vmax.f32 v1, $0.0e+00;
	v5 =	vadd.f32 v62, v61;
	v3 =	vadd.f32 v32, v63  }
0x230: {  	v31 =	vld [tilespmem:s15+$0xE430];
	v2 =	vadd.f32 v34, v33;
	v50 =	vadd.f32 v40, v39;
	v52 =	vmax.f32 v42, $0.0e+00  }
0x231: {  	v57 =	vld [tilespmem:s15+$0xE400];
	v53 =	vmax.f32 v43, $0.0e+00;
	v55 =	vmax.f32 v44, $0.0e+00;
	v56 =	vmax.f32 v45, $0.0e+00  }
0x232: {  	v59 =	vmax.f32 v21, $0.0e+00;
	v60 =	vmax.f32 v22, $0.0e+00;
	v61 =	vld [tilespmem:s15+$0xE410];
	v62 =	vmax.f32 v24, $0.0e+00  }
0x233: {  	v63 =	vmax.f32 v25, $0.0e+00;
	v24 =	vld [tilespmem:s15+$0x4410];
	v27 =	vmax.f32 v27, $0.0e+00;
	v28 =	vmax.f32 v28, $0.0e+00  }
0x234: {  	v25 =	vld [tilespmem:s15+$0xE420];
	v6 =	vmax.f32 v47, $0.0e+00;
	v0 =	vadd.f32 v0, v1;
	v1 =	vadd.f32 v36, v35  }
0x235: {  	v7 =	vmax.f32 v48, $0.0e+00;
	v32 =	vld [tilespmem:s15+$0x4430];
	v4 =	vadd.f32 v41, v4;
	v11 =	vadd.f32 v53, v52  }
0x236: {  	v33 =	vmax.f32 v51, $0.0e+00;
	v39 =	vld [tilespmem:s15+$0xE450];
	v12 =	vadd.f32 v56, v55;
	v16 =	vadd.f32 v60, v59  }
0x237: {  	v34 =	vmax.f32 v54, $0.0e+00;
	v42 =	vld [tilespmem:s15+$0xE460];
	v21 =	vadd.f32 v28, v27;
	v6 =	vadd.f32 v7, v6  }
0x238: {  	v43 =	vld [tilespmem:s15+$0x4460];
	v9 =	vadd.f32 v34, v33;
	v5 =	vadd.f32 v17, v5  }
0x239: {  	v47 =	vld [tilespmem:s15+$0x6420];
	v3 =	vadd.f32 v46, v3;
	v2 =	vadd.f32 v23, v2  }
0x23a: {  	v48 =	vld [tilespmem:s15+$0x6430];
	v17 =	vadd.f32 v63, v62;
	v8 =	vadd.f32 v49, v50  }
0x23b: {  	v51 =	vld [tilespmem:s15+$0x6450];
	v36 =	vmax.f32 v58, $0.0e+00;
	[tilespmem:s15+$0x12470] =	vst v0;
	v0 =	vadd.f32 v38, v37;
	v1 =	vadd.f32 v26, v1  }
0x23c: {  	v44 =	vld [tilespmem:s15+$0x6400];
	v10 =	vadd.f32 v36, v11;
	v4 =	vadd.f32 v57, v4  }
0x23d: {  	v40 =	vmax.f32 v30, $0.0e+00;
	v35 =	vld [tilespmem:s15+$0xE440];
	v2 =	vadd.f32 v31, v2;
	v0 =	vadd.f32 v29, v0  }
0x23e: {  	v41 =	vld [tilespmem:s15+$0x4450];
	v5 =	vadd.f32 v61, v5;
	v38 =	vmax.f32 v24, $0.0e+00;
	v3 =	vadd.f32 v25, v3  }
0x23f: {  	v52 =	vld [tilespmem:s15+$0x6460];
	v7 =	vmax.f32 v32, $0.0e+00;
	v8 =	vadd.f32 v42, v8;
	v50 =	vmax.f32 v43, $0.0e+00  }
0x240: {  	v46 =	vld [tilespmem:s15+$0x6410];
	v53 =	vmax.f32 v47, $0.0e+00;
	v55 =	vmax.f32 v48, $0.0e+00;
	v58 =	vmax.f32 v51, $0.0e+00  }
0x241: {  	v49 =	vld [tilespmem:s15+$0x6440];
	v4 =	vmul.f32 $2.500000000e-01, v4;
	v11 =	vadd.f32 v38, v12;
	v12 =	vadd.f32 v40, v16  }
0x242: {  	v37 =	vld [tilespmem:s15+$0x4440];
	v7 =	vadd.f32 v7, v17;
	v2 =	vmul.f32 $2.500000000e-01, v2;
	v1 =	vadd.f32 v35, v1  }
0x243: {  	v18 =	vmax.f32 v41, $0.0e+00;
	v17 =	vmax.f32 v44, $0.0e+00;
	v9 =	vadd.f32 v50, v9  }
0x244: {  	v60 =	vmax.f32 v52, $0.0e+00;
	v5 =	vmul.f32 $2.500000000e-01, v5;
	v0 =	vadd.f32 v39, v0  }
0x245: {  	v3 =	vmul.f32 $2.500000000e-01, v3;
	v6 =	vadd.f32 v18, v6;
	v10 =	vadd.f32 v17, v10  }
0x246: {  	v14 =	vmax.f32 v46, $0.0e+00;
	v8 =	vmul.f32 $2.500000000e-01, v8;
	v56 =	vmax.f32 v49, $0.0e+00  }
0x247: {  	v4 =	vmax.f32 v4, $0.0e+00;
	v45 =	vmax.f32 v37, $0.0e+00;
	v1 =	vmul.f32 $2.500000000e-01, v1  }
0x248: {  	v2 =	vmax.f32 v2, $0.0e+00;
	v11 =	vadd.f32 v14, v11;
	v54 =	vadd.f32 v53, v12  }
0x249: {  	v7 =	vadd.f32 v55, v7;
	v5 =	vmax.f32 v5, $0.0e+00;
	v4 =	vadd.f32 v10, v4  }
0x24a: {  	v61 =	vadd.f32 v60, v9;
	v3 =	vmax.f32 v3, $0.0e+00;
	v5 =	vadd.f32 v11, v5  }
0x24b: {  	v13 =	vadd.f32 v45, v21;
	v0 =	vmul.f32 $2.500000000e-01, v0;
	v3 =	vadd.f32 v54, v3;
	[tilespmem:s15+$0x12400] =	vst v4  }
0x24c: {  	v59 =	vadd.f32 v58, v6;
	v62 =	vmax.f32 v8, $0.0e+00;
	v2 =	vadd.f32 v7, v2;
	[tilespmem:s15+$0x12410] =	vst v5  }
0x24d: {  	v63 =	vadd.f32 v61, v62;
	v57 =	vadd.f32 v56, v13;
	v0 =	vmax.f32 v0, $0.0e+00;
	[tilespmem:s15+$0x12420] =	vst v3  }
0x24e: {  	v1 =	vmax.f32 v1, $0.0e+00;
	[tilespmem:s15+$0x12430] =	vst v2;
	v0 =	vadd.f32 v59, v0  }
0x24f: {  	s13 =	sadd.s32 $0x1, s13;
	[tilespmem:s15+$0x12460] =	vst v63;
	v1 =	vadd.f32 v57, v1  }
0x250: {  	p5 =	sne.s32 s13, s22;
	[tilespmem:s15+$0x12450] =	vst v0  }
.Ltmp2:
0x251: {  	s16 =	simm.s32 $0x10400;
	[tilespmem:s15+$0x12440] =	vst v1;
	(pc) =	sbr.rel @p5 .LBB2_1-.Ltmp2, $4  }
0x252: {  	[hbm4b:s21+s12] =	stream.linear.scatter [tilespmem:s16], [sflag:$0x2], $0x4000, $0x38;
	[tilespmem:$0x1C110] =	vst v63  }
0x253: {  	_ =	swait.ge [sflag:s25], $0x4000  }
0x254: {  	[sflag:s25] =	ssyncset.done $0x0  }
0x255: {  	[sflag:s25] =	ssyncadd.s32 $0xFFFFC000  }
0x256: {  	_ =	sfence.sel $0x180000  }
0x257: {  	[bflag:$0x0] =	sbarrier.arrive $0xFFFF  }
0x258: {  	_ =	strace $0x90000047  }
0x259: {  	s0 =	stileid.u32;
	[bflag:$0x2] =	sbarrier.arrive $0xFFFF  }
0x25a: {  	p0 =	sne.s32 s0, $0x0;
	s0 =	rddreg [dreg:$0xc]  }
0x25b: {  	s0 =	sadd.s32 @!p0 $0x100000, s0  }
0x25c: {  	[sflag:s0] =	ssyncadd.tile.s32 @!p0 $0x1;
	_ =	shalt  }
.Lfunc_end2:
_tile_overlayer_lowered:
.L_overlay_start_2:
0x25d: {  	(tag) =	ssettag $0x2  }
0x25e: {  	s0 =	rddreg [dreg:$0x0];
	s2 =	stileid.u32  }
0x25f: {  	s1 =	rddreg [dreg:$0x1];
	p0 =	sne.s32 s2, $0x0  }
0x260: {  	s3 =	rddreg [dreg:$0x2];
	[bflag:$0x3] =	sbarrier.arrive $0xFFFF;
	s2 =	simm.s32 @!p0 $0x1C02  }
0x261: {  	[timem:s3], [sflag:s2] =	dma.local @!p0 [hbm:s0], s1  }
0x262: {  	s0 =	simm.s32 @!p0 $0x2  }
0x263: {  	_ =	swait.ge @!p0 [sflag:s0], s1  }
0x264: {  	s1 =	ssub.s32 @!p0 $0x0, s1;
	[sflag:s0] =	ssyncset.done @!p0 $0x0  }
0x265: {  	[sflag:s0] =	ssyncadd.s32 @!p0 s1  }
0x266: {  	[bflag:$0x3] =	sbarrier.arrive $0xFFFF  }
0x267: {  	_ =	shalt  }

</sc_bundles>
